<compile_context>
chip_gen: v7x
topology: tpu7x:2x2x1
jax: 0.10.2.dev20260603
libtpu: 0.0.44.dev20260713+nightly
codegen_flags: <defaults>
</compile_context>

<pallas_src>
import functools

import jax
import jax.numpy as jnp
from jax import lax
from jax.experimental import pallas as pl
from jax.experimental.pallas import tpu as pltpu
from jax.experimental.pallas import tpu_sc as plsc

N = 10000
D = 128
E = 320000
NC = 2
NS = 16
NW = NC * NS
CH = 80
DEG_ROWS = E // CH
DEG_TROWS = DEG_ROWS // NS
RPS = N // NS

ACH = 128
AROWS = 40
EPW = (E // 2) // NW
APAD = AROWS * ACH - EPW
NPAD = N + 16
NPS = NPAD // NS

_MESH = plsc.VectorSubcoreMesh(core_axis_name="c", subcore_axis_name="s")


def _deg_body(dsts_hbm, ones_hbm, zeros_hbm, deg_hbm, dv, ov, acc, sem):
    c = lax.axis_index("c")
    s = lax.axis_index("s")
    pltpu.sync_copy(ones_hbm, ov)
    pltpu.sync_copy(dsts_hbm.at[c, pl.ds(s * DEG_TROWS, DEG_TROWS)], dv)
    pltpu.sync_copy(zeros_hbm, acc.at[pl.ds(s * RPS, RPS)])
    plsc.subcore_barrier()

    def group(t, _):
        for j in range(10):
            pltpu.async_copy(ov, acc.at[dv.at[t * 10 + j]], sem, add=True)
        for j in range(10):
            pltpu.make_async_copy(ov, acc.at[dv.at[t * 10 + j]], sem).wait()
        return 0

    lax.fori_loop(0, DEG_TROWS // 10, group, 0)
    plsc.subcore_barrier()
    pltpu.sync_copy(acc.at[pl.ds(s * RPS, RPS)],
                    deg_hbm.at[c, pl.ds(s * RPS, RPS)])


_SC_PARAMS = pltpu.CompilerParams(use_tc_tiling_on_sc=False)

_deg_kernel = pl.kernel(
    _deg_body,
    out_type=jax.ShapeDtypeStruct((2, N, 16), jnp.float32),
    mesh=_MESH,
    compiler_params=_SC_PARAMS,
    scratch_types=[
        pltpu.VMEM((DEG_TROWS, CH), jnp.int32),
        pltpu.VMEM((CH, 16), jnp.float32),
        pltpu.VMEM_SHARED((N, 16), jnp.float32),
        pltpu.SemaphoreType.DMA,
    ],
)


def _agg_body(src_hbm, dst_hbm, g_hbm, out_hbm,
              si, di, rows0, rows1, acc, sem0, sem1):
    c = lax.axis_index("c")
    s = lax.axis_index("s")
    w = c * NS + s

    def _zr(r, _):
        for j in range(D // 16):
            rows0[r, pl.ds(j * 16, 16)] = jnp.zeros((16,), jnp.float32)
        return 0

    lax.fori_loop(0, ACH, _zr, 0)
    for t in range(4):
        pltpu.sync_copy(rows0, acc.at[pl.ds(s * NPS + t * ACH, ACH)])
    pltpu.sync_copy(rows0.at[pl.ds(0, NPS - 4 * ACH)],
                    acc.at[pl.ds(s * NPS + 4 * ACH, NPS - 4 * ACH)])
    pltpu.sync_copy(src_hbm.at[pl.ds(w * AROWS, AROWS)], si)
    pltpu.sync_copy(dst_hbm.at[pl.ds(w * AROWS, AROWS)], di)
    plsc.subcore_barrier()

    pltpu.async_copy(g_hbm.at[si.at[0]], rows0, sem0)

    def body(i, _):
        k = 2 * i
        pltpu.async_copy(g_hbm.at[si.at[k + 1]], rows1, sem1)
        pltpu.make_async_copy(g_hbm.at[si.at[k]], rows0, sem0).wait()
        pltpu.sync_copy(rows0, acc.at[di.at[k]], add=True)

        @pl.when(k + 2 < AROWS)
        def _fire():
            pltpu.async_copy(g_hbm.at[si.at[k + 2]], rows0, sem0)

        pltpu.make_async_copy(g_hbm.at[si.at[k + 1]], rows1, sem1).wait()
        pltpu.sync_copy(rows1, acc.at[di.at[k + 1]], add=True)
        return 0

    lax.fori_loop(0, AROWS // 2, body, 0)
    plsc.subcore_barrier()
    pltpu.sync_copy(acc.at[pl.ds(s * NPS, NPS)],
                    out_hbm.at[c, pl.ds(s * NPS, NPS)])


_agg_kernel = pl.kernel(
    _agg_body,
    out_type=jax.ShapeDtypeStruct((2, NPAD, D), jnp.float32),
    mesh=_MESH,
    compiler_params=_SC_PARAMS,
    scratch_types=[
        pltpu.VMEM((AROWS, ACH), jnp.int32),
        pltpu.VMEM((AROWS, ACH), jnp.int32),
        pltpu.VMEM((ACH, D), jnp.float32),
        pltpu.VMEM((ACH, D), jnp.float32),
        pltpu.VMEM_SHARED((NPAD, D), jnp.float32),
        pltpu.SemaphoreType.DMA,
        pltpu.SemaphoreType.DMA,
    ],
)


R = 1000


def _tc_b_body(x_ref, w_ref, deg_ref, g_ref):
    h = jnp.dot(x_ref[...], w_ref[...], preferred_element_type=jnp.float32)
    dis = lax.rsqrt(deg_ref[:, 0:1] + 1.0)
    g_ref[...] = dis * h


def _tc_d_body(pa_ref, pb_ref, g0_ref, deg0_ref, b0_ref, w1_ref, deg1_ref,
               g1_ref):
    ssum = (pa_ref[0] + pa_ref[1]) + (pb_ref[0] + pb_ref[1]) + g0_ref[...]
    dis0 = lax.rsqrt(deg0_ref[:, 0:1] + 1.0)
    a = jnp.maximum(dis0 * ssum + b0_ref[...], 0.0)
    h1 = jnp.dot(a, w1_ref[...], preferred_element_type=jnp.float32)
    dis1 = lax.rsqrt(deg1_ref[:, 0:1] + 1.0)
    g1_ref[...] = dis1 * h1


def _tc_f_body(pa_ref, pb_ref, g1_ref, deg1_ref, b1_ref, o_ref):
    dis1 = lax.rsqrt(deg1_ref[:, 0:1] + 1.0)
    v = dis1 * ((pa_ref[0] + pa_ref[1]) + (pb_ref[0] + pb_ref[1])
                + g1_ref[...]) + b1_ref[...]
    nrm = jnp.sqrt(jnp.sum(v * v, axis=1, keepdims=True))
    o_ref[...] = v / jnp.maximum(nrm, 1e-12)


def _row_spec(i):
    return (i, 0)


_tc_b = pl.pallas_call(
    _tc_b_body,
    grid=(N // R,),
    in_specs=[
        pl.BlockSpec((R, D), _row_spec),
        pl.BlockSpec((D, D), lambda i: (0, 0)),
        pl.BlockSpec((R, 16), _row_spec),
    ],
    out_specs=pl.BlockSpec((R, D), _row_spec),
    out_shape=jax.ShapeDtypeStruct((N, D), jnp.float32),
)

_part_spec = pl.BlockSpec((2, R, D), lambda i: (0, i, 0))

_tc_d = pl.pallas_call(
    _tc_d_body,
    grid=(N // R,),
    in_specs=[
        _part_spec,
        _part_spec,
        pl.BlockSpec((R, D), _row_spec),
        pl.BlockSpec((R, 16), _row_spec),
        pl.BlockSpec((1, D), lambda i: (0, 0)),
        pl.BlockSpec((D, D), lambda i: (0, 0)),
        pl.BlockSpec((R, 16), _row_spec),
    ],
    out_specs=pl.BlockSpec((R, D), _row_spec),
    out_shape=jax.ShapeDtypeStruct((N, D), jnp.float32),
)

_tc_f = pl.pallas_call(
    _tc_f_body,
    grid=(N // R,),
    in_specs=[
        _part_spec,
        _part_spec,
        pl.BlockSpec((R, D), _row_spec),
        pl.BlockSpec((R, 16), _row_spec),
        pl.BlockSpec((1, D), lambda i: (0, 0)),
    ],
    out_specs=pl.BlockSpec((R, D), _row_spec),
    out_shape=jax.ShapeDtypeStruct((N, D), jnp.float32),
)


@jax.jit
def kernel(x, edge_index_list, W0, b0, W1, b1):
    ei = edge_index_list.astype(jnp.int32)

    def pad_idx(a, fill):
        a2 = a.reshape(NW, EPW)
        pad = jnp.full((NW, APAD), fill, jnp.int32)
        return jnp.concatenate([a2, pad], axis=1).reshape(NW * AROWS, ACH)

    h = E // 2
    halves = [
        (pad_idx(ei[l, 0, i * h:(i + 1) * h], 0),
         pad_idx(ei[l, 1, i * h:(i + 1) * h], N))
        for l in range(2) for i in range(2)
    ]

    dsts_deg = jnp.stack([ei[0, 1], ei[1, 1]]).reshape(2, NS * DEG_TROWS, CH)
    ones_in = jnp.ones((CH, 16), jnp.float32)
    zeros16 = jnp.zeros((RPS, 16), jnp.float32)

    deg = _deg_kernel(dsts_deg, ones_in, zeros16)
    g0 = _tc_b(x, W0, deg[0])
    p0a = _agg_kernel(halves[0][0], halves[0][1], g0)
    p0b = _agg_kernel(halves[1][0], halves[1][1], g0)
    g1 = _tc_d(p0a, p0b, g0, deg[0], b0.reshape(1, D), W1, deg[1])
    p1a = _agg_kernel(halves[2][0], halves[2][1], g1)
    p1b = _agg_kernel(halves[3][0], halves[3][1], g1)
    return _tc_f(p1a, p1b, g1, deg[1], b1.reshape(1, D))

# --- scband reference (transcript-rebuilt; emitter-appended) ---
"""Pipeline reference for scband-papagcnchannel-25520695673341 (READ-ONLY COPY).

The authoritative reference and input builder live on the scoring server;
editing this copy changes nothing except your own understanding.
"""

import jax, jax.numpy as jnp
import numpy as np

N_NODES = 10000
N_EDGES = 320000
D = 128


def _gcn_conv(x, edge_index, W, b, num_nodes):
    # PyG GCNConv semantics: add self-loops, symmetric normalization, linear, scatter-add aggregate, bias
    src = edge_index[0]
    dst = edge_index[1]
    loop = jnp.arange(num_nodes, dtype=src.dtype)
    src = jnp.concatenate([src, loop])
    dst = jnp.concatenate([dst, loop])
    ew = jnp.ones(src.shape[0], dtype=x.dtype)
    deg = jnp.zeros((num_nodes,), dtype=x.dtype).at[dst].add(ew)
    deg_inv_sqrt = jnp.where(deg > 0, deg ** -0.5, 0.0)
    norm = deg_inv_sqrt[src] * ew * deg_inv_sqrt[dst]
    h = x @ W
    msg = norm[:, None] * h[src]
    out = jnp.zeros((num_nodes, h.shape[1]), dtype=x.dtype).at[dst].add(msg)
    return out + b


def setup_inputs(seed: int = 0) -> dict:
    key = jax.random.key(seed)
    k1, k2, k3, k4 = jax.random.split(key, 4)
    x = jax.random.normal(k1, (N_NODES, D), dtype=jnp.float32)
    edge_index_list = jax.random.randint(k2, (2, 2, N_EDGES), 0, N_NODES, dtype=jnp.int64)
    glorot = (6.0 / (D + D)) ** 0.5
    W0 = jax.random.uniform(k3, (D, D), dtype=jnp.float32, minval=-glorot, maxval=glorot)
    W1 = jax.random.uniform(k4, (D, D), dtype=jnp.float32, minval=-glorot, maxval=glorot)
    b0 = jnp.zeros((D,), dtype=jnp.float32)
    b1 = jnp.zeros((D,), dtype=jnp.float32)
    return {"x": x, "edge_index_list": edge_index_list, "W0": W0, "b0": b0, "W1": W1, "b1": b1}


def reference(x, edge_index_list, W0, b0, W1, b1):
    num_steps = edge_index_list.shape[0]
    assert num_steps == 2
    h = _gcn_conv(x, edge_index_list[0], W0, b0, N_NODES)
    h = jax.nn.relu(h)
    h = _gcn_conv(h, edge_index_list[1], W1, b1, N_NODES)
    # F.normalize: row-wise L2 normalization with eps=1e-12
    norm = jnp.linalg.norm(h, axis=1, keepdims=True)
    h = h / jnp.maximum(norm, 1e-12)
    return h

if __name__ == "__main__":
    import jax
    _d = setup_inputs()
    print(jax.jit(kernel)(*tuple(_d.values())))

</pallas_src>

<mosaic_0001>
#map = affine_map<(d0, d1) -> (0, 0, 0)>
#map1 = affine_map<(d0, d1) -> (0, 0)>
module attributes {stable_mosaic.version = 14 : i64} {
  func.func @_deg_body(%arg0: i32, %arg1: i32, %arg2: memref<2x4000x80xi32, #tpu.memory_space<hbm>>, %arg3: memref<80x16xf32, #tpu.memory_space<hbm>>, %arg4: memref<625x16xf32, #tpu.memory_space<hbm>>, %arg5: memref<2x10000x16xf32, #tpu.memory_space<hbm>>, %arg6: memref<250x80xi32, #tpu.memory_space<vmem>>, %arg7: memref<80x16xf32, #tpu.memory_space<vmem>>, %arg8: memref<10000x16xf32, #tpu.memory_space<vmem_shared>>, %arg9: memref<!tpu.dma_semaphore, #tpu.memory_space<semaphore_mem>>) attributes {dimension_semantics = [#tpu.dimension_semantics<core_parallel>, #tpu.dimension_semantics<subcore_parallel>], iteration_bounds = array<i64: 2, 16>, scalar_prefetch = 0 : i64, scratch_operands = 4 : i64, tpu.core_type = #tpu.core_type<sc_vector_subcore>, window_params = [{transform_indices = #map}, {transform_indices = #map1}, {transform_indices = #map1}, {transform_indices = #map}]} {
    "tpu.region"() ({
      %run_scoped3A = tpu.sem_alloc : memref<!tpu.dma_semaphore, #tpu.memory_space<semaphore_mem>>
      tpu.enqueue_dma source(%arg3 : memref<80x16xf32, #tpu.memory_space<hbm>>) target(%arg7 : memref<80x16xf32, #tpu.memory_space<vmem>>) target_semaphore(%run_scoped3A : memref<!tpu.dma_semaphore, #tpu.memory_space<semaphore_mem>>)
      tpu.wait_dma2 semaphore(%run_scoped3A : memref<!tpu.dma_semaphore, #tpu.memory_space<semaphore_mem>>) src(%arg3 : memref<80x16xf32, #tpu.memory_space<hbm>>) dst(%arg7 : memref<80x16xf32, #tpu.memory_space<vmem>>)
      tpu.yield
    }) : () -> ()
    %mul3A = arith.constant 250 : i32
    %mul3A_0 = arith.muli %arg1, %mul3A : i32
    "tpu.region"() ({
      %run_scoped3A = tpu.sem_alloc : memref<!tpu.dma_semaphore, #tpu.memory_space<semaphore_mem>>
      %dma_start3A = arith.constant 0 : i32
      %dma_start3A_14 = tpu.memref_slice %arg2[%arg0, %mul3A_0, %dma_start3A] : memref<2x4000x80xi32, #tpu.memory_space<hbm>> -> memref<1x250x80xi32, #tpu.memory_space<hbm>>
      %dma_start3A_15 = tpu.memref_squeeze %dma_start3A_14 : memref<1x250x80xi32, #tpu.memory_space<hbm>> -> memref<250x80xi32, #tpu.memory_space<hbm>>
      %dma_start3A_16 = arith.constant 0 : i32
      %dma_start3A_17 = tpu.memref_slice %arg2[%arg0, %mul3A_0, %dma_start3A_16] : memref<2x4000x80xi32, #tpu.memory_space<hbm>> -> memref<1x250x80xi32, #tpu.memory_space<hbm>>
      %dma_start3A_18 = tpu.memref_squeeze %dma_start3A_17 : memref<1x250x80xi32, #tpu.memory_space<hbm>> -> memref<250x80xi32, #tpu.memory_space<hbm>>
      tpu.enqueue_dma source(%dma_start3A_18 : memref<250x80xi32, #tpu.memory_space<hbm>>) target(%arg6 : memref<250x80xi32, #tpu.memory_space<vmem>>) target_semaphore(%run_scoped3A : memref<!tpu.dma_semaphore, #tpu.memory_space<semaphore_mem>>)
      %dma_wait3A = arith.constant 0 : i32
      %dma_wait3A_19 = tpu.memref_slice %arg2[%arg0, %mul3A_0, %dma_wait3A] : memref<2x4000x80xi32, #tpu.memory_space<hbm>> -> memref<1x250x80xi32, #tpu.memory_space<hbm>>
      %dma_wait3A_20 = tpu.memref_squeeze %dma_wait3A_19 : memref<1x250x80xi32, #tpu.memory_space<hbm>> -> memref<250x80xi32, #tpu.memory_space<hbm>>
      %dma_wait3A_21 = arith.constant 0 : i32
      %dma_wait3A_22 = tpu.memref_slice %arg2[%arg0, %mul3A_0, %dma_wait3A_21] : memref<2x4000x80xi32, #tpu.memory_space<hbm>> -> memref<1x250x80xi32, #tpu.memory_space<hbm>>
      %dma_wait3A_23 = tpu.memref_squeeze %dma_wait3A_22 : memref<1x250x80xi32, #tpu.memory_space<hbm>> -> memref<250x80xi32, #tpu.memory_space<hbm>>
      tpu.wait_dma2 semaphore(%run_scoped3A : memref<!tpu.dma_semaphore, #tpu.memory_space<semaphore_mem>>) src(%dma_wait3A_23 : memref<250x80xi32, #tpu.memory_space<hbm>>) dst(%arg6 : memref<250x80xi32, #tpu.memory_space<vmem>>)
      tpu.yield
    }) : () -> ()
    %mul3A_1 = arith.constant 625 : i32
    %mul3A_2 = arith.muli %arg1, %mul3A_1 : i32
    "tpu.region"() ({
      %run_scoped3A = tpu.sem_alloc : memref<!tpu.dma_semaphore, #tpu.memory_space<semaphore_mem>>
      %dma_start3A = arith.constant 0 : i32
      %dma_start3A_14 = tpu.memref_slice %arg8[%mul3A_2, %dma_start3A] : memref<10000x16xf32, #tpu.memory_space<vmem_shared>> -> memref<625x16xf32, #tpu.memory_space<vmem_shared>>
      tpu.enqueue_dma source(%arg4 : memref<625x16xf32, #tpu.memory_space<hbm>>) target(%dma_start3A_14 : memref<625x16xf32, #tpu.memory_space<vmem_shared>>) target_semaphore(%run_scoped3A : memref<!tpu.dma_semaphore, #tpu.memory_space<semaphore_mem>>)
      %dma_wait3A = arith.constant 0 : i32
      %dma_wait3A_15 = tpu.memref_slice %arg8[%mul3A_2, %dma_wait3A] : memref<10000x16xf32, #tpu.memory_space<vmem_shared>> -> memref<625x16xf32, #tpu.memory_space<vmem_shared>>
      tpu.wait_dma2 semaphore(%run_scoped3A : memref<!tpu.dma_semaphore, #tpu.memory_space<semaphore_mem>>) src(%arg4 : memref<625x16xf32, #tpu.memory_space<hbm>>) dst(%dma_wait3A_15 : memref<625x16xf32, #tpu.memory_space<vmem_shared>>)
      tpu.yield
    }) : () -> ()
    %barrier3A = arith.constant 0 : index
    tpu.barrier barrier_id(%barrier3A)
    %scan3A = arith.constant 0 : i32
    %scan3A_3 = arith.constant 0 : i32
    %scan3A_4 = arith.constant 25 : i32
    %scan3A_5 = arith.addi %scan3A_3, %scan3A_4 : i32
    %scan3A_6 = arith.constant 1 : i32
    %scan3A_7 = scf.for %scan3A_14 = %scan3A_3 to %scan3A_5 step %scan3A_6 iter_args(%scan3A_15 = %scan3A) -> (i32)  : i32 {
      %mul3A_16 = arith.constant 10 : i32
      %mul3A_17 = arith.muli %scan3A_14, %mul3A_16 : i32
      %add3A = arith.constant 0 : i32
      %add3A_18 = arith.addi %mul3A_17, %add3A : i32
      %dma_start3A = arith.constant 0 : i32
      %dma_start3A_19 = tpu.memref_slice %arg6[%add3A_18, %dma_start3A] : memref<250x80xi32, #tpu.memory_space<vmem>> -> memref<1x80xi32, #tpu.memory_space<vmem>>
      %dma_start3A_20 = tpu.memref_squeeze %dma_start3A_19 : memref<1x80xi32, #tpu.memory_space<vmem>> -> memref<80xi32, #tpu.memory_space<vmem>>
      %dma_start3A_21 = arith.constant 0 : i32
      %dma_start3A_22 = arith.constant 0 : i32
      %dma_start3A_23 = tpu.memref_slice %arg8[%dma_start3A_21, %dma_start3A_22] : memref<10000x16xf32, #tpu.memory_space<vmem_shared>> -> memref<10000x16xf32, #tpu.memory_space<vmem_shared>>
      tpu.enqueue_indirect_dma source(%arg7 : memref<80x16xf32, #tpu.memory_space<vmem>>) target(%dma_start3A_23 : memref<10000x16xf32, #tpu.memory_space<vmem_shared>>) offsets(%dma_start3A_20 : memref<80xi32, #tpu.memory_space<vmem>>) semaphore(%arg9 : memref<!tpu.dma_semaphore, #tpu.memory_space<semaphore_mem>>) {add = true}
      %mul3A_24 = arith.constant 10 : i32
      %mul3A_25 = arith.muli %scan3A_14, %mul3A_24 : i32
      %add3A_26 = arith.constant 1 : i32
      %add3A_27 = arith.addi %mul3A_25, %add3A_26 : i32
      %dma_start3A_28 = arith.constant 0 : i32
      %dma_start3A_29 = tpu.memref_slice %arg6[%add3A_27, %dma_start3A_28] : memref<250x80xi32, #tpu.memory_space<vmem>> -> memref<1x80xi32, #tpu.memory_space<vmem>>
      %dma_start3A_30 = tpu.memref_squeeze %dma_start3A_29 : memref<1x80xi32, #tpu.memory_space<vmem>> -> memref<80xi32, #tpu.memory_space<vmem>>
      %dma_start3A_31 = arith.constant 0 : i32
      %dma_start3A_32 = arith.constant 0 : i32
      %dma_start3A_33 = tpu.memref_slice %arg8[%dma_start3A_31, %dma_start3A_32] : memref<10000x16xf32, #tpu.memory_space<vmem_shared>> -> memref<10000x16xf32, #tpu.memory_space<vmem_shared>>
      tpu.enqueue_indirect_dma source(%arg7 : memref<80x16xf32, #tpu.memory_space<vmem>>) target(%dma_start3A_33 : memref<10000x16xf32, #tpu.memory_space<vmem_shared>>) offsets(%dma_start3A_30 : memref<80xi32, #tpu.memory_space<vmem>>) semaphore(%arg9 : memref<!tpu.dma_semaphore, #tpu.memory_space<semaphore_mem>>) {add = true}
      %mul3A_34 = arith.constant 10 : i32
      %mul3A_35 = arith.muli %scan3A_14, %mul3A_34 : i32
      %add3A_36 = arith.constant 2 : i32
      %add3A_37 = arith.addi %mul3A_35, %add3A_36 : i32
      %dma_start3A_38 = arith.constant 0 : i32
      %dma_start3A_39 = tpu.memref_slice %arg6[%add3A_37, %dma_start3A_38] : memref<250x80xi32, #tpu.memory_space<vmem>> -> memref<1x80xi32, #tpu.memory_space<vmem>>
      %dma_start3A_40 = tpu.memref_squeeze %dma_start3A_39 : memref<1x80xi32, #tpu.memory_space<vmem>> -> memref<80xi32, #tpu.memory_space<vmem>>
      %dma_start3A_41 = arith.constant 0 : i32
      %dma_start3A_42 = arith.constant 0 : i32
      %dma_start3A_43 = tpu.memref_slice %arg8[%dma_start3A_41, %dma_start3A_42] : memref<10000x16xf32, #tpu.memory_space<vmem_shared>> -> memref<10000x16xf32, #tpu.memory_space<vmem_shared>>
      tpu.enqueue_indirect_dma source(%arg7 : memref<80x16xf32, #tpu.memory_space<vmem>>) target(%dma_start3A_43 : memref<10000x16xf32, #tpu.memory_space<vmem_shared>>) offsets(%dma_start3A_40 : memref<80xi32, #tpu.memory_space<vmem>>) semaphore(%arg9 : memref<!tpu.dma_semaphore, #tpu.memory_space<semaphore_mem>>) {add = true}
      %mul3A_44 = arith.constant 10 : i32
      %mul3A_45 = arith.muli %scan3A_14, %mul3A_44 : i32
      %add3A_46 = arith.constant 3 : i32
      %add3A_47 = arith.addi %mul3A_45, %add3A_46 : i32
      %dma_start3A_48 = arith.constant 0 : i32
      %dma_start3A_49 = tpu.memref_slice %arg6[%add3A_47, %dma_start3A_48] : memref<250x80xi32, #tpu.memory_space<vmem>> -> memref<1x80xi32, #tpu.memory_space<vmem>>
      %dma_start3A_50 = tpu.memref_squeeze %dma_start3A_49 : memref<1x80xi32, #tpu.memory_space<vmem>> -> memref<80xi32, #tpu.memory_space<vmem>>
      %dma_start3A_51 = arith.constant 0 : i32
      %dma_start3A_52 = arith.constant 0 : i32
      %dma_start3A_53 = tpu.memref_slice %arg8[%dma_start3A_51, %dma_start3A_52] : memref<10000x16xf32, #tpu.memory_space<vmem_shared>> -> memref<10000x16xf32, #tpu.memory_space<vmem_shared>>
      tpu.enqueue_indirect_dma source(%arg7 : memref<80x16xf32, #tpu.memory_space<vmem>>) target(%dma_start3A_53 : memref<10000x16xf32, #tpu.memory_space<vmem_shared>>) offsets(%dma_start3A_50 : memref<80xi32, #tpu.memory_space<vmem>>) semaphore(%arg9 : memref<!tpu.dma_semaphore, #tpu.memory_space<semaphore_mem>>) {add = true}
      %mul3A_54 = arith.constant 10 : i32
      %mul3A_55 = arith.muli %scan3A_14, %mul3A_54 : i32
      %add3A_56 = arith.constant 4 : i32
      %add3A_57 = arith.addi %mul3A_55, %add3A_56 : i32
      %dma_start3A_58 = arith.constant 0 : i32
      %dma_start3A_59 = tpu.memref_slice %arg6[%add3A_57, %dma_start3A_58] : memref<250x80xi32, #tpu.memory_space<vmem>> -> memref<1x80xi32, #tpu.memory_space<vmem>>
      %dma_start3A_60 = tpu.memref_squeeze %dma_start3A_59 : memref<1x80xi32, #tpu.memory_space<vmem>> -> memref<80xi32, #tpu.memory_space<vmem>>
      %dma_start3A_61 = arith.constant 0 : i32
      %dma_start3A_62 = arith.constant 0 : i32
      %dma_start3A_63 = tpu.memref_slice %arg8[%dma_start3A_61, %dma_start3A_62] : memref<10000x16xf32, #tpu.memory_space<vmem_shared>> -> memref<10000x16xf32, #tpu.memory_space<vmem_shared>>
      tpu.enqueue_indirect_dma source(%arg7 : memref<80x16xf32, #tpu.memory_space<vmem>>) target(%dma_start3A_63 : memref<10000x16xf32, #tpu.memory_space<vmem_shared>>) offsets(%dma_start3A_60 : memref<80xi32, #tpu.memory_space<vmem>>) semaphore(%arg9 : memref<!tpu.dma_semaphore, #tpu.memory_space<semaphore_mem>>) {add = true}
      %mul3A_64 = arith.constant 10 : i32
      %mul3A_65 = arith.muli %scan3A_14, %mul3A_64 : i32
      %add3A_66 = arith.constant 5 : i32
      %add3A_67 = arith.addi %mul3A_65, %add3A_66 : i32
      %dma_start3A_68 = arith.constant 0 : i32
      %dma_start3A_69 = tpu.memref_slice %arg6[%add3A_67, %dma_start3A_68] : memref<250x80xi32, #tpu.memory_space<vmem>> -> memref<1x80xi32, #tpu.memory_space<vmem>>
      %dma_start3A_70 = tpu.memref_squeeze %dma_start3A_69 : memref<1x80xi32, #tpu.memory_space<vmem>> -> memref<80xi32, #tpu.memory_space<vmem>>
      %dma_start3A_71 = arith.constant 0 : i32
      %dma_start3A_72 = arith.constant 0 : i32
      %dma_start3A_73 = tpu.memref_slice %arg8[%dma_start3A_71, %dma_start3A_72] : memref<10000x16xf32, #tpu.memory_space<vmem_shared>> -> memref<10000x16xf32, #tpu.memory_space<vmem_shared>>
      tpu.enqueue_indirect_dma source(%arg7 : memref<80x16xf32, #tpu.memory_space<vmem>>) target(%dma_start3A_73 : memref<10000x16xf32, #tpu.memory_space<vmem_shared>>) offsets(%dma_start3A_70 : memref<80xi32, #tpu.memory_space<vmem>>) semaphore(%arg9 : memref<!tpu.dma_semaphore, #tpu.memory_space<semaphore_mem>>) {add = true}
      %mul3A_74 = arith.constant 10 : i32
      %mul3A_75 = arith.muli %scan3A_14, %mul3A_74 : i32
      %add3A_76 = arith.constant 6 : i32
      %add3A_77 = arith.addi %mul3A_75, %add3A_76 : i32
      %dma_start3A_78 = arith.constant 0 : i32
      %dma_start3A_79 = tpu.memref_slice %arg6[%add3A_77, %dma_start3A_78] : memref<250x80xi32, #tpu.memory_space<vmem>> -> memref<1x80xi32, #tpu.memory_space<vmem>>
      %dma_start3A_80 = tpu.memref_squeeze %dma_start3A_79 : memref<1x80xi32, #tpu.memory_space<vmem>> -> memref<80xi32, #tpu.memory_space<vmem>>
      %dma_start3A_81 = arith.constant 0 : i32
      %dma_start3A_82 = arith.constant 0 : i32
      %dma_start3A_83 = tpu.memref_slice %arg8[%dma_start3A_81, %dma_start3A_82] : memref<10000x16xf32, #tpu.memory_space<vmem_shared>> -> memref<10000x16xf32, #tpu.memory_space<vmem_shared>>
      tpu.enqueue_indirect_dma source(%arg7 : memref<80x16xf32, #tpu.memory_space<vmem>>) target(%dma_start3A_83 : memref<10000x16xf32, #tpu.memory_space<vmem_shared>>) offsets(%dma_start3A_80 : memref<80xi32, #tpu.memory_space<vmem>>) semaphore(%arg9 : memref<!tpu.dma_semaphore, #tpu.memory_space<semaphore_mem>>) {add = true}
      %mul3A_84 = arith.constant 10 : i32
      %mul3A_85 = arith.muli %scan3A_14, %mul3A_84 : i32
      %add3A_86 = arith.constant 7 : i32
      %add3A_87 = arith.addi %mul3A_85, %add3A_86 : i32
      %dma_start3A_88 = arith.constant 0 : i32
      %dma_start3A_89 = tpu.memref_slice %arg6[%add3A_87, %dma_start3A_88] : memref<250x80xi32, #tpu.memory_space<vmem>> -> memref<1x80xi32, #tpu.memory_space<vmem>>
      %dma_start3A_90 = tpu.memref_squeeze %dma_start3A_89 : memref<1x80xi32, #tpu.memory_space<vmem>> -> memref<80xi32, #tpu.memory_space<vmem>>
      %dma_start3A_91 = arith.constant 0 : i32
      %dma_start3A_92 = arith.constant 0 : i32
      %dma_start3A_93 = tpu.memref_slice %arg8[%dma_start3A_91, %dma_start3A_92] : memref<10000x16xf32, #tpu.memory_space<vmem_shared>> -> memref<10000x16xf32, #tpu.memory_space<vmem_shared>>
      tpu.enqueue_indirect_dma source(%arg7 : memref<80x16xf32, #tpu.memory_space<vmem>>) target(%dma_start3A_93 : memref<10000x16xf32, #tpu.memory_space<vmem_shared>>) offsets(%dma_start3A_90 : memref<80xi32, #tpu.memory_space<vmem>>) semaphore(%arg9 : memref<!tpu.dma_semaphore, #tpu.memory_space<semaphore_mem>>) {add = true}
      %mul3A_94 = arith.constant 10 : i32
      %mul3A_95 = arith.muli %scan3A_14, %mul3A_94 : i32
      %add3A_96 = arith.constant 8 : i32
      %add3A_97 = arith.addi %mul3A_95, %add3A_96 : i32
      %dma_start3A_98 = arith.constant 0 : i32
      %dma_start3A_99 = tpu.memref_slice %arg6[%add3A_97, %dma_start3A_98] : memref<250x80xi32, #tpu.memory_space<vmem>> -> memref<1x80xi32, #tpu.memory_space<vmem>>
      %dma_start3A_100 = tpu.memref_squeeze %dma_start3A_99 : memref<1x80xi32, #tpu.memory_space<vmem>> -> memref<80xi32, #tpu.memory_space<vmem>>
      %dma_start3A_101 = arith.constant 0 : i32
      %dma_start3A_102 = arith.constant 0 : i32
      %dma_start3A_103 = tpu.memref_slice %arg8[%dma_start3A_101, %dma_start3A_102] : memref<10000x16xf32, #tpu.memory_space<vmem_shared>> -> memref<10000x16xf32, #tpu.memory_space<vmem_shared>>
      tpu.enqueue_indirect_dma source(%arg7 : memref<80x16xf32, #tpu.memory_space<vmem>>) target(%dma_start3A_103 : memref<10000x16xf32, #tpu.memory_space<vmem_shared>>) offsets(%dma_start3A_100 : memref<80xi32, #tpu.memory_space<vmem>>) semaphore(%arg9 : memref<!tpu.dma_semaphore, #tpu.memory_space<semaphore_mem>>) {add = true}
      %mul3A_104 = arith.constant 10 : i32
      %mul3A_105 = arith.muli %scan3A_14, %mul3A_104 : i32
      %add3A_106 = arith.constant 9 : i32
      %add3A_107 = arith.addi %mul3A_105, %add3A_106 : i32
      %dma_start3A_108 = arith.constant 0 : i32
      %dma_start3A_109 = tpu.memref_slice %arg6[%add3A_107, %dma_start3A_108] : memref<250x80xi32, #tpu.memory_space<vmem>> -> memref<1x80xi32, #tpu.memory_space<vmem>>
      %dma_start3A_110 = tpu.memref_squeeze %dma_start3A_109 : memref<1x80xi32, #tpu.memory_space<vmem>> -> memref<80xi32, #tpu.memory_space<vmem>>
      %dma_start3A_111 = arith.constant 0 : i32
      %dma_start3A_112 = arith.constant 0 : i32
      %dma_start3A_113 = tpu.memref_slice %arg8[%dma_start3A_111, %dma_start3A_112] : memref<10000x16xf32, #tpu.memory_space<vmem_shared>> -> memref<10000x16xf32, #tpu.memory_space<vmem_shared>>
      tpu.enqueue_indirect_dma source(%arg7 : memref<80x16xf32, #tpu.memory_space<vmem>>) target(%dma_start3A_113 : memref<10000x16xf32, #tpu.memory_space<vmem_shared>>) offsets(%dma_start3A_110 : memref<80xi32, #tpu.memory_space<vmem>>) semaphore(%arg9 : memref<!tpu.dma_semaphore, #tpu.memory_space<semaphore_mem>>) {add = true}
      %mul3A_114 = arith.constant 10 : i32
      %mul3A_115 = arith.muli %scan3A_14, %mul3A_114 : i32
      %add3A_116 = arith.constant 0 : i32
      %add3A_117 = arith.addi %mul3A_115, %add3A_116 : i32
      %dma_wait3A = arith.constant 0 : i32
      %dma_wait3A_118 = tpu.memref_slice %arg6[%add3A_117, %dma_wait3A] : memref<250x80xi32, #tpu.memory_space<vmem>> -> memref<1x80xi32, #tpu.memory_space<vmem>>
      %dma_wait3A_119 = tpu.memref_squeeze %dma_wait3A_118 : memref<1x80xi32, #tpu.memory_space<vmem>> -> memref<80xi32, #tpu.memory_space<vmem>>
      %dma_wait3A_120 = arith.constant 0 : i32
      %dma_wait3A_121 = arith.constant 0 : i32
      %dma_wait3A_122 = tpu.memref_slice %arg8[%dma_wait3A_120, %dma_wait3A_121] : memref<10000x16xf32, #tpu.memory_space<vmem_shared>> -> memref<10000x16xf32, #tpu.memory_space<vmem_shared>>
      tpu.wait_indirect_dma semaphore(%arg9 : memref<!tpu.dma_semaphore, #tpu.memory_space<semaphore_mem>>) src(%arg7 : memref<80x16xf32, #tpu.memory_space<vmem>>) dst(%dma_wait3A_122 : memref<10000x16xf32, #tpu.memory_space<vmem_shared>>)
      %mul3A_123 = arith.constant 10 : i32
      %mul3A_124 = arith.muli %scan3A_14, %mul3A_123 : i32
      %add3A_125 = arith.constant 1 : i32
      %add3A_126 = arith.addi %mul3A_124, %add3A_125 : i32
      %dma_wait3A_127 = arith.constant 0 : i32
      %dma_wait3A_128 = tpu.memref_slice %arg6[%add3A_126, %dma_wait3A_127] : memref<250x80xi32, #tpu.memory_space<vmem>> -> memref<1x80xi32, #tpu.memory_space<vmem>>
      %dma_wait3A_129 = tpu.memref_squeeze %dma_wait3A_128 : memref<1x80xi32, #tpu.memory_space<vmem>> -> memref<80xi32, #tpu.memory_space<vmem>>
      %dma_wait3A_130 = arith.constant 0 : i32
      %dma_wait3A_131 = arith.constant 0 : i32
      %dma_wait3A_132 = tpu.memref_slice %arg8[%dma_wait3A_130, %dma_wait3A_131] : memref<10000x16xf32, #tpu.memory_space<vmem_shared>> -> memref<10000x16xf32, #tpu.memory_space<vmem_shared>>
      tpu.wait_indirect_dma semaphore(%arg9 : memref<!tpu.dma_semaphore, #tpu.memory_space<semaphore_mem>>) src(%arg7 : memref<80x16xf32, #tpu.memory_space<vmem>>) dst(%dma_wait3A_132 : memref<10000x16xf32, #tpu.memory_space<vmem_shared>>)
      %mul3A_133 = arith.constant 10 : i32
      %mul3A_134 = arith.muli %scan3A_14, %mul3A_133 : i32
      %add3A_135 = arith.constant 2 : i32
      %add3A_136 = arith.addi %mul3A_134, %add3A_135 : i32
      %dma_wait3A_137 = arith.constant 0 : i32
      %dma_wait3A_138 = tpu.memref_slice %arg6[%add3A_136, %dma_wait3A_137] : memref<250x80xi32, #tpu.memory_space<vmem>> -> memref<1x80xi32, #tpu.memory_space<vmem>>
      %dma_wait3A_139 = tpu.memref_squeeze %dma_wait3A_138 : memref<1x80xi32, #tpu.memory_space<vmem>> -> memref<80xi32, #tpu.memory_space<vmem>>
      %dma_wait3A_140 = arith.constant 0 : i32
      %dma_wait3A_141 = arith.constant 0 : i32
      %dma_wait3A_142 = tpu.memref_slice %arg8[%dma_wait3A_140, %dma_wait3A_141] : memref<10000x16xf32, #tpu.memory_space<vmem_shared>> -> memref<10000x16xf32, #tpu.memory_space<vmem_shared>>
      tpu.wait_indirect_dma semaphore(%arg9 : memref<!tpu.dma_semaphore, #tpu.memory_space<semaphore_mem>>) src(%arg7 : memref<80x16xf32, #tpu.memory_space<vmem>>) dst(%dma_wait3A_142 : memref<10000x16xf32, #tpu.memory_space<vmem_shared>>)
      %mul3A_143 = arith.constant 10 : i32
      %mul3A_144 = arith.muli %scan3A_14, %mul3A_143 : i32
      %add3A_145 = arith.constant 3 : i32
      %add3A_146 = arith.addi %mul3A_144, %add3A_145 : i32
      %dma_wait3A_147 = arith.constant 0 : i32
      %dma_wait3A_148 = tpu.memref_slice %arg6[%add3A_146, %dma_wait3A_147] : memref<250x80xi32, #tpu.memory_space<vmem>> -> memref<1x80xi32, #tpu.memory_space<vmem>>
      %dma_wait3A_149 = tpu.memref_squeeze %dma_wait3A_148 : memref<1x80xi32, #tpu.memory_space<vmem>> -> memref<80xi32, #tpu.memory_space<vmem>>
      %dma_wait3A_150 = arith.constant 0 : i32
      %dma_wait3A_151 = arith.constant 0 : i32
      %dma_wait3A_152 = tpu.memref_slice %arg8[%dma_wait3A_150, %dma_wait3A_151] : memref<10000x16xf32, #tpu.memory_space<vmem_shared>> -> memref<10000x16xf32, #tpu.memory_space<vmem_shared>>
      tpu.wait_indirect_dma semaphore(%arg9 : memref<!tpu.dma_semaphore, #tpu.memory_space<semaphore_mem>>) src(%arg7 : memref<80x16xf32, #tpu.memory_space<vmem>>) dst(%dma_wait3A_152 : memref<10000x16xf32, #tpu.memory_space<vmem_shared>>)
      %mul3A_153 = arith.constant 10 : i32
      %mul3A_154 = arith.muli %scan3A_14, %mul3A_153 : i32
      %add3A_155 = arith.constant 4 : i32
      %add3A_156 = arith.addi %mul3A_154, %add3A_155 : i32
      %dma_wait3A_157 = arith.constant 0 : i32
      %dma_wait3A_158 = tpu.memref_slice %arg6[%add3A_156, %dma_wait3A_157] : memref<250x80xi32, #tpu.memory_space<vmem>> -> memref<1x80xi32, #tpu.memory_space<vmem>>
      %dma_wait3A_159 = tpu.memref_squeeze %dma_wait3A_158 : memref<1x80xi32, #tpu.memory_space<vmem>> -> memref<80xi32, #tpu.memory_space<vmem>>
      %dma_wait3A_160 = arith.constant 0 : i32
      %dma_wait3A_161 = arith.constant 0 : i32
      %dma_wait3A_162 = tpu.memref_slice %arg8[%dma_wait3A_160, %dma_wait3A_161] : memref<10000x16xf32, #tpu.memory_space<vmem_shared>> -> memref<10000x16xf32, #tpu.memory_space<vmem_shared>>
      tpu.wait_indirect_dma semaphore(%arg9 : memref<!tpu.dma_semaphore, #tpu.memory_space<semaphore_mem>>) src(%arg7 : memref<80x16xf32, #tpu.memory_space<vmem>>) dst(%dma_wait3A_162 : memref<10000x16xf32, #tpu.memory_space<vmem_shared>>)
      %mul3A_163 = arith.constant 10 : i32
      %mul3A_164 = arith.muli %scan3A_14, %mul3A_163 : i32
      %add3A_165 = arith.constant 5 : i32
      %add3A_166 = arith.addi %mul3A_164, %add3A_165 : i32
      %dma_wait3A_167 = arith.constant 0 : i32
      %dma_wait3A_168 = tpu.memref_slice %arg6[%add3A_166, %dma_wait3A_167] : memref<250x80xi32, #tpu.memory_space<vmem>> -> memref<1x80xi32, #tpu.memory_space<vmem>>
      %dma_wait3A_169 = tpu.memref_squeeze %dma_wait3A_168 : memref<1x80xi32, #tpu.memory_space<vmem>> -> memref<80xi32, #tpu.memory_space<vmem>>
      %dma_wait3A_170 = arith.constant 0 : i32
      %dma_wait3A_171 = arith.constant 0 : i32
      %dma_wait3A_172 = tpu.memref_slice %arg8[%dma_wait3A_170, %dma_wait3A_171] : memref<10000x16xf32, #tpu.memory_space<vmem_shared>> -> memref<10000x16xf32, #tpu.memory_space<vmem_shared>>
      tpu.wait_indirect_dma semaphore(%arg9 : memref<!tpu.dma_semaphore, #tpu.memory_space<semaphore_mem>>) src(%arg7 : memref<80x16xf32, #tpu.memory_space<vmem>>) dst(%dma_wait3A_172 : memref<10000x16xf32, #tpu.memory_space<vmem_shared>>)
      %mul3A_173 = arith.constant 10 : i32
      %mul3A_174 = arith.muli %scan3A_14, %mul3A_173 : i32
      %add3A_175 = arith.constant 6 : i32
      %add3A_176 = arith.addi %mul3A_174, %add3A_175 : i32
      %dma_wait3A_177 = arith.constant 0 : i32
      %dma_wait3A_178 = tpu.memref_slice %arg6[%add3A_176, %dma_wait3A_177] : memref<250x80xi32, #tpu.memory_space<vmem>> -> memref<1x80xi32, #tpu.memory_space<vmem>>
      %dma_wait3A_179 = tpu.memref_squeeze %dma_wait3A_178 : memref<1x80xi32, #tpu.memory_space<vmem>> -> memref<80xi32, #tpu.memory_space<vmem>>
      %dma_wait3A_180 = arith.constant 0 : i32
      %dma_wait3A_181 = arith.constant 0 : i32
      %dma_wait3A_182 = tpu.memref_slice %arg8[%dma_wait3A_180, %dma_wait3A_181] : memref<10000x16xf32, #tpu.memory_space<vmem_shared>> -> memref<10000x16xf32, #tpu.memory_space<vmem_shared>>
      tpu.wait_indirect_dma semaphore(%arg9 : memref<!tpu.dma_semaphore, #tpu.memory_space<semaphore_mem>>) src(%arg7 : memref<80x16xf32, #tpu.memory_space<vmem>>) dst(%dma_wait3A_182 : memref<10000x16xf32, #tpu.memory_space<vmem_shared>>)
      %mul3A_183 = arith.constant 10 : i32
      %mul3A_184 = arith.muli %scan3A_14, %mul3A_183 : i32
      %add3A_185 = arith.constant 7 : i32
      %add3A_186 = arith.addi %mul3A_184, %add3A_185 : i32
      %dma_wait3A_187 = arith.constant 0 : i32
      %dma_wait3A_188 = tpu.memref_slice %arg6[%add3A_186, %dma_wait3A_187] : memref<250x80xi32, #tpu.memory_space<vmem>> -> memref<1x80xi32, #tpu.memory_space<vmem>>
      %dma_wait3A_189 = tpu.memref_squeeze %dma_wait3A_188 : memref<1x80xi32, #tpu.memory_space<vmem>> -> memref<80xi32, #tpu.memory_space<vmem>>
      %dma_wait3A_190 = arith.constant 0 : i32
      %dma_wait3A_191 = arith.constant 0 : i32
      %dma_wait3A_192 = tpu.memref_slice %arg8[%dma_wait3A_190, %dma_wait3A_191] : memref<10000x16xf32, #tpu.memory_space<vmem_shared>> -> memref<10000x16xf32, #tpu.memory_space<vmem_shared>>
      tpu.wait_indirect_dma semaphore(%arg9 : memref<!tpu.dma_semaphore, #tpu.memory_space<semaphore_mem>>) src(%arg7 : memref<80x16xf32, #tpu.memory_space<vmem>>) dst(%dma_wait3A_192 : memref<10000x16xf32, #tpu.memory_space<vmem_shared>>)
      %mul3A_193 = arith.constant 10 : i32
      %mul3A_194 = arith.muli %scan3A_14, %mul3A_193 : i32
      %add3A_195 = arith.constant 8 : i32
      %add3A_196 = arith.addi %mul3A_194, %add3A_195 : i32
      %dma_wait3A_197 = arith.constant 0 : i32
      %dma_wait3A_198 = tpu.memref_slice %arg6[%add3A_196, %dma_wait3A_197] : memref<250x80xi32, #tpu.memory_space<vmem>> -> memref<1x80xi32, #tpu.memory_space<vmem>>
      %dma_wait3A_199 = tpu.memref_squeeze %dma_wait3A_198 : memref<1x80xi32, #tpu.memory_space<vmem>> -> memref<80xi32, #tpu.memory_space<vmem>>
      %dma_wait3A_200 = arith.constant 0 : i32
      %dma_wait3A_201 = arith.constant 0 : i32
      %dma_wait3A_202 = tpu.memref_slice %arg8[%dma_wait3A_200, %dma_wait3A_201] : memref<10000x16xf32, #tpu.memory_space<vmem_shared>> -> memref<10000x16xf32, #tpu.memory_space<vmem_shared>>
      tpu.wait_indirect_dma semaphore(%arg9 : memref<!tpu.dma_semaphore, #tpu.memory_space<semaphore_mem>>) src(%arg7 : memref<80x16xf32, #tpu.memory_space<vmem>>) dst(%dma_wait3A_202 : memref<10000x16xf32, #tpu.memory_space<vmem_shared>>)
      %mul3A_203 = arith.constant 10 : i32
      %mul3A_204 = arith.muli %scan3A_14, %mul3A_203 : i32
      %add3A_205 = arith.constant 9 : i32
      %add3A_206 = arith.addi %mul3A_204, %add3A_205 : i32
      %dma_wait3A_207 = arith.constant 0 : i32
      %dma_wait3A_208 = tpu.memref_slice %arg6[%add3A_206, %dma_wait3A_207] : memref<250x80xi32, #tpu.memory_space<vmem>> -> memref<1x80xi32, #tpu.memory_space<vmem>>
      %dma_wait3A_209 = tpu.memref_squeeze %dma_wait3A_208 : memref<1x80xi32, #tpu.memory_space<vmem>> -> memref<80xi32, #tpu.memory_space<vmem>>
      %dma_wait3A_210 = arith.constant 0 : i32
      %dma_wait3A_211 = arith.constant 0 : i32
      %dma_wait3A_212 = tpu.memref_slice %arg8[%dma_wait3A_210, %dma_wait3A_211] : memref<10000x16xf32, #tpu.memory_space<vmem_shared>> -> memref<10000x16xf32, #tpu.memory_space<vmem_shared>>
      tpu.wait_indirect_dma semaphore(%arg9 : memref<!tpu.dma_semaphore, #tpu.memory_space<semaphore_mem>>) src(%arg7 : memref<80x16xf32, #tpu.memory_space<vmem>>) dst(%dma_wait3A_212 : memref<10000x16xf32, #tpu.memory_space<vmem_shared>>)
      %scan3A_213 = arith.constant 0 : i32
      scf.yield %scan3A_213 : i32
    }
    %scan3A_8 = arith.constant 25 : i32
    %barrier3A_9 = arith.constant 0 : index
    tpu.barrier barrier_id(%barrier3A_9)
    %mul3A_10 = arith.constant 625 : i32
    %mul3A_11 = arith.muli %arg1, %mul3A_10 : i32
    %mul3A_12 = arith.constant 625 : i32
    %mul3A_13 = arith.muli %arg1, %mul3A_12 : i32
    "tpu.region"() ({
      %run_scoped3A = tpu.sem_alloc : memref<!tpu.dma_semaphore, #tpu.memory_space<semaphore_mem>>
      %dma_start3A = arith.constant 0 : i32
      %dma_start3A_14 = tpu.memref_slice %arg5[%arg0, %mul3A_13, %dma_start3A] : memref<2x10000x16xf32, #tpu.memory_space<hbm>> -> memref<1x625x16xf32, #tpu.memory_space<hbm>>
      %dma_start3A_15 = tpu.memref_squeeze %dma_start3A_14 : memref<1x625x16xf32, #tpu.memory_space<hbm>> -> memref<625x16xf32, #tpu.memory_space<hbm>>
      %dma_start3A_16 = arith.constant 0 : i32
      %dma_start3A_17 = tpu.memref_slice %arg8[%mul3A_11, %dma_start3A_16] : memref<10000x16xf32, #tpu.memory_space<vmem_shared>> -> memref<625x16xf32, #tpu.memory_space<vmem_shared>>
      tpu.enqueue_dma source(%dma_start3A_17 : memref<625x16xf32, #tpu.memory_space<vmem_shared>>) target(%dma_start3A_15 : memref<625x16xf32, #tpu.memory_space<hbm>>) target_semaphore(%run_scoped3A : memref<!tpu.dma_semaphore, #tpu.memory_space<semaphore_mem>>)
      %dma_wait3A = arith.constant 0 : i32
      %dma_wait3A_18 = tpu.memref_slice %arg5[%arg0, %mul3A_13, %dma_wait3A] : memref<2x10000x16xf32, #tpu.memory_space<hbm>> -> memref<1x625x16xf32, #tpu.memory_space<hbm>>
      %dma_wait3A_19 = tpu.memref_squeeze %dma_wait3A_18 : memref<1x625x16xf32, #tpu.memory_space<hbm>> -> memref<625x16xf32, #tpu.memory_space<hbm>>
      %dma_wait3A_20 = arith.constant 0 : i32
      %dma_wait3A_21 = tpu.memref_slice %arg8[%mul3A_11, %dma_wait3A_20] : memref<10000x16xf32, #tpu.memory_space<vmem_shared>> -> memref<625x16xf32, #tpu.memory_space<vmem_shared>>
      tpu.wait_dma2 semaphore(%run_scoped3A : memref<!tpu.dma_semaphore, #tpu.memory_space<semaphore_mem>>) src(%dma_wait3A_21 : memref<625x16xf32, #tpu.memory_space<vmem_shared>>) dst(%dma_wait3A_19 : memref<625x16xf32, #tpu.memory_space<hbm>>)
      tpu.yield
    }) : () -> ()
    return
  }
}

#map = affine_map<(d0, d1) -> (0, 0)>
#map1 = affine_map<(d0, d1) -> (0, 0, 0)>
module attributes {stable_mosaic.version = 14 : i64} {
  func.func @_agg_body(%arg0: i32, %arg1: i32, %arg2: memref<1280x128xi32, #tpu.memory_space<hbm>>, %arg3: memref<1280x128xi32, #tpu.memory_space<hbm>>, %arg4: memref<10000x128xf32, #tpu.memory_space<hbm>>, %arg5: memref<2x10016x128xf32, #tpu.memory_space<hbm>>, %arg6: memref<40x128xi32, #tpu.memory_space<vmem>>, %arg7: memref<40x128xi32, #tpu.memory_space<vmem>>, %arg8: memref<128x128xf32, #tpu.memory_space<vmem>>, %arg9: memref<128x128xf32, #tpu.memory_space<vmem>>, %arg10: memref<10016x128xf32, #tpu.memory_space<vmem_shared>>, %arg11: memref<!tpu.dma_semaphore, #tpu.memory_space<semaphore_mem>>, %arg12: memref<!tpu.dma_semaphore, #tpu.memory_space<semaphore_mem>>) attributes {dimension_semantics = [#tpu.dimension_semantics<core_parallel>, #tpu.dimension_semantics<subcore_parallel>], iteration_bounds = array<i64: 2, 16>, scalar_prefetch = 0 : i64, scratch_operands = 7 : i64, tpu.core_type = #tpu.core_type<sc_vector_subcore>, window_params = [{transform_indices = #map}, {transform_indices = #map}, {transform_indices = #map}, {transform_indices = #map1}]} {
    %mul3A = arith.constant 16 : i32
    %mul3A_0 = arith.muli %arg0, %mul3A : i32
    %add3A = arith.addi %mul3A_0, %arg1 : i32
    %scan3A = arith.constant 0 : i32
    %scan3A_1 = arith.constant 0 : i32
    %scan3A_2 = arith.constant 128 : i32
    %scan3A_3 = arith.addi %scan3A_1, %scan3A_2 : i32
    %scan3A_4 = arith.constant 1 : i32
    %scan3A_5 = scf.for %scan3A_49 = %scan3A_1 to %scan3A_3 step %scan3A_4 iter_args(%scan3A_50 = %scan3A) -> (i32)  : i32 {
      %broadcast_in_dim3A = arith.constant 0.000000e+00 : f32
      %broadcast_in_dim3A_51 = vector.broadcast %broadcast_in_dim3A : f32 to vector<16xf32>
      %swap3A = arith.index_cast %scan3A_49 : i32 to index
      %swap3A_52 = arith.constant 0 : index
      %swap3A_53 = tpu.vector_load %arg8[%swap3A, %swap3A_52] {strides = array<i32>} : memref<128x128xf32, #tpu.memory_space<vmem>>, vector<1x16xf32>,
      %swap3A_54 = vector.shape_cast %swap3A_53 : vector<1x16xf32> to vector<16xf32>
      %swap3A_55 = vector.shape_cast %broadcast_in_dim3A_51 : vector<16xf32> to vector<1x16xf32>
      tpu.vector_store %arg8[%swap3A, %swap3A_52], %swap3A_55 {strides = array<i32>} : memref<128x128xf32, #tpu.memory_space<vmem>>, vector<1x16xf32>,
      %broadcast_in_dim3A_56 = arith.constant 0.000000e+00 : f32
      %broadcast_in_dim3A_57 = vector.broadcast %broadcast_in_dim3A_56 : f32 to vector<16xf32>
      %swap3A_58 = arith.index_cast %scan3A_49 : i32 to index
      %swap3A_59 = arith.constant 16 : index
      %swap3A_60 = tpu.vector_load %arg8[%swap3A_58, %swap3A_59] {strides = array<i32>} : memref<128x128xf32, #tpu.memory_space<vmem>>, vector<1x16xf32>,
      %swap3A_61 = vector.shape_cast %swap3A_60 : vector<1x16xf32> to vector<16xf32>
      %swap3A_62 = vector.shape_cast %broadcast_in_dim3A_57 : vector<16xf32> to vector<1x16xf32>
      tpu.vector_store %arg8[%swap3A_58, %swap3A_59], %swap3A_62 {strides = array<i32>} : memref<128x128xf32, #tpu.memory_space<vmem>>, vector<1x16xf32>,
      %broadcast_in_dim3A_63 = arith.constant 0.000000e+00 : f32
      %broadcast_in_dim3A_64 = vector.broadcast %broadcast_in_dim3A_63 : f32 to vector<16xf32>
      %swap3A_65 = arith.index_cast %scan3A_49 : i32 to index
      %swap3A_66 = arith.constant 32 : index
      %swap3A_67 = tpu.vector_load %arg8[%swap3A_65, %swap3A_66] {strides = array<i32>} : memref<128x128xf32, #tpu.memory_space<vmem>>, vector<1x16xf32>,
      %swap3A_68 = vector.shape_cast %swap3A_67 : vector<1x16xf32> to vector<16xf32>
      %swap3A_69 = vector.shape_cast %broadcast_in_dim3A_64 : vector<16xf32> to vector<1x16xf32>
      tpu.vector_store %arg8[%swap3A_65, %swap3A_66], %swap3A_69 {strides = array<i32>} : memref<128x128xf32, #tpu.memory_space<vmem>>, vector<1x16xf32>,
      %broadcast_in_dim3A_70 = arith.constant 0.000000e+00 : f32
      %broadcast_in_dim3A_71 = vector.broadcast %broadcast_in_dim3A_70 : f32 to vector<16xf32>
      %swap3A_72 = arith.index_cast %scan3A_49 : i32 to index
      %swap3A_73 = arith.constant 48 : index
      %swap3A_74 = tpu.vector_load %arg8[%swap3A_72, %swap3A_73] {strides = array<i32>} : memref<128x128xf32, #tpu.memory_space<vmem>>, vector<1x16xf32>,
      %swap3A_75 = vector.shape_cast %swap3A_74 : vector<1x16xf32> to vector<16xf32>
      %swap3A_76 = vector.shape_cast %broadcast_in_dim3A_71 : vector<16xf32> to vector<1x16xf32>
      tpu.vector_store %arg8[%swap3A_72, %swap3A_73], %swap3A_76 {strides = array<i32>} : memref<128x128xf32, #tpu.memory_space<vmem>>, vector<1x16xf32>,
      %broadcast_in_dim3A_77 = arith.constant 0.000000e+00 : f32
      %broadcast_in_dim3A_78 = vector.broadcast %broadcast_in_dim3A_77 : f32 to vector<16xf32>
      %swap3A_79 = arith.index_cast %scan3A_49 : i32 to index
      %swap3A_80 = arith.constant 64 : index
      %swap3A_81 = tpu.vector_load %arg8[%swap3A_79, %swap3A_80] {strides = array<i32>} : memref<128x128xf32, #tpu.memory_space<vmem>>, vector<1x16xf32>,
      %swap3A_82 = vector.shape_cast %swap3A_81 : vector<1x16xf32> to vector<16xf32>
      %swap3A_83 = vector.shape_cast %broadcast_in_dim3A_78 : vector<16xf32> to vector<1x16xf32>
      tpu.vector_store %arg8[%swap3A_79, %swap3A_80], %swap3A_83 {strides = array<i32>} : memref<128x128xf32, #tpu.memory_space<vmem>>, vector<1x16xf32>,
      %broadcast_in_dim3A_84 = arith.constant 0.000000e+00 : f32
      %broadcast_in_dim3A_85 = vector.broadcast %broadcast_in_dim3A_84 : f32 to vector<16xf32>
      %swap3A_86 = arith.index_cast %scan3A_49 : i32 to index
      %swap3A_87 = arith.constant 80 : index
      %swap3A_88 = tpu.vector_load %arg8[%swap3A_86, %swap3A_87] {strides = array<i32>} : memref<128x128xf32, #tpu.memory_space<vmem>>, vector<1x16xf32>,
      %swap3A_89 = vector.shape_cast %swap3A_88 : vector<1x16xf32> to vector<16xf32>
      %swap3A_90 = vector.shape_cast %broadcast_in_dim3A_85 : vector<16xf32> to vector<1x16xf32>
      tpu.vector_store %arg8[%swap3A_86, %swap3A_87], %swap3A_90 {strides = array<i32>} : memref<128x128xf32, #tpu.memory_space<vmem>>, vector<1x16xf32>,
      %broadcast_in_dim3A_91 = arith.constant 0.000000e+00 : f32
      %broadcast_in_dim3A_92 = vector.broadcast %broadcast_in_dim3A_91 : f32 to vector<16xf32>
      %swap3A_93 = arith.index_cast %scan3A_49 : i32 to index
      %swap3A_94 = arith.constant 96 : index
      %swap3A_95 = tpu.vector_load %arg8[%swap3A_93, %swap3A_94] {strides = array<i32>} : memref<128x128xf32, #tpu.memory_space<vmem>>, vector<1x16xf32>,
      %swap3A_96 = vector.shape_cast %swap3A_95 : vector<1x16xf32> to vector<16xf32>
      %swap3A_97 = vector.shape_cast %broadcast_in_dim3A_92 : vector<16xf32> to vector<1x16xf32>
      tpu.vector_store %arg8[%swap3A_93, %swap3A_94], %swap3A_97 {strides = array<i32>} : memref<128x128xf32, #tpu.memory_space<vmem>>, vector<1x16xf32>,
      %broadcast_in_dim3A_98 = arith.constant 0.000000e+00 : f32
      %broadcast_in_dim3A_99 = vector.broadcast %broadcast_in_dim3A_98 : f32 to vector<16xf32>
      %swap3A_100 = arith.index_cast %scan3A_49 : i32 to index
      %swap3A_101 = arith.constant 112 : index
      %swap3A_102 = tpu.vector_load %arg8[%swap3A_100, %swap3A_101] {strides = array<i32>} : memref<128x128xf32, #tpu.memory_space<vmem>>, vector<1x16xf32>,
      %swap3A_103 = vector.shape_cast %swap3A_102 : vector<1x16xf32> to vector<16xf32>
      %swap3A_104 = vector.shape_cast %broadcast_in_dim3A_99 : vector<16xf32> to vector<1x16xf32>
      tpu.vector_store %arg8[%swap3A_100, %swap3A_101], %swap3A_104 {strides = array<i32>} : memref<128x128xf32, #tpu.memory_space<vmem>>, vector<1x16xf32>,
      %scan3A_105 = arith.constant 0 : i32
      scf.yield %scan3A_105 : i32
    }
    %scan3A_6 = arith.constant 128 : i32
    %mul3A_7 = arith.constant 626 : i32
    %mul3A_8 = arith.muli %arg1, %mul3A_7 : i32
    %add3A_9 = arith.constant 0 : i32
    %add3A_10 = arith.addi %mul3A_8, %add3A_9 : i32
    "tpu.region"() ({
      %run_scoped3A = tpu.sem_alloc : memref<!tpu.dma_semaphore, #tpu.memory_space<semaphore_mem>>
      %dma_start3A_49 = arith.constant 0 : i32
      %dma_start3A_50 = tpu.memref_slice %arg10[%add3A_10, %dma_start3A_49] : memref<10016x128xf32, #tpu.memory_space<vmem_shared>> -> memref<128x128xf32, #tpu.memory_space<vmem_shared>>
      %dma_start3A_51 = arith.constant 0 : i32
      %dma_start3A_52 = tpu.memref_slice %arg10[%add3A_10, %dma_start3A_51] : memref<10016x128xf32, #tpu.memory_space<vmem_shared>> -> memref<128x128xf32, #tpu.memory_space<vmem_shared>>
      tpu.enqueue_dma source(%arg8 : memref<128x128xf32, #tpu.memory_space<vmem>>) target(%dma_start3A_52 : memref<128x128xf32, #tpu.memory_space<vmem_shared>>) target_semaphore(%run_scoped3A : memref<!tpu.dma_semaphore, #tpu.memory_space<semaphore_mem>>)
      %dma_wait3A = arith.constant 0 : i32
      %dma_wait3A_53 = tpu.memref_slice %arg10[%add3A_10, %dma_wait3A] : memref<10016x128xf32, #tpu.memory_space<vmem_shared>> -> memref<128x128xf32, #tpu.memory_space<vmem_shared>>
      %dma_wait3A_54 = arith.constant 0 : i32
      %dma_wait3A_55 = tpu.memref_slice %arg10[%add3A_10, %dma_wait3A_54] : memref<10016x128xf32, #tpu.memory_space<vmem_shared>> -> memref<128x128xf32, #tpu.memory_space<vmem_shared>>
      tpu.wait_dma2 semaphore(%run_scoped3A : memref<!tpu.dma_semaphore, #tpu.memory_space<semaphore_mem>>) src(%arg8 : memref<128x128xf32, #tpu.memory_space<vmem>>) dst(%dma_wait3A_55 : memref<128x128xf32, #tpu.memory_space<vmem_shared>>)
      tpu.yield
    }) : () -> ()
    %mul3A_11 = arith.constant 626 : i32
    %mul3A_12 = arith.muli %arg1, %mul3A_11 : i32
    %add3A_13 = arith.constant 128 : i32
    %add3A_14 = arith.addi %mul3A_12, %add3A_13 : i32
    "tpu.region"() ({
      %run_scoped3A = tpu.sem_alloc : memref<!tpu.dma_semaphore, #tpu.memory_space<semaphore_mem>>
      %dma_start3A_49 = arith.constant 0 : i32
      %dma_start3A_50 = tpu.memref_slice %arg10[%add3A_14, %dma_start3A_49] : memref<10016x128xf32, #tpu.memory_space<vmem_shared>> -> memref<128x128xf32, #tpu.memory_space<vmem_shared>>
      %dma_start3A_51 = arith.constant 0 : i32
      %dma_start3A_52 = tpu.memref_slice %arg10[%add3A_14, %dma_start3A_51] : memref<10016x128xf32, #tpu.memory_space<vmem_shared>> -> memref<128x128xf32, #tpu.memory_space<vmem_shared>>
      tpu.enqueue_dma source(%arg8 : memref<128x128xf32, #tpu.memory_space<vmem>>) target(%dma_start3A_52 : memref<128x128xf32, #tpu.memory_space<vmem_shared>>) target_semaphore(%run_scoped3A : memref<!tpu.dma_semaphore, #tpu.memory_space<semaphore_mem>>)
      %dma_wait3A = arith.constant 0 : i32
      %dma_wait3A_53 = tpu.memref_slice %arg10[%add3A_14, %dma_wait3A] : memref<10016x128xf32, #tpu.memory_space<vmem_shared>> -> memref<128x128xf32, #tpu.memory_space<vmem_shared>>
      %dma_wait3A_54 = arith.constant 0 : i32
      %dma_wait3A_55 = tpu.memref_slice %arg10[%add3A_14, %dma_wait3A_54] : memref<10016x128xf32, #tpu.memory_space<vmem_shared>> -> memref<128x128xf32, #tpu.memory_space<vmem_shared>>
      tpu.wait_dma2 semaphore(%run_scoped3A : memref<!tpu.dma_semaphore, #tpu.memory_space<semaphore_mem>>) src(%arg8 : memref<128x128xf32, #tpu.memory_space<vmem>>) dst(%dma_wait3A_55 : memref<128x128xf32, #tpu.memory_space<vmem_shared>>)
      tpu.yield
    }) : () -> ()
    %mul3A_15 = arith.constant 626 : i32
    %mul3A_16 = arith.muli %arg1, %mul3A_15 : i32
    %add3A_17 = arith.constant 256 : i32
    %add3A_18 = arith.addi %mul3A_16, %add3A_17 : i32
    "tpu.region"() ({
      %run_scoped3A = tpu.sem_alloc : memref<!tpu.dma_semaphore, #tpu.memory_space<semaphore_mem>>
      %dma_start3A_49 = arith.constant 0 : i32
      %dma_start3A_50 = tpu.memref_slice %arg10[%add3A_18, %dma_start3A_49] : memref<10016x128xf32, #tpu.memory_space<vmem_shared>> -> memref<128x128xf32, #tpu.memory_space<vmem_shared>>
      %dma_start3A_51 = arith.constant 0 : i32
      %dma_start3A_52 = tpu.memref_slice %arg10[%add3A_18, %dma_start3A_51] : memref<10016x128xf32, #tpu.memory_space<vmem_shared>> -> memref<128x128xf32, #tpu.memory_space<vmem_shared>>
      tpu.enqueue_dma source(%arg8 : memref<128x128xf32, #tpu.memory_space<vmem>>) target(%dma_start3A_52 : memref<128x128xf32, #tpu.memory_space<vmem_shared>>) target_semaphore(%run_scoped3A : memref<!tpu.dma_semaphore, #tpu.memory_space<semaphore_mem>>)
      %dma_wait3A = arith.constant 0 : i32
      %dma_wait3A_53 = tpu.memref_slice %arg10[%add3A_18, %dma_wait3A] : memref<10016x128xf32, #tpu.memory_space<vmem_shared>> -> memref<128x128xf32, #tpu.memory_space<vmem_shared>>
      %dma_wait3A_54 = arith.constant 0 : i32
      %dma_wait3A_55 = tpu.memref_slice %arg10[%add3A_18, %dma_wait3A_54] : memref<10016x128xf32, #tpu.memory_space<vmem_shared>> -> memref<128x128xf32, #tpu.memory_space<vmem_shared>>
      tpu.wait_dma2 semaphore(%run_scoped3A : memref<!tpu.dma_semaphore, #tpu.memory_space<semaphore_mem>>) src(%arg8 : memref<128x128xf32, #tpu.memory_space<vmem>>) dst(%dma_wait3A_55 : memref<128x128xf32, #tpu.memory_space<vmem_shared>>)
      tpu.yield
    }) : () -> ()
    %mul3A_19 = arith.constant 626 : i32
    %mul3A_20 = arith.muli %arg1, %mul3A_19 : i32
    %add3A_21 = arith.constant 384 : i32
    %add3A_22 = arith.addi %mul3A_20, %add3A_21 : i32
    "tpu.region"() ({
      %run_scoped3A = tpu.sem_alloc : memref<!tpu.dma_semaphore, #tpu.memory_space<semaphore_mem>>
      %dma_start3A_49 = arith.constant 0 : i32
      %dma_start3A_50 = tpu.memref_slice %arg10[%add3A_22, %dma_start3A_49] : memref<10016x128xf32, #tpu.memory_space<vmem_shared>> -> memref<128x128xf32, #tpu.memory_space<vmem_shared>>
      %dma_start3A_51 = arith.constant 0 : i32
      %dma_start3A_52 = tpu.memref_slice %arg10[%add3A_22, %dma_start3A_51] : memref<10016x128xf32, #tpu.memory_space<vmem_shared>> -> memref<128x128xf32, #tpu.memory_space<vmem_shared>>
      tpu.enqueue_dma source(%arg8 : memref<128x128xf32, #tpu.memory_space<vmem>>) target(%dma_start3A_52 : memref<128x128xf32, #tpu.memory_space<vmem_shared>>) target_semaphore(%run_scoped3A : memref<!tpu.dma_semaphore, #tpu.memory_space<semaphore_mem>>)
      %dma_wait3A = arith.constant 0 : i32
      %dma_wait3A_53 = tpu.memref_slice %arg10[%add3A_22, %dma_wait3A] : memref<10016x128xf32, #tpu.memory_space<vmem_shared>> -> memref<128x128xf32, #tpu.memory_space<vmem_shared>>
      %dma_wait3A_54 = arith.constant 0 : i32
      %dma_wait3A_55 = tpu.memref_slice %arg10[%add3A_22, %dma_wait3A_54] : memref<10016x128xf32, #tpu.memory_space<vmem_shared>> -> memref<128x128xf32, #tpu.memory_space<vmem_shared>>
      tpu.wait_dma2 semaphore(%run_scoped3A : memref<!tpu.dma_semaphore, #tpu.memory_space<semaphore_mem>>) src(%arg8 : memref<128x128xf32, #tpu.memory_space<vmem>>) dst(%dma_wait3A_55 : memref<128x128xf32, #tpu.memory_space<vmem_shared>>)
      tpu.yield
    }) : () -> ()
    %mul3A_23 = arith.constant 626 : i32
    %mul3A_24 = arith.muli %arg1, %mul3A_23 : i32
    %add3A_25 = arith.constant 512 : i32
    %add3A_26 = arith.addi %mul3A_24, %add3A_25 : i32
    "tpu.region"() ({
      %run_scoped3A = tpu.sem_alloc : memref<!tpu.dma_semaphore, #tpu.memory_space<semaphore_mem>>
      %dma_start3A_49 = arith.constant 0 : i32
      %dma_start3A_50 = arith.constant 0 : i32
      %dma_start3A_51 = tpu.memref_slice %arg8[%dma_start3A_49, %dma_start3A_50] : memref<128x128xf32, #tpu.memory_space<vmem>> -> memref<114x128xf32, #tpu.memory_space<vmem>>
      %dma_start3A_52 = arith.constant 0 : i32
      %dma_start3A_53 = tpu.memref_slice %arg10[%add3A_26, %dma_start3A_52] : memref<10016x128xf32, #tpu.memory_space<vmem_shared>> -> memref<114x128xf32, #tpu.memory_space<vmem_shared>>
      %dma_start3A_54 = arith.constant 0 : i32
      %dma_start3A_55 = tpu.memref_slice %arg10[%add3A_26, %dma_start3A_54] : memref<10016x128xf32, #tpu.memory_space<vmem_shared>> -> memref<114x128xf32, #tpu.memory_space<vmem_shared>>
      %dma_start3A_56 = arith.constant 0 : i32
      %dma_start3A_57 = arith.constant 0 : i32
      %dma_start3A_58 = tpu.memref_slice %arg8[%dma_start3A_56, %dma_start3A_57] : memref<128x128xf32, #tpu.memory_space<vmem>> -> memref<114x128xf32, #tpu.memory_space<vmem>>
      tpu.enqueue_dma source(%dma_start3A_58 : memref<114x128xf32, #tpu.memory_space<vmem>>) target(%dma_start3A_55 : memref<114x128xf32, #tpu.memory_space<vmem_shared>>) target_semaphore(%run_scoped3A : memref<!tpu.dma_semaphore, #tpu.memory_space<semaphore_mem>>)
      %dma_wait3A = arith.constant 0 : i32
      %dma_wait3A_59 = arith.constant 0 : i32
      %dma_wait3A_60 = tpu.memref_slice %arg8[%dma_wait3A, %dma_wait3A_59] : memref<128x128xf32, #tpu.memory_space<vmem>> -> memref<114x128xf32, #tpu.memory_space<vmem>>
      %dma_wait3A_61 = arith.constant 0 : i32
      %dma_wait3A_62 = tpu.memref_slice %arg10[%add3A_26, %dma_wait3A_61] : memref<10016x128xf32, #tpu.memory_space<vmem_shared>> -> memref<114x128xf32, #tpu.memory_space<vmem_shared>>
      %dma_wait3A_63 = arith.constant 0 : i32
      %dma_wait3A_64 = tpu.memref_slice %arg10[%add3A_26, %dma_wait3A_63] : memref<10016x128xf32, #tpu.memory_space<vmem_shared>> -> memref<114x128xf32, #tpu.memory_space<vmem_shared>>
      %dma_wait3A_65 = arith.constant 0 : i32
      %dma_wait3A_66 = arith.constant 0 : i32
      %dma_wait3A_67 = tpu.memref_slice %arg8[%dma_wait3A_65, %dma_wait3A_66] : memref<128x128xf32, #tpu.memory_space<vmem>> -> memref<114x128xf32, #tpu.memory_space<vmem>>
      tpu.wait_dma2 semaphore(%run_scoped3A : memref<!tpu.dma_semaphore, #tpu.memory_space<semaphore_mem>>) src(%dma_wait3A_67 : memref<114x128xf32, #tpu.memory_space<vmem>>) dst(%dma_wait3A_64 : memref<114x128xf32, #tpu.memory_space<vmem_shared>>)
      tpu.yield
    }) : () -> ()
    %mul3A_27 = arith.constant 40 : i32
    %mul3A_28 = arith.muli %add3A, %mul3A_27 : i32
    "tpu.region"() ({
      %run_scoped3A = tpu.sem_alloc : memref<!tpu.dma_semaphore, #tpu.memory_space<semaphore_mem>>
      %dma_start3A_49 = arith.constant 0 : i32
      %dma_start3A_50 = tpu.memref_slice %arg2[%mul3A_28, %dma_start3A_49] : memref<1280x128xi32, #tpu.memory_space<hbm>> -> memref<40x128xi32, #tpu.memory_space<hbm>>
      %dma_start3A_51 = arith.constant 0 : i32
      %dma_start3A_52 = tpu.memref_slice %arg2[%mul3A_28, %dma_start3A_51] : memref<1280x128xi32, #tpu.memory_space<hbm>> -> memref<40x128xi32, #tpu.memory_space<hbm>>
      tpu.enqueue_dma source(%dma_start3A_52 : memref<40x128xi32, #tpu.memory_space<hbm>>) target(%arg6 : memref<40x128xi32, #tpu.memory_space<vmem>>) target_semaphore(%run_scoped3A : memref<!tpu.dma_semaphore, #tpu.memory_space<semaphore_mem>>)
      %dma_wait3A = arith.constant 0 : i32
      %dma_wait3A_53 = tpu.memref_slice %arg2[%mul3A_28, %dma_wait3A] : memref<1280x128xi32, #tpu.memory_space<hbm>> -> memref<40x128xi32, #tpu.memory_space<hbm>>
      %dma_wait3A_54 = arith.constant 0 : i32
      %dma_wait3A_55 = tpu.memref_slice %arg2[%mul3A_28, %dma_wait3A_54] : memref<1280x128xi32, #tpu.memory_space<hbm>> -> memref<40x128xi32, #tpu.memory_space<hbm>>
      tpu.wait_dma2 semaphore(%run_scoped3A : memref<!tpu.dma_semaphore, #tpu.memory_space<semaphore_mem>>) src(%dma_wait3A_55 : memref<40x128xi32, #tpu.memory_space<hbm>>) dst(%arg6 : memref<40x128xi32, #tpu.memory_space<vmem>>)
      tpu.yield
    }) : () -> ()
    %mul3A_29 = arith.constant 40 : i32
    %mul3A_30 = arith.muli %add3A, %mul3A_29 : i32
    "tpu.region"() ({
      %run_scoped3A = tpu.sem_alloc : memref<!tpu.dma_semaphore, #tpu.memory_space<semaphore_mem>>
      %dma_start3A_49 = arith.constant 0 : i32
      %dma_start3A_50 = tpu.memref_slice %arg3[%mul3A_30, %dma_start3A_49] : memref<1280x128xi32, #tpu.memory_space<hbm>> -> memref<40x128xi32, #tpu.memory_space<hbm>>
      %dma_start3A_51 = arith.constant 0 : i32
      %dma_start3A_52 = tpu.memref_slice %arg3[%mul3A_30, %dma_start3A_51] : memref<1280x128xi32, #tpu.memory_space<hbm>> -> memref<40x128xi32, #tpu.memory_space<hbm>>
      tpu.enqueue_dma source(%dma_start3A_52 : memref<40x128xi32, #tpu.memory_space<hbm>>) target(%arg7 : memref<40x128xi32, #tpu.memory_space<vmem>>) target_semaphore(%run_scoped3A : memref<!tpu.dma_semaphore, #tpu.memory_space<semaphore_mem>>)
      %dma_wait3A = arith.constant 0 : i32
      %dma_wait3A_53 = tpu.memref_slice %arg3[%mul3A_30, %dma_wait3A] : memref<1280x128xi32, #tpu.memory_space<hbm>> -> memref<40x128xi32, #tpu.memory_space<hbm>>
      %dma_wait3A_54 = arith.constant 0 : i32
      %dma_wait3A_55 = tpu.memref_slice %arg3[%mul3A_30, %dma_wait3A_54] : memref<1280x128xi32, #tpu.memory_space<hbm>> -> memref<40x128xi32, #tpu.memory_space<hbm>>
      tpu.wait_dma2 semaphore(%run_scoped3A : memref<!tpu.dma_semaphore, #tpu.memory_space<semaphore_mem>>) src(%dma_wait3A_55 : memref<40x128xi32, #tpu.memory_space<hbm>>) dst(%arg7 : memref<40x128xi32, #tpu.memory_space<vmem>>)
      tpu.yield
    }) : () -> ()
    %barrier3A = arith.constant 0 : index
    tpu.barrier barrier_id(%barrier3A)
    %dma_start3A = arith.constant 0 : i32
    %dma_start3A_31 = arith.constant 0 : i32
    %dma_start3A_32 = tpu.memref_slice %arg6[%dma_start3A, %dma_start3A_31] : memref<40x128xi32, #tpu.memory_space<vmem>> -> memref<1x128xi32, #tpu.memory_space<vmem>>
    %dma_start3A_33 = tpu.memref_squeeze %dma_start3A_32 : memref<1x128xi32, #tpu.memory_space<vmem>> -> memref<128xi32, #tpu.memory_space<vmem>>
    %dma_start3A_34 = arith.constant 0 : i32
    %dma_start3A_35 = arith.constant 0 : i32
    %dma_start3A_36 = tpu.memref_slice %arg4[%dma_start3A_34, %dma_start3A_35] : memref<10000x128xf32, #tpu.memory_space<hbm>> -> memref<10000x128xf32, #tpu.memory_space<hbm>>
    tpu.enqueue_indirect_dma source(%dma_start3A_36 : memref<10000x128xf32, #tpu.memory_space<hbm>>) target(%arg8 : memref<128x128xf32, #tpu.memory_space<vmem>>) offsets(%dma_start3A_33 : memref<128xi32, #tpu.memory_space<vmem>>) semaphore(%arg11 : memref<!tpu.dma_semaphore, #tpu.memory_space<semaphore_mem>>)
    %scan3A_37 = arith.constant 0 : i32
    %scan3A_38 = arith.constant 0 : i32
    %scan3A_39 = arith.constant 20 : i32
    %scan3A_40 = arith.addi %scan3A_38, %scan3A_39 : i32
    %scan3A_41 = arith.constant 1 : i32
    %scan3A_42 = scf.for %scan3A_49 = %scan3A_38 to %scan3A_40 step %scan3A_41 iter_args(%scan3A_50 = %scan3A_37) -> (i32)  : i32 {
      %mul3A_51 = arith.constant 2 : i32
      %mul3A_52 = arith.muli %mul3A_51, %scan3A_49 : i32
      %add3A_53 = arith.constant 1 : i32
      %add3A_54 = arith.addi %mul3A_52, %add3A_53 : i32
      %dma_start3A_55 = arith.constant 0 : i32
      %dma_start3A_56 = tpu.memref_slice %arg6[%add3A_54, %dma_start3A_55] : memref<40x128xi32, #tpu.memory_space<vmem>> -> memref<1x128xi32, #tpu.memory_space<vmem>>
      %dma_start3A_57 = tpu.memref_squeeze %dma_start3A_56 : memref<1x128xi32, #tpu.memory_space<vmem>> -> memref<128xi32, #tpu.memory_space<vmem>>
      %dma_start3A_58 = arith.constant 0 : i32
      %dma_start3A_59 = arith.constant 0 : i32
      %dma_start3A_60 = tpu.memref_slice %arg4[%dma_start3A_58, %dma_start3A_59] : memref<10000x128xf32, #tpu.memory_space<hbm>> -> memref<10000x128xf32, #tpu.memory_space<hbm>>
      tpu.enqueue_indirect_dma source(%dma_start3A_60 : memref<10000x128xf32, #tpu.memory_space<hbm>>) target(%arg9 : memref<128x128xf32, #tpu.memory_space<vmem>>) offsets(%dma_start3A_57 : memref<128xi32, #tpu.memory_space<vmem>>) semaphore(%arg12 : memref<!tpu.dma_semaphore, #tpu.memory_space<semaphore_mem>>)
      %dma_wait3A = arith.constant 0 : i32
      %dma_wait3A_61 = tpu.memref_slice %arg6[%mul3A_52, %dma_wait3A] : memref<40x128xi32, #tpu.memory_space<vmem>> -> memref<1x128xi32, #tpu.memory_space<vmem>>
      %dma_wait3A_62 = tpu.memref_squeeze %dma_wait3A_61 : memref<1x128xi32, #tpu.memory_space<vmem>> -> memref<128xi32, #tpu.memory_space<vmem>>
      %dma_wait3A_63 = arith.constant 0 : i32
      %dma_wait3A_64 = arith.constant 0 : i32
      %dma_wait3A_65 = tpu.memref_slice %arg4[%dma_wait3A_63, %dma_wait3A_64] : memref<10000x128xf32, #tpu.memory_space<hbm>> -> memref<10000x128xf32, #tpu.memory_space<hbm>>
      tpu.wait_indirect_dma semaphore(%arg11 : memref<!tpu.dma_semaphore, #tpu.memory_space<semaphore_mem>>) src(%dma_wait3A_65 : memref<10000x128xf32, #tpu.memory_space<hbm>>) dst(%arg8 : memref<128x128xf32, #tpu.memory_space<vmem>>)
      "tpu.region"() ({
        %run_scoped3A = tpu.sem_alloc : memref<!tpu.dma_semaphore, #tpu.memory_space<semaphore_mem>>
        %dma_start3A_81 = arith.constant 0 : i32
        %dma_start3A_82 = tpu.memref_slice %arg7[%mul3A_52, %dma_start3A_81] : memref<40x128xi32, #tpu.memory_space<vmem>> -> memref<1x128xi32, #tpu.memory_space<vmem>>
        %dma_start3A_83 = tpu.memref_squeeze %dma_start3A_82 : memref<1x128xi32, #tpu.memory_space<vmem>> -> memref<128xi32, #tpu.memory_space<vmem>>
        %dma_start3A_84 = arith.constant 0 : i32
        %dma_start3A_85 = arith.constant 0 : i32
        %dma_start3A_86 = tpu.memref_slice %arg10[%dma_start3A_84, %dma_start3A_85] : memref<10016x128xf32, #tpu.memory_space<vmem_shared>> -> memref<10016x128xf32, #tpu.memory_space<vmem_shared>>
        tpu.enqueue_indirect_dma source(%arg8 : memref<128x128xf32, #tpu.memory_space<vmem>>) target(%dma_start3A_86 : memref<10016x128xf32, #tpu.memory_space<vmem_shared>>) offsets(%dma_start3A_83 : memref<128xi32, #tpu.memory_space<vmem>>) semaphore(%run_scoped3A : memref<!tpu.dma_semaphore, #tpu.memory_space<semaphore_mem>>) {add = true}
        %dma_wait3A_87 = arith.constant 0 : i32
        %dma_wait3A_88 = tpu.memref_slice %arg7[%mul3A_52, %dma_wait3A_87] : memref<40x128xi32, #tpu.memory_space<vmem>> -> memref<1x128xi32, #tpu.memory_space<vmem>>
        %dma_wait3A_89 = tpu.memref_squeeze %dma_wait3A_88 : memref<1x128xi32, #tpu.memory_space<vmem>> -> memref<128xi32, #tpu.memory_space<vmem>>
        %dma_wait3A_90 = arith.constant 0 : i32
        %dma_wait3A_91 = arith.constant 0 : i32
        %dma_wait3A_92 = tpu.memref_slice %arg10[%dma_wait3A_90, %dma_wait3A_91] : memref<10016x128xf32, #tpu.memory_space<vmem_shared>> -> memref<10016x128xf32, #tpu.memory_space<vmem_shared>>
        tpu.wait_indirect_dma semaphore(%run_scoped3A : memref<!tpu.dma_semaphore, #tpu.memory_space<semaphore_mem>>) src(%arg8 : memref<128x128xf32, #tpu.memory_space<vmem>>) dst(%dma_wait3A_92 : memref<10016x128xf32, #tpu.memory_space<vmem_shared>>)
        tpu.yield
      }) : () -> ()
      %add3A_66 = arith.constant 2 : i32
      %add3A_67 = arith.addi %mul3A_52, %add3A_66 : i32
      %lt3A = arith.constant 40 : i32
      %lt3A_68 = arith.cmpi slt, %add3A_67, %lt3A : i32
      %convert_element_type3A = arith.extui %lt3A_68 : i1 to i32
      %cond3A = arith.constant 0 : i32
      %cond3A_69 = arith.cmpi ne, %convert_element_type3A, %cond3A : i32
      scf.if %cond3A_69 {
        %add3A_81 = arith.constant 2 : i32
        %add3A_82 = arith.addi %mul3A_52, %add3A_81 : i32
        %dma_start3A_83 = arith.constant 0 : i32
        %dma_start3A_84 = tpu.memref_slice %arg6[%add3A_82, %dma_start3A_83] : memref<40x128xi32, #tpu.memory_space<vmem>> -> memref<1x128xi32, #tpu.memory_space<vmem>>
        %dma_start3A_85 = tpu.memref_squeeze %dma_start3A_84 : memref<1x128xi32, #tpu.memory_space<vmem>> -> memref<128xi32, #tpu.memory_space<vmem>>
        %dma_start3A_86 = arith.constant 0 : i32
        %dma_start3A_87 = arith.constant 0 : i32
        %dma_start3A_88 = tpu.memref_slice %arg4[%dma_start3A_86, %dma_start3A_87] : memref<10000x128xf32, #tpu.memory_space<hbm>> -> memref<10000x128xf32, #tpu.memory_space<hbm>>
        tpu.enqueue_indirect_dma source(%dma_start3A_88 : memref<10000x128xf32, #tpu.memory_space<hbm>>) target(%arg8 : memref<128x128xf32, #tpu.memory_space<vmem>>) offsets(%dma_start3A_85 : memref<128xi32, #tpu.memory_space<vmem>>) semaphore(%arg11 : memref<!tpu.dma_semaphore, #tpu.memory_space<semaphore_mem>>)
      } else {
      }
      %add3A_70 = arith.constant 1 : i32
      %add3A_71 = arith.addi %mul3A_52, %add3A_70 : i32
      %dma_wait3A_72 = arith.constant 0 : i32
      %dma_wait3A_73 = tpu.memref_slice %arg6[%add3A_71, %dma_wait3A_72] : memref<40x128xi32, #tpu.memory_space<vmem>> -> memref<1x128xi32, #tpu.memory_space<vmem>>
      %dma_wait3A_74 = tpu.memref_squeeze %dma_wait3A_73 : memref<1x128xi32, #tpu.memory_space<vmem>> -> memref<128xi32, #tpu.memory_space<vmem>>
      %dma_wait3A_75 = arith.constant 0 : i32
      %dma_wait3A_76 = arith.constant 0 : i32
      %dma_wait3A_77 = tpu.memref_slice %arg4[%dma_wait3A_75, %dma_wait3A_76] : memref<10000x128xf32, #tpu.memory_space<hbm>> -> memref<10000x128xf32, #tpu.memory_space<hbm>>
      tpu.wait_indirect_dma semaphore(%arg12 : memref<!tpu.dma_semaphore, #tpu.memory_space<semaphore_mem>>) src(%dma_wait3A_77 : memref<10000x128xf32, #tpu.memory_space<hbm>>) dst(%arg9 : memref<128x128xf32, #tpu.memory_space<vmem>>)
      %add3A_78 = arith.constant 1 : i32
      %add3A_79 = arith.addi %mul3A_52, %add3A_78 : i32
      "tpu.region"() ({
        %run_scoped3A = tpu.sem_alloc : memref<!tpu.dma_semaphore, #tpu.memory_space<semaphore_mem>>
        %dma_start3A_81 = arith.constant 0 : i32
        %dma_start3A_82 = tpu.memref_slice %arg7[%add3A_79, %dma_start3A_81] : memref<40x128xi32, #tpu.memory_space<vmem>> -> memref<1x128xi32, #tpu.memory_space<vmem>>
        %dma_start3A_83 = tpu.memref_squeeze %dma_start3A_82 : memref<1x128xi32, #tpu.memory_space<vmem>> -> memref<128xi32, #tpu.memory_space<vmem>>
        %dma_start3A_84 = arith.constant 0 : i32
        %dma_start3A_85 = arith.constant 0 : i32
        %dma_start3A_86 = tpu.memref_slice %arg10[%dma_start3A_84, %dma_start3A_85] : memref<10016x128xf32, #tpu.memory_space<vmem_shared>> -> memref<10016x128xf32, #tpu.memory_space<vmem_shared>>
        tpu.enqueue_indirect_dma source(%arg9 : memref<128x128xf32, #tpu.memory_space<vmem>>) target(%dma_start3A_86 : memref<10016x128xf32, #tpu.memory_space<vmem_shared>>) offsets(%dma_start3A_83 : memref<128xi32, #tpu.memory_space<vmem>>) semaphore(%run_scoped3A : memref<!tpu.dma_semaphore, #tpu.memory_space<semaphore_mem>>) {add = true}
        %dma_wait3A_87 = arith.constant 0 : i32
        %dma_wait3A_88 = tpu.memref_slice %arg7[%add3A_79, %dma_wait3A_87] : memref<40x128xi32, #tpu.memory_space<vmem>> -> memref<1x128xi32, #tpu.memory_space<vmem>>
        %dma_wait3A_89 = tpu.memref_squeeze %dma_wait3A_88 : memref<1x128xi32, #tpu.memory_space<vmem>> -> memref<128xi32, #tpu.memory_space<vmem>>
        %dma_wait3A_90 = arith.constant 0 : i32
        %dma_wait3A_91 = arith.constant 0 : i32
        %dma_wait3A_92 = tpu.memref_slice %arg10[%dma_wait3A_90, %dma_wait3A_91] : memref<10016x128xf32, #tpu.memory_space<vmem_shared>> -> memref<10016x128xf32, #tpu.memory_space<vmem_shared>>
        tpu.wait_indirect_dma semaphore(%run_scoped3A : memref<!tpu.dma_semaphore, #tpu.memory_space<semaphore_mem>>) src(%arg9 : memref<128x128xf32, #tpu.memory_space<vmem>>) dst(%dma_wait3A_92 : memref<10016x128xf32, #tpu.memory_space<vmem_shared>>)
        tpu.yield
      }) : () -> ()
      %scan3A_80 = arith.constant 0 : i32
      scf.yield %scan3A_80 : i32
    }
    %scan3A_43 = arith.constant 20 : i32
    %barrier3A_44 = arith.constant 0 : index
    tpu.barrier barrier_id(%barrier3A_44)
    %mul3A_45 = arith.constant 626 : i32
    %mul3A_46 = arith.muli %arg1, %mul3A_45 : i32
    %mul3A_47 = arith.constant 626 : i32
    %mul3A_48 = arith.muli %arg1, %mul3A_47 : i32
    "tpu.region"() ({
      %run_scoped3A = tpu.sem_alloc : memref<!tpu.dma_semaphore, #tpu.memory_space<semaphore_mem>>
      %dma_start3A_49 = arith.constant 0 : i32
      %dma_start3A_50 = tpu.memref_slice %arg5[%arg0, %mul3A_48, %dma_start3A_49] : memref<2x10016x128xf32, #tpu.memory_space<hbm>> -> memref<1x626x128xf32, #tpu.memory_space<hbm>>
      %dma_start3A_51 = tpu.memref_squeeze %dma_start3A_50 : memref<1x626x128xf32, #tpu.memory_space<hbm>> -> memref<626x128xf32, #tpu.memory_space<hbm>>
      %dma_start3A_52 = arith.constant 0 : i32
      %dma_start3A_53 = tpu.memref_slice %arg10[%mul3A_46, %dma_start3A_52] : memref<10016x128xf32, #tpu.memory_space<vmem_shared>> -> memref<626x128xf32, #tpu.memory_space<vmem_shared>>
      tpu.enqueue_dma source(%dma_start3A_53 : memref<626x128xf32, #tpu.memory_space<vmem_shared>>) target(%dma_start3A_51 : memref<626x128xf32, #tpu.memory_space<hbm>>) target_semaphore(%run_scoped3A : memref<!tpu.dma_semaphore, #tpu.memory_space<semaphore_mem>>)
      %dma_wait3A = arith.constant 0 : i32
      %dma_wait3A_54 = tpu.memref_slice %arg5[%arg0, %mul3A_48, %dma_wait3A] : memref<2x10016x128xf32, #tpu.memory_space<hbm>> -> memref<1x626x128xf32, #tpu.memory_space<hbm>>
      %dma_wait3A_55 = tpu.memref_squeeze %dma_wait3A_54 : memref<1x626x128xf32, #tpu.memory_space<hbm>> -> memref<626x128xf32, #tpu.memory_space<hbm>>
      %dma_wait3A_56 = arith.constant 0 : i32
      %dma_wait3A_57 = tpu.memref_slice %arg10[%mul3A_46, %dma_wait3A_56] : memref<10016x128xf32, #tpu.memory_space<vmem_shared>> -> memref<626x128xf32, #tpu.memory_space<vmem_shared>>
      tpu.wait_dma2 semaphore(%run_scoped3A : memref<!tpu.dma_semaphore, #tpu.memory_space<semaphore_mem>>) src(%dma_wait3A_57 : memref<626x128xf32, #tpu.memory_space<vmem_shared>>) dst(%dma_wait3A_55 : memref<626x128xf32, #tpu.memory_space<hbm>>)
      tpu.yield
    }) : () -> ()
    return
  }
}

#map = affine_map<(d0, d1) -> (0, 0)>
#map1 = affine_map<(d0, d1) -> (0, 0, 0)>
module attributes {stable_mosaic.version = 14 : i64} {
  func.func @_agg_body(%arg0: i32, %arg1: i32, %arg2: memref<1280x128xi32, #tpu.memory_space<hbm>>, %arg3: memref<1280x128xi32, #tpu.memory_space<hbm>>, %arg4: memref<10000x128xf32, #tpu.memory_space<hbm>>, %arg5: memref<2x10016x128xf32, #tpu.memory_space<hbm>>, %arg6: memref<40x128xi32, #tpu.memory_space<vmem>>, %arg7: memref<40x128xi32, #tpu.memory_space<vmem>>, %arg8: memref<128x128xf32, #tpu.memory_space<vmem>>, %arg9: memref<128x128xf32, #tpu.memory_space<vmem>>, %arg10: memref<10016x128xf32, #tpu.memory_space<vmem_shared>>, %arg11: memref<!tpu.dma_semaphore, #tpu.memory_space<semaphore_mem>>, %arg12: memref<!tpu.dma_semaphore, #tpu.memory_space<semaphore_mem>>) attributes {dimension_semantics = [#tpu.dimension_semantics<core_parallel>, #tpu.dimension_semantics<subcore_parallel>], iteration_bounds = array<i64: 2, 16>, scalar_prefetch = 0 : i64, scratch_operands = 7 : i64, tpu.core_type = #tpu.core_type<sc_vector_subcore>, window_params = [{transform_indices = #map}, {transform_indices = #map}, {transform_indices = #map}, {transform_indices = #map1}]} {
    %mul3A = arith.constant 16 : i32
    %mul3A_0 = arith.muli %arg0, %mul3A : i32
    %add3A = arith.addi %mul3A_0, %arg1 : i32
    %scan3A = arith.constant 0 : i32
    %scan3A_1 = arith.constant 0 : i32
    %scan3A_2 = arith.constant 128 : i32
    %scan3A_3 = arith.addi %scan3A_1, %scan3A_2 : i32
    %scan3A_4 = arith.constant 1 : i32
    %scan3A_5 = scf.for %scan3A_49 = %scan3A_1 to %scan3A_3 step %scan3A_4 iter_args(%scan3A_50 = %scan3A) -> (i32)  : i32 {
      %broadcast_in_dim3A = arith.constant 0.000000e+00 : f32
      %broadcast_in_dim3A_51 = vector.broadcast %broadcast_in_dim3A : f32 to vector<16xf32>
      %swap3A = arith.index_cast %scan3A_49 : i32 to index
      %swap3A_52 = arith.constant 0 : index
      %swap3A_53 = tpu.vector_load %arg8[%swap3A, %swap3A_52] {strides = array<i32>} : memref<128x128xf32, #tpu.memory_space<vmem>>, vector<1x16xf32>,
      %swap3A_54 = vector.shape_cast %swap3A_53 : vector<1x16xf32> to vector<16xf32>
      %swap3A_55 = vector.shape_cast %broadcast_in_dim3A_51 : vector<16xf32> to vector<1x16xf32>
      tpu.vector_store %arg8[%swap3A, %swap3A_52], %swap3A_55 {strides = array<i32>} : memref<128x128xf32, #tpu.memory_space<vmem>>, vector<1x16xf32>,
      %broadcast_in_dim3A_56 = arith.constant 0.000000e+00 : f32
      %broadcast_in_dim3A_57 = vector.broadcast %broadcast_in_dim3A_56 : f32 to vector<16xf32>
      %swap3A_58 = arith.index_cast %scan3A_49 : i32 to index
      %swap3A_59 = arith.constant 16 : index
      %swap3A_60 = tpu.vector_load %arg8[%swap3A_58, %swap3A_59] {strides = array<i32>} : memref<128x128xf32, #tpu.memory_space<vmem>>, vector<1x16xf32>,
      %swap3A_61 = vector.shape_cast %swap3A_60 : vector<1x16xf32> to vector<16xf32>
      %swap3A_62 = vector.shape_cast %broadcast_in_dim3A_57 : vector<16xf32> to vector<1x16xf32>
      tpu.vector_store %arg8[%swap3A_58, %swap3A_59], %swap3A_62 {strides = array<i32>} : memref<128x128xf32, #tpu.memory_space<vmem>>, vector<1x16xf32>,
      %broadcast_in_dim3A_63 = arith.constant 0.000000e+00 : f32
      %broadcast_in_dim3A_64 = vector.broadcast %broadcast_in_dim3A_63 : f32 to vector<16xf32>
      %swap3A_65 = arith.index_cast %scan3A_49 : i32 to index
      %swap3A_66 = arith.constant 32 : index
      %swap3A_67 = tpu.vector_load %arg8[%swap3A_65, %swap3A_66] {strides = array<i32>} : memref<128x128xf32, #tpu.memory_space<vmem>>, vector<1x16xf32>,
      %swap3A_68 = vector.shape_cast %swap3A_67 : vector<1x16xf32> to vector<16xf32>
      %swap3A_69 = vector.shape_cast %broadcast_in_dim3A_64 : vector<16xf32> to vector<1x16xf32>
      tpu.vector_store %arg8[%swap3A_65, %swap3A_66], %swap3A_69 {strides = array<i32>} : memref<128x128xf32, #tpu.memory_space<vmem>>, vector<1x16xf32>,
      %broadcast_in_dim3A_70 = arith.constant 0.000000e+00 : f32
      %broadcast_in_dim3A_71 = vector.broadcast %broadcast_in_dim3A_70 : f32 to vector<16xf32>
      %swap3A_72 = arith.index_cast %scan3A_49 : i32 to index
      %swap3A_73 = arith.constant 48 : index
      %swap3A_74 = tpu.vector_load %arg8[%swap3A_72, %swap3A_73] {strides = array<i32>} : memref<128x128xf32, #tpu.memory_space<vmem>>, vector<1x16xf32>,
      %swap3A_75 = vector.shape_cast %swap3A_74 : vector<1x16xf32> to vector<16xf32>
      %swap3A_76 = vector.shape_cast %broadcast_in_dim3A_71 : vector<16xf32> to vector<1x16xf32>
      tpu.vector_store %arg8[%swap3A_72, %swap3A_73], %swap3A_76 {strides = array<i32>} : memref<128x128xf32, #tpu.memory_space<vmem>>, vector<1x16xf32>,
      %broadcast_in_dim3A_77 = arith.constant 0.000000e+00 : f32
      %broadcast_in_dim3A_78 = vector.broadcast %broadcast_in_dim3A_77 : f32 to vector<16xf32>
      %swap3A_79 = arith.index_cast %scan3A_49 : i32 to index
      %swap3A_80 = arith.constant 64 : index
      %swap3A_81 = tpu.vector_load %arg8[%swap3A_79, %swap3A_80] {strides = array<i32>} : memref<128x128xf32, #tpu.memory_space<vmem>>, vector<1x16xf32>,
      %swap3A_82 = vector.shape_cast %swap3A_81 : vector<1x16xf32> to vector<16xf32>
      %swap3A_83 = vector.shape_cast %broadcast_in_dim3A_78 : vector<16xf32> to vector<1x16xf32>
      tpu.vector_store %arg8[%swap3A_79, %swap3A_80], %swap3A_83 {strides = array<i32>} : memref<128x128xf32, #tpu.memory_space<vmem>>, vector<1x16xf32>,
      %broadcast_in_dim3A_84 = arith.constant 0.000000e+00 : f32
      %broadcast_in_dim3A_85 = vector.broadcast %broadcast_in_dim3A_84 : f32 to vector<16xf32>
      %swap3A_86 = arith.index_cast %scan3A_49 : i32 to index
      %swap3A_87 = arith.constant 80 : index
      %swap3A_88 = tpu.vector_load %arg8[%swap3A_86, %swap3A_87] {strides = array<i32>} : memref<128x128xf32, #tpu.memory_space<vmem>>, vector<1x16xf32>,
      %swap3A_89 = vector.shape_cast %swap3A_88 : vector<1x16xf32> to vector<16xf32>
      %swap3A_90 = vector.shape_cast %broadcast_in_dim3A_85 : vector<16xf32> to vector<1x16xf32>
      tpu.vector_store %arg8[%swap3A_86, %swap3A_87], %swap3A_90 {strides = array<i32>} : memref<128x128xf32, #tpu.memory_space<vmem>>, vector<1x16xf32>,
      %broadcast_in_dim3A_91 = arith.constant 0.000000e+00 : f32
      %broadcast_in_dim3A_92 = vector.broadcast %broadcast_in_dim3A_91 : f32 to vector<16xf32>
      %swap3A_93 = arith.index_cast %scan3A_49 : i32 to index
      %swap3A_94 = arith.constant 96 : index
      %swap3A_95 = tpu.vector_load %arg8[%swap3A_93, %swap3A_94] {strides = array<i32>} : memref<128x128xf32, #tpu.memory_space<vmem>>, vector<1x16xf32>,
      %swap3A_96 = vector.shape_cast %swap3A_95 : vector<1x16xf32> to vector<16xf32>
      %swap3A_97 = vector.shape_cast %broadcast_in_dim3A_92 : vector<16xf32> to vector<1x16xf32>
      tpu.vector_store %arg8[%swap3A_93, %swap3A_94], %swap3A_97 {strides = array<i32>} : memref<128x128xf32, #tpu.memory_space<vmem>>, vector<1x16xf32>,
      %broadcast_in_dim3A_98 = arith.constant 0.000000e+00 : f32
      %broadcast_in_dim3A_99 = vector.broadcast %broadcast_in_dim3A_98 : f32 to vector<16xf32>
      %swap3A_100 = arith.index_cast %scan3A_49 : i32 to index
      %swap3A_101 = arith.constant 112 : index
      %swap3A_102 = tpu.vector_load %arg8[%swap3A_100, %swap3A_101] {strides = array<i32>} : memref<128x128xf32, #tpu.memory_space<vmem>>, vector<1x16xf32>,
      %swap3A_103 = vector.shape_cast %swap3A_102 : vector<1x16xf32> to vector<16xf32>
      %swap3A_104 = vector.shape_cast %broadcast_in_dim3A_99 : vector<16xf32> to vector<1x16xf32>
      tpu.vector_store %arg8[%swap3A_100, %swap3A_101], %swap3A_104 {strides = array<i32>} : memref<128x128xf32, #tpu.memory_space<vmem>>, vector<1x16xf32>,
      %scan3A_105 = arith.constant 0 : i32
      scf.yield %scan3A_105 : i32
    }
    %scan3A_6 = arith.constant 128 : i32
    %mul3A_7 = arith.constant 626 : i32
    %mul3A_8 = arith.muli %arg1, %mul3A_7 : i32
    %add3A_9 = arith.constant 0 : i32
    %add3A_10 = arith.addi %mul3A_8, %add3A_9 : i32
    "tpu.region"() ({
      %run_scoped3A = tpu.sem_alloc : memref<!tpu.dma_semaphore, #tpu.memory_space<semaphore_mem>>
      %dma_start3A_49 = arith.constant 0 : i32
      %dma_start3A_50 = tpu.memref_slice %arg10[%add3A_10, %dma_start3A_49] : memref<10016x128xf32, #tpu.memory_space<vmem_shared>> -> memref<128x128xf32, #tpu.memory_space<vmem_shared>>
      %dma_start3A_51 = arith.constant 0 : i32
      %dma_start3A_52 = tpu.memref_slice %arg10[%add3A_10, %dma_start3A_51] : memref<10016x128xf32, #tpu.memory_space<vmem_shared>> -> memref<128x128xf32, #tpu.memory_space<vmem_shared>>
      tpu.enqueue_dma source(%arg8 : memref<128x128xf32, #tpu.memory_space<vmem>>) target(%dma_start3A_52 : memref<128x128xf32, #tpu.memory_space<vmem_shared>>) target_semaphore(%run_scoped3A : memref<!tpu.dma_semaphore, #tpu.memory_space<semaphore_mem>>)
      %dma_wait3A = arith.constant 0 : i32
      %dma_wait3A_53 = tpu.memref_slice %arg10[%add3A_10, %dma_wait3A] : memref<10016x128xf32, #tpu.memory_space<vmem_shared>> -> memref<128x128xf32, #tpu.memory_space<vmem_shared>>
      %dma_wait3A_54 = arith.constant 0 : i32
      %dma_wait3A_55 = tpu.memref_slice %arg10[%add3A_10, %dma_wait3A_54] : memref<10016x128xf32, #tpu.memory_space<vmem_shared>> -> memref<128x128xf32, #tpu.memory_space<vmem_shared>>
      tpu.wait_dma2 semaphore(%run_scoped3A : memref<!tpu.dma_semaphore, #tpu.memory_space<semaphore_mem>>) src(%arg8 : memref<128x128xf32, #tpu.memory_space<vmem>>) dst(%dma_wait3A_55 : memref<128x128xf32, #tpu.memory_space<vmem_shared>>)
      tpu.yield
    }) : () -> ()
    %mul3A_11 = arith.constant 626 : i32
    %mul3A_12 = arith.muli %arg1, %mul3A_11 : i32
    %add3A_13 = arith.constant 128 : i32
    %add3A_14 = arith.addi %mul3A_12, %add3A_13 : i32
    "tpu.region"() ({
      %run_scoped3A = tpu.sem_alloc : memref<!tpu.dma_semaphore, #tpu.memory_space<semaphore_mem>>
      %dma_start3A_49 = arith.constant 0 : i32
      %dma_start3A_50 = tpu.memref_slice %arg10[%add3A_14, %dma_start3A_49] : memref<10016x128xf32, #tpu.memory_space<vmem_shared>> -> memref<128x128xf32, #tpu.memory_space<vmem_shared>>
      %dma_start3A_51 = arith.constant 0 : i32
      %dma_start3A_52 = tpu.memref_slice %arg10[%add3A_14, %dma_start3A_51] : memref<10016x128xf32, #tpu.memory_space<vmem_shared>> -> memref<128x128xf32, #tpu.memory_space<vmem_shared>>
      tpu.enqueue_dma source(%arg8 : memref<128x128xf32, #tpu.memory_space<vmem>>) target(%dma_start3A_52 : memref<128x128xf32, #tpu.memory_space<vmem_shared>>) target_semaphore(%run_scoped3A : memref<!tpu.dma_semaphore, #tpu.memory_space<semaphore_mem>>)
      %dma_wait3A = arith.constant 0 : i32
      %dma_wait3A_53 = tpu.memref_slice %arg10[%add3A_14, %dma_wait3A] : memref<10016x128xf32, #tpu.memory_space<vmem_shared>> -> memref<128x128xf32, #tpu.memory_space<vmem_shared>>
      %dma_wait3A_54 = arith.constant 0 : i32
      %dma_wait3A_55 = tpu.memref_slice %arg10[%add3A_14, %dma_wait3A_54] : memref<10016x128xf32, #tpu.memory_space<vmem_shared>> -> memref<128x128xf32, #tpu.memory_space<vmem_shared>>
      tpu.wait_dma2 semaphore(%run_scoped3A : memref<!tpu.dma_semaphore, #tpu.memory_space<semaphore_mem>>) src(%arg8 : memref<128x128xf32, #tpu.memory_space<vmem>>) dst(%dma_wait3A_55 : memref<128x128xf32, #tpu.memory_space<vmem_shared>>)
      tpu.yield
    }) : () -> ()
    %mul3A_15 = arith.constant 626 : i32
    %mul3A_16 = arith.muli %arg1, %mul3A_15 : i32
    %add3A_17 = arith.constant 256 : i32
    %add3A_18 = arith.addi %mul3A_16, %add3A_17 : i32
    "tpu.region"() ({
      %run_scoped3A = tpu.sem_alloc : memref<!tpu.dma_semaphore, #tpu.memory_space<semaphore_mem>>
      %dma_start3A_49 = arith.constant 0 : i32
      %dma_start3A_50 = tpu.memref_slice %arg10[%add3A_18, %dma_start3A_49] : memref<10016x128xf32, #tpu.memory_space<vmem_shared>> -> memref<128x128xf32, #tpu.memory_space<vmem_shared>>
      %dma_start3A_51 = arith.constant 0 : i32
      %dma_start3A_52 = tpu.memref_slice %arg10[%add3A_18, %dma_start3A_51] : memref<10016x128xf32, #tpu.memory_space<vmem_shared>> -> memref<128x128xf32, #tpu.memory_space<vmem_shared>>
      tpu.enqueue_dma source(%arg8 : memref<128x128xf32, #tpu.memory_space<vmem>>) target(%dma_start3A_52 : memref<128x128xf32, #tpu.memory_space<vmem_shared>>) target_semaphore(%run_scoped3A : memref<!tpu.dma_semaphore, #tpu.memory_space<semaphore_mem>>)
      %dma_wait3A = arith.constant 0 : i32
      %dma_wait3A_53 = tpu.memref_slice %arg10[%add3A_18, %dma_wait3A] : memref<10016x128xf32, #tpu.memory_space<vmem_shared>> -> memref<128x128xf32, #tpu.memory_space<vmem_shared>>
      %dma_wait3A_54 = arith.constant 0 : i32
      %dma_wait3A_55 = tpu.memref_slice %arg10[%add3A_18, %dma_wait3A_54] : memref<10016x128xf32, #tpu.memory_space<vmem_shared>> -> memref<128x128xf32, #tpu.memory_space<vmem_shared>>
      tpu.wait_dma2 semaphore(%run_scoped3A : memref<!tpu.dma_semaphore, #tpu.memory_space<semaphore_mem>>) src(%arg8 : memref<128x128xf32, #tpu.memory_space<vmem>>) dst(%dma_wait3A_55 : memref<128x128xf32, #tpu.memory_space<vmem_shared>>)
      tpu.yield
    }) : () -> ()
    %mul3A_19 = arith.constant 626 : i32
    %mul3A_20 = arith.muli %arg1, %mul3A_19 : i32
    %add3A_21 = arith.constant 384 : i32
    %add3A_22 = arith.addi %mul3A_20, %add3A_21 : i32
    "tpu.region"() ({
      %run_scoped3A = tpu.sem_alloc : memref<!tpu.dma_semaphore, #tpu.memory_space<semaphore_mem>>
      %dma_start3A_49 = arith.constant 0 : i32
      %dma_start3A_50 = tpu.memref_slice %arg10[%add3A_22, %dma_start3A_49] : memref<10016x128xf32, #tpu.memory_space<vmem_shared>> -> memref<128x128xf32, #tpu.memory_space<vmem_shared>>
      %dma_start3A_51 = arith.constant 0 : i32
      %dma_start3A_52 = tpu.memref_slice %arg10[%add3A_22, %dma_start3A_51] : memref<10016x128xf32, #tpu.memory_space<vmem_shared>> -> memref<128x128xf32, #tpu.memory_space<vmem_shared>>
      tpu.enqueue_dma source(%arg8 : memref<128x128xf32, #tpu.memory_space<vmem>>) target(%dma_start3A_52 : memref<128x128xf32, #tpu.memory_space<vmem_shared>>) target_semaphore(%run_scoped3A : memref<!tpu.dma_semaphore, #tpu.memory_space<semaphore_mem>>)
      %dma_wait3A = arith.constant 0 : i32
      %dma_wait3A_53 = tpu.memref_slice %arg10[%add3A_22, %dma_wait3A] : memref<10016x128xf32, #tpu.memory_space<vmem_shared>> -> memref<128x128xf32, #tpu.memory_space<vmem_shared>>
      %dma_wait3A_54 = arith.constant 0 : i32
      %dma_wait3A_55 = tpu.memref_slice %arg10[%add3A_22, %dma_wait3A_54] : memref<10016x128xf32, #tpu.memory_space<vmem_shared>> -> memref<128x128xf32, #tpu.memory_space<vmem_shared>>
      tpu.wait_dma2 semaphore(%run_scoped3A : memref<!tpu.dma_semaphore, #tpu.memory_space<semaphore_mem>>) src(%arg8 : memref<128x128xf32, #tpu.memory_space<vmem>>) dst(%dma_wait3A_55 : memref<128x128xf32, #tpu.memory_space<vmem_shared>>)
      tpu.yield
    }) : () -> ()
    %mul3A_23 = arith.constant 626 : i32
    %mul3A_24 = arith.muli %arg1, %mul3A_23 : i32
    %add3A_25 = arith.constant 512 : i32
    %add3A_26 = arith.addi %mul3A_24, %add3A_25 : i32
    "tpu.region"() ({
      %run_scoped3A = tpu.sem_alloc : memref<!tpu.dma_semaphore, #tpu.memory_space<semaphore_mem>>
      %dma_start3A_49 = arith.constant 0 : i32
      %dma_start3A_50 = arith.constant 0 : i32
      %dma_start3A_51 = tpu.memref_slice %arg8[%dma_start3A_49, %dma_start3A_50] : memref<128x128xf32, #tpu.memory_space<vmem>> -> memref<114x128xf32, #tpu.memory_space<vmem>>
      %dma_start3A_52 = arith.constant 0 : i32
      %dma_start3A_53 = tpu.memref_slice %arg10[%add3A_26, %dma_start3A_52] : memref<10016x128xf32, #tpu.memory_space<vmem_shared>> -> memref<114x128xf32, #tpu.memory_space<vmem_shared>>
      %dma_start3A_54 = arith.constant 0 : i32
      %dma_start3A_55 = tpu.memref_slice %arg10[%add3A_26, %dma_start3A_54] : memref<10016x128xf32, #tpu.memory_space<vmem_shared>> -> memref<114x128xf32, #tpu.memory_space<vmem_shared>>
      %dma_start3A_56 = arith.constant 0 : i32
      %dma_start3A_57 = arith.constant 0 : i32
      %dma_start3A_58 = tpu.memref_slice %arg8[%dma_start3A_56, %dma_start3A_57] : memref<128x128xf32, #tpu.memory_space<vmem>> -> memref<114x128xf32, #tpu.memory_space<vmem>>
      tpu.enqueue_dma source(%dma_start3A_58 : memref<114x128xf32, #tpu.memory_space<vmem>>) target(%dma_start3A_55 : memref<114x128xf32, #tpu.memory_space<vmem_shared>>) target_semaphore(%run_scoped3A : memref<!tpu.dma_semaphore, #tpu.memory_space<semaphore_mem>>)
      %dma_wait3A = arith.constant 0 : i32
      %dma_wait3A_59 = arith.constant 0 : i32
      %dma_wait3A_60 = tpu.memref_slice %arg8[%dma_wait3A, %dma_wait3A_59] : memref<128x128xf32, #tpu.memory_space<vmem>> -> memref<114x128xf32, #tpu.memory_space<vmem>>
      %dma_wait3A_61 = arith.constant 0 : i32
      %dma_wait3A_62 = tpu.memref_slice %arg10[%add3A_26, %dma_wait3A_61] : memref<10016x128xf32, #tpu.memory_space<vmem_shared>> -> memref<114x128xf32, #tpu.memory_space<vmem_shared>>
      %dma_wait3A_63 = arith.constant 0 : i32
      %dma_wait3A_64 = tpu.memref_slice %arg10[%add3A_26, %dma_wait3A_63] : memref<10016x128xf32, #tpu.memory_space<vmem_shared>> -> memref<114x128xf32, #tpu.memory_space<vmem_shared>>
      %dma_wait3A_65 = arith.constant 0 : i32
      %dma_wait3A_66 = arith.constant 0 : i32
      %dma_wait3A_67 = tpu.memref_slice %arg8[%dma_wait3A_65, %dma_wait3A_66] : memref<128x128xf32, #tpu.memory_space<vmem>> -> memref<114x128xf32, #tpu.memory_space<vmem>>
      tpu.wait_dma2 semaphore(%run_scoped3A : memref<!tpu.dma_semaphore, #tpu.memory_space<semaphore_mem>>) src(%dma_wait3A_67 : memref<114x128xf32, #tpu.memory_space<vmem>>) dst(%dma_wait3A_64 : memref<114x128xf32, #tpu.memory_space<vmem_shared>>)
      tpu.yield
    }) : () -> ()
    %mul3A_27 = arith.constant 40 : i32
    %mul3A_28 = arith.muli %add3A, %mul3A_27 : i32
    "tpu.region"() ({
      %run_scoped3A = tpu.sem_alloc : memref<!tpu.dma_semaphore, #tpu.memory_space<semaphore_mem>>
      %dma_start3A_49 = arith.constant 0 : i32
      %dma_start3A_50 = tpu.memref_slice %arg2[%mul3A_28, %dma_start3A_49] : memref<1280x128xi32, #tpu.memory_space<hbm>> -> memref<40x128xi32, #tpu.memory_space<hbm>>
      %dma_start3A_51 = arith.constant 0 : i32
      %dma_start3A_52 = tpu.memref_slice %arg2[%mul3A_28, %dma_start3A_51] : memref<1280x128xi32, #tpu.memory_space<hbm>> -> memref<40x128xi32, #tpu.memory_space<hbm>>
      tpu.enqueue_dma source(%dma_start3A_52 : memref<40x128xi32, #tpu.memory_space<hbm>>) target(%arg6 : memref<40x128xi32, #tpu.memory_space<vmem>>) target_semaphore(%run_scoped3A : memref<!tpu.dma_semaphore, #tpu.memory_space<semaphore_mem>>)
      %dma_wait3A = arith.constant 0 : i32
      %dma_wait3A_53 = tpu.memref_slice %arg2[%mul3A_28, %dma_wait3A] : memref<1280x128xi32, #tpu.memory_space<hbm>> -> memref<40x128xi32, #tpu.memory_space<hbm>>
      %dma_wait3A_54 = arith.constant 0 : i32
      %dma_wait3A_55 = tpu.memref_slice %arg2[%mul3A_28, %dma_wait3A_54] : memref<1280x128xi32, #tpu.memory_space<hbm>> -> memref<40x128xi32, #tpu.memory_space<hbm>>
      tpu.wait_dma2 semaphore(%run_scoped3A : memref<!tpu.dma_semaphore, #tpu.memory_space<semaphore_mem>>) src(%dma_wait3A_55 : memref<40x128xi32, #tpu.memory_space<hbm>>) dst(%arg6 : memref<40x128xi32, #tpu.memory_space<vmem>>)
      tpu.yield
    }) : () -> ()
    %mul3A_29 = arith.constant 40 : i32
    %mul3A_30 = arith.muli %add3A, %mul3A_29 : i32
    "tpu.region"() ({
      %run_scoped3A = tpu.sem_alloc : memref<!tpu.dma_semaphore, #tpu.memory_space<semaphore_mem>>
      %dma_start3A_49 = arith.constant 0 : i32
      %dma_start3A_50 = tpu.memref_slice %arg3[%mul3A_30, %dma_start3A_49] : memref<1280x128xi32, #tpu.memory_space<hbm>> -> memref<40x128xi32, #tpu.memory_space<hbm>>
      %dma_start3A_51 = arith.constant 0 : i32
      %dma_start3A_52 = tpu.memref_slice %arg3[%mul3A_30, %dma_start3A_51] : memref<1280x128xi32, #tpu.memory_space<hbm>> -> memref<40x128xi32, #tpu.memory_space<hbm>>
      tpu.enqueue_dma source(%dma_start3A_52 : memref<40x128xi32, #tpu.memory_space<hbm>>) target(%arg7 : memref<40x128xi32, #tpu.memory_space<vmem>>) target_semaphore(%run_scoped3A : memref<!tpu.dma_semaphore, #tpu.memory_space<semaphore_mem>>)
      %dma_wait3A = arith.constant 0 : i32
      %dma_wait3A_53 = tpu.memref_slice %arg3[%mul3A_30, %dma_wait3A] : memref<1280x128xi32, #tpu.memory_space<hbm>> -> memref<40x128xi32, #tpu.memory_space<hbm>>
      %dma_wait3A_54 = arith.constant 0 : i32
      %dma_wait3A_55 = tpu.memref_slice %arg3[%mul3A_30, %dma_wait3A_54] : memref<1280x128xi32, #tpu.memory_space<hbm>> -> memref<40x128xi32, #tpu.memory_space<hbm>>
      tpu.wait_dma2 semaphore(%run_scoped3A : memref<!tpu.dma_semaphore, #tpu.memory_space<semaphore_mem>>) src(%dma_wait3A_55 : memref<40x128xi32, #tpu.memory_space<hbm>>) dst(%arg7 : memref<40x128xi32, #tpu.memory_space<vmem>>)
      tpu.yield
    }) : () -> ()
    %barrier3A = arith.constant 0 : index
    tpu.barrier barrier_id(%barrier3A)
    %dma_start3A = arith.constant 0 : i32
    %dma_start3A_31 = arith.constant 0 : i32
    %dma_start3A_32 = tpu.memref_slice %arg6[%dma_start3A, %dma_start3A_31] : memref<40x128xi32, #tpu.memory_space<vmem>> -> memref<1x128xi32, #tpu.memory_space<vmem>>
    %dma_start3A_33 = tpu.memref_squeeze %dma_start3A_32 : memref<1x128xi32, #tpu.memory_space<vmem>> -> memref<128xi32, #tpu.memory_space<vmem>>
    %dma_start3A_34 = arith.constant 0 : i32
    %dma_start3A_35 = arith.constant 0 : i32
    %dma_start3A_36 = tpu.memref_slice %arg4[%dma_start3A_34, %dma_start3A_35] : memref<10000x128xf32, #tpu.memory_space<hbm>> -> memref<10000x128xf32, #tpu.memory_space<hbm>>
    tpu.enqueue_indirect_dma source(%dma_start3A_36 : memref<10000x128xf32, #tpu.memory_space<hbm>>) target(%arg8 : memref<128x128xf32, #tpu.memory_space<vmem>>) offsets(%dma_start3A_33 : memref<128xi32, #tpu.memory_space<vmem>>) semaphore(%arg11 : memref<!tpu.dma_semaphore, #tpu.memory_space<semaphore_mem>>)
    %scan3A_37 = arith.constant 0 : i32
    %scan3A_38 = arith.constant 0 : i32
    %scan3A_39 = arith.constant 20 : i32
    %scan3A_40 = arith.addi %scan3A_38, %scan3A_39 : i32
    %scan3A_41 = arith.constant 1 : i32
    %scan3A_42 = scf.for %scan3A_49 = %scan3A_38 to %scan3A_40 step %scan3A_41 iter_args(%scan3A_50 = %scan3A_37) -> (i32)  : i32 {
      %mul3A_51 = arith.constant 2 : i32
      %mul3A_52 = arith.muli %mul3A_51, %scan3A_49 : i32
      %add3A_53 = arith.constant 1 : i32
      %add3A_54 = arith.addi %mul3A_52, %add3A_53 : i32
      %dma_start3A_55 = arith.constant 0 : i32
      %dma_start3A_56 = tpu.memref_slice %arg6[%add3A_54, %dma_start3A_55] : memref<40x128xi32, #tpu.memory_space<vmem>> -> memref<1x128xi32, #tpu.memory_space<vmem>>
      %dma_start3A_57 = tpu.memref_squeeze %dma_start3A_56 : memref<1x128xi32, #tpu.memory_space<vmem>> -> memref<128xi32, #tpu.memory_space<vmem>>
      %dma_start3A_58 = arith.constant 0 : i32
      %dma_start3A_59 = arith.constant 0 : i32
      %dma_start3A_60 = tpu.memref_slice %arg4[%dma_start3A_58, %dma_start3A_59] : memref<10000x128xf32, #tpu.memory_space<hbm>> -> memref<10000x128xf32, #tpu.memory_space<hbm>>
      tpu.enqueue_indirect_dma source(%dma_start3A_60 : memref<10000x128xf32, #tpu.memory_space<hbm>>) target(%arg9 : memref<128x128xf32, #tpu.memory_space<vmem>>) offsets(%dma_start3A_57 : memref<128xi32, #tpu.memory_space<vmem>>) semaphore(%arg12 : memref<!tpu.dma_semaphore, #tpu.memory_space<semaphore_mem>>)
      %dma_wait3A = arith.constant 0 : i32
      %dma_wait3A_61 = tpu.memref_slice %arg6[%mul3A_52, %dma_wait3A] : memref<40x128xi32, #tpu.memory_space<vmem>> -> memref<1x128xi32, #tpu.memory_space<vmem>>
      %dma_wait3A_62 = tpu.memref_squeeze %dma_wait3A_61 : memref<1x128xi32, #tpu.memory_space<vmem>> -> memref<128xi32, #tpu.memory_space<vmem>>
      %dma_wait3A_63 = arith.constant 0 : i32
      %dma_wait3A_64 = arith.constant 0 : i32
      %dma_wait3A_65 = tpu.memref_slice %arg4[%dma_wait3A_63, %dma_wait3A_64] : memref<10000x128xf32, #tpu.memory_space<hbm>> -> memref<10000x128xf32, #tpu.memory_space<hbm>>
      tpu.wait_indirect_dma semaphore(%arg11 : memref<!tpu.dma_semaphore, #tpu.memory_space<semaphore_mem>>) src(%dma_wait3A_65 : memref<10000x128xf32, #tpu.memory_space<hbm>>) dst(%arg8 : memref<128x128xf32, #tpu.memory_space<vmem>>)
      "tpu.region"() ({
        %run_scoped3A = tpu.sem_alloc : memref<!tpu.dma_semaphore, #tpu.memory_space<semaphore_mem>>
        %dma_start3A_81 = arith.constant 0 : i32
        %dma_start3A_82 = tpu.memref_slice %arg7[%mul3A_52, %dma_start3A_81] : memref<40x128xi32, #tpu.memory_space<vmem>> -> memref<1x128xi32, #tpu.memory_space<vmem>>
        %dma_start3A_83 = tpu.memref_squeeze %dma_start3A_82 : memref<1x128xi32, #tpu.memory_space<vmem>> -> memref<128xi32, #tpu.memory_space<vmem>>
        %dma_start3A_84 = arith.constant 0 : i32
        %dma_start3A_85 = arith.constant 0 : i32
        %dma_start3A_86 = tpu.memref_slice %arg10[%dma_start3A_84, %dma_start3A_85] : memref<10016x128xf32, #tpu.memory_space<vmem_shared>> -> memref<10016x128xf32, #tpu.memory_space<vmem_shared>>
        tpu.enqueue_indirect_dma source(%arg8 : memref<128x128xf32, #tpu.memory_space<vmem>>) target(%dma_start3A_86 : memref<10016x128xf32, #tpu.memory_space<vmem_shared>>) offsets(%dma_start3A_83 : memref<128xi32, #tpu.memory_space<vmem>>) semaphore(%run_scoped3A : memref<!tpu.dma_semaphore, #tpu.memory_space<semaphore_mem>>) {add = true}
        %dma_wait3A_87 = arith.constant 0 : i32
        %dma_wait3A_88 = tpu.memref_slice %arg7[%mul3A_52, %dma_wait3A_87] : memref<40x128xi32, #tpu.memory_space<vmem>> -> memref<1x128xi32, #tpu.memory_space<vmem>>
        %dma_wait3A_89 = tpu.memref_squeeze %dma_wait3A_88 : memref<1x128xi32, #tpu.memory_space<vmem>> -> memref<128xi32, #tpu.memory_space<vmem>>
        %dma_wait3A_90 = arith.constant 0 : i32
        %dma_wait3A_91 = arith.constant 0 : i32
        %dma_wait3A_92 = tpu.memref_slice %arg10[%dma_wait3A_90, %dma_wait3A_91] : memref<10016x128xf32, #tpu.memory_space<vmem_shared>> -> memref<10016x128xf32, #tpu.memory_space<vmem_shared>>
        tpu.wait_indirect_dma semaphore(%run_scoped3A : memref<!tpu.dma_semaphore, #tpu.memory_space<semaphore_mem>>) src(%arg8 : memref<128x128xf32, #tpu.memory_space<vmem>>) dst(%dma_wait3A_92 : memref<10016x128xf32, #tpu.memory_space<vmem_shared>>)
        tpu.yield
      }) : () -> ()
      %add3A_66 = arith.constant 2 : i32
      %add3A_67 = arith.addi %mul3A_52, %add3A_66 : i32
      %lt3A = arith.constant 40 : i32
      %lt3A_68 = arith.cmpi slt, %add3A_67, %lt3A : i32
      %convert_element_type3A = arith.extui %lt3A_68 : i1 to i32
      %cond3A = arith.constant 0 : i32
      %cond3A_69 = arith.cmpi ne, %convert_element_type3A, %cond3A : i32
      scf.if %cond3A_69 {
        %add3A_81 = arith.constant 2 : i32
        %add3A_82 = arith.addi %mul3A_52, %add3A_81 : i32
        %dma_start3A_83 = arith.constant 0 : i32
        %dma_start3A_84 = tpu.memref_slice %arg6[%add3A_82, %dma_start3A_83] : memref<40x128xi32, #tpu.memory_space<vmem>> -> memref<1x128xi32, #tpu.memory_space<vmem>>
        %dma_start3A_85 = tpu.memref_squeeze %dma_start3A_84 : memref<1x128xi32, #tpu.memory_space<vmem>> -> memref<128xi32, #tpu.memory_space<vmem>>
        %dma_start3A_86 = arith.constant 0 : i32
        %dma_start3A_87 = arith.constant 0 : i32
        %dma_start3A_88 = tpu.memref_slice %arg4[%dma_start3A_86, %dma_start3A_87] : memref<10000x128xf32, #tpu.memory_space<hbm>> -> memref<10000x128xf32, #tpu.memory_space<hbm>>
        tpu.enqueue_indirect_dma source(%dma_start3A_88 : memref<10000x128xf32, #tpu.memory_space<hbm>>) target(%arg8 : memref<128x128xf32, #tpu.memory_space<vmem>>) offsets(%dma_start3A_85 : memref<128xi32, #tpu.memory_space<vmem>>) semaphore(%arg11 : memref<!tpu.dma_semaphore, #tpu.memory_space<semaphore_mem>>)
      } else {
      }
      %add3A_70 = arith.constant 1 : i32
      %add3A_71 = arith.addi %mul3A_52, %add3A_70 : i32
      %dma_wait3A_72 = arith.constant 0 : i32
      %dma_wait3A_73 = tpu.memref_slice %arg6[%add3A_71, %dma_wait3A_72] : memref<40x128xi32, #tpu.memory_space<vmem>> -> memref<1x128xi32, #tpu.memory_space<vmem>>
      %dma_wait3A_74 = tpu.memref_squeeze %dma_wait3A_73 : memref<1x128xi32, #tpu.memory_space<vmem>> -> memref<128xi32, #tpu.memory_space<vmem>>
      %dma_wait3A_75 = arith.constant 0 : i32
      %dma_wait3A_76 = arith.constant 0 : i32
      %dma_wait3A_77 = tpu.memref_slice %arg4[%dma_wait3A_75, %dma_wait3A_76] : memref<10000x128xf32, #tpu.memory_space<hbm>> -> memref<10000x128xf32, #tpu.memory_space<hbm>>
      tpu.wait_indirect_dma semaphore(%arg12 : memref<!tpu.dma_semaphore, #tpu.memory_space<semaphore_mem>>) src(%dma_wait3A_77 : memref<10000x128xf32, #tpu.memory_space<hbm>>) dst(%arg9 : memref<128x128xf32, #tpu.memory_space<vmem>>)
      %add3A_78 = arith.constant 1 : i32
      %add3A_79 = arith.addi %mul3A_52, %add3A_78 : i32
      "tpu.region"() ({
        %run_scoped3A = tpu.sem_alloc : memref<!tpu.dma_semaphore, #tpu.memory_space<semaphore_mem>>
        %dma_start3A_81 = arith.constant 0 : i32
        %dma_start3A_82 = tpu.memref_slice %arg7[%add3A_79, %dma_start3A_81] : memref<40x128xi32, #tpu.memory_space<vmem>> -> memref<1x128xi32, #tpu.memory_space<vmem>>
        %dma_start3A_83 = tpu.memref_squeeze %dma_start3A_82 : memref<1x128xi32, #tpu.memory_space<vmem>> -> memref<128xi32, #tpu.memory_space<vmem>>
        %dma_start3A_84 = arith.constant 0 : i32
        %dma_start3A_85 = arith.constant 0 : i32
        %dma_start3A_86 = tpu.memref_slice %arg10[%dma_start3A_84, %dma_start3A_85] : memref<10016x128xf32, #tpu.memory_space<vmem_shared>> -> memref<10016x128xf32, #tpu.memory_space<vmem_shared>>
        tpu.enqueue_indirect_dma source(%arg9 : memref<128x128xf32, #tpu.memory_space<vmem>>) target(%dma_start3A_86 : memref<10016x128xf32, #tpu.memory_space<vmem_shared>>) offsets(%dma_start3A_83 : memref<128xi32, #tpu.memory_space<vmem>>) semaphore(%run_scoped3A : memref<!tpu.dma_semaphore, #tpu.memory_space<semaphore_mem>>) {add = true}
        %dma_wait3A_87 = arith.constant 0 : i32
        %dma_wait3A_88 = tpu.memref_slice %arg7[%add3A_79, %dma_wait3A_87] : memref<40x128xi32, #tpu.memory_space<vmem>> -> memref<1x128xi32, #tpu.memory_space<vmem>>
        %dma_wait3A_89 = tpu.memref_squeeze %dma_wait3A_88 : memref<1x128xi32, #tpu.memory_space<vmem>> -> memref<128xi32, #tpu.memory_space<vmem>>
        %dma_wait3A_90 = arith.constant 0 : i32
        %dma_wait3A_91 = arith.constant 0 : i32
        %dma_wait3A_92 = tpu.memref_slice %arg10[%dma_wait3A_90, %dma_wait3A_91] : memref<10016x128xf32, #tpu.memory_space<vmem_shared>> -> memref<10016x128xf32, #tpu.memory_space<vmem_shared>>
        tpu.wait_indirect_dma semaphore(%run_scoped3A : memref<!tpu.dma_semaphore, #tpu.memory_space<semaphore_mem>>) src(%arg9 : memref<128x128xf32, #tpu.memory_space<vmem>>) dst(%dma_wait3A_92 : memref<10016x128xf32, #tpu.memory_space<vmem_shared>>)
        tpu.yield
      }) : () -> ()
      %scan3A_80 = arith.constant 0 : i32
      scf.yield %scan3A_80 : i32
    }
    %scan3A_43 = arith.constant 20 : i32
    %barrier3A_44 = arith.constant 0 : index
    tpu.barrier barrier_id(%barrier3A_44)
    %mul3A_45 = arith.constant 626 : i32
    %mul3A_46 = arith.muli %arg1, %mul3A_45 : i32
    %mul3A_47 = arith.constant 626 : i32
    %mul3A_48 = arith.muli %arg1, %mul3A_47 : i32
    "tpu.region"() ({
      %run_scoped3A = tpu.sem_alloc : memref<!tpu.dma_semaphore, #tpu.memory_space<semaphore_mem>>
      %dma_start3A_49 = arith.constant 0 : i32
      %dma_start3A_50 = tpu.memref_slice %arg5[%arg0, %mul3A_48, %dma_start3A_49] : memref<2x10016x128xf32, #tpu.memory_space<hbm>> -> memref<1x626x128xf32, #tpu.memory_space<hbm>>
      %dma_start3A_51 = tpu.memref_squeeze %dma_start3A_50 : memref<1x626x128xf32, #tpu.memory_space<hbm>> -> memref<626x128xf32, #tpu.memory_space<hbm>>
      %dma_start3A_52 = arith.constant 0 : i32
      %dma_start3A_53 = tpu.memref_slice %arg10[%mul3A_46, %dma_start3A_52] : memref<10016x128xf32, #tpu.memory_space<vmem_shared>> -> memref<626x128xf32, #tpu.memory_space<vmem_shared>>
      tpu.enqueue_dma source(%dma_start3A_53 : memref<626x128xf32, #tpu.memory_space<vmem_shared>>) target(%dma_start3A_51 : memref<626x128xf32, #tpu.memory_space<hbm>>) target_semaphore(%run_scoped3A : memref<!tpu.dma_semaphore, #tpu.memory_space<semaphore_mem>>)
      %dma_wait3A = arith.constant 0 : i32
      %dma_wait3A_54 = tpu.memref_slice %arg5[%arg0, %mul3A_48, %dma_wait3A] : memref<2x10016x128xf32, #tpu.memory_space<hbm>> -> memref<1x626x128xf32, #tpu.memory_space<hbm>>
      %dma_wait3A_55 = tpu.memref_squeeze %dma_wait3A_54 : memref<1x626x128xf32, #tpu.memory_space<hbm>> -> memref<626x128xf32, #tpu.memory_space<hbm>>
      %dma_wait3A_56 = arith.constant 0 : i32
      %dma_wait3A_57 = tpu.memref_slice %arg10[%mul3A_46, %dma_wait3A_56] : memref<10016x128xf32, #tpu.memory_space<vmem_shared>> -> memref<626x128xf32, #tpu.memory_space<vmem_shared>>
      tpu.wait_dma2 semaphore(%run_scoped3A : memref<!tpu.dma_semaphore, #tpu.memory_space<semaphore_mem>>) src(%dma_wait3A_57 : memref<626x128xf32, #tpu.memory_space<vmem_shared>>) dst(%dma_wait3A_55 : memref<626x128xf32, #tpu.memory_space<hbm>>)
      tpu.yield
    }) : () -> ()
    return
  }
}

#map = affine_map<(d0, d1) -> (0, 0)>
#map1 = affine_map<(d0, d1) -> (0, 0, 0)>
module attributes {stable_mosaic.version = 14 : i64} {
  func.func @_agg_body(%arg0: i32, %arg1: i32, %arg2: memref<1280x128xi32, #tpu.memory_space<hbm>>, %arg3: memref<1280x128xi32, #tpu.memory_space<hbm>>, %arg4: memref<10000x128xf32, #tpu.memory_space<hbm>>, %arg5: memref<2x10016x128xf32, #tpu.memory_space<hbm>>, %arg6: memref<40x128xi32, #tpu.memory_space<vmem>>, %arg7: memref<40x128xi32, #tpu.memory_space<vmem>>, %arg8: memref<128x128xf32, #tpu.memory_space<vmem>>, %arg9: memref<128x128xf32, #tpu.memory_space<vmem>>, %arg10: memref<10016x128xf32, #tpu.memory_space<vmem_shared>>, %arg11: memref<!tpu.dma_semaphore, #tpu.memory_space<semaphore_mem>>, %arg12: memref<!tpu.dma_semaphore, #tpu.memory_space<semaphore_mem>>) attributes {dimension_semantics = [#tpu.dimension_semantics<core_parallel>, #tpu.dimension_semantics<subcore_parallel>], iteration_bounds = array<i64: 2, 16>, scalar_prefetch = 0 : i64, scratch_operands = 7 : i64, tpu.core_type = #tpu.core_type<sc_vector_subcore>, window_params = [{transform_indices = #map}, {transform_indices = #map}, {transform_indices = #map}, {transform_indices = #map1}]} {
    %mul3A = arith.constant 16 : i32
    %mul3A_0 = arith.muli %arg0, %mul3A : i32
    %add3A = arith.addi %mul3A_0, %arg1 : i32
    %scan3A = arith.constant 0 : i32
    %scan3A_1 = arith.constant 0 : i32
    %scan3A_2 = arith.constant 128 : i32
    %scan3A_3 = arith.addi %scan3A_1, %scan3A_2 : i32
    %scan3A_4 = arith.constant 1 : i32
    %scan3A_5 = scf.for %scan3A_49 = %scan3A_1 to %scan3A_3 step %scan3A_4 iter_args(%scan3A_50 = %scan3A) -> (i32)  : i32 {
      %broadcast_in_dim3A = arith.constant 0.000000e+00 : f32
      %broadcast_in_dim3A_51 = vector.broadcast %broadcast_in_dim3A : f32 to vector<16xf32>
      %swap3A = arith.index_cast %scan3A_49 : i32 to index
      %swap3A_52 = arith.constant 0 : index
      %swap3A_53 = tpu.vector_load %arg8[%swap3A, %swap3A_52] {strides = array<i32>} : memref<128x128xf32, #tpu.memory_space<vmem>>, vector<1x16xf32>,
      %swap3A_54 = vector.shape_cast %swap3A_53 : vector<1x16xf32> to vector<16xf32>
      %swap3A_55 = vector.shape_cast %broadcast_in_dim3A_51 : vector<16xf32> to vector<1x16xf32>
      tpu.vector_store %arg8[%swap3A, %swap3A_52], %swap3A_55 {strides = array<i32>} : memref<128x128xf32, #tpu.memory_space<vmem>>, vector<1x16xf32>,
      %broadcast_in_dim3A_56 = arith.constant 0.000000e+00 : f32
      %broadcast_in_dim3A_57 = vector.broadcast %broadcast_in_dim3A_56 : f32 to vector<16xf32>
      %swap3A_58 = arith.index_cast %scan3A_49 : i32 to index
      %swap3A_59 = arith.constant 16 : index
      %swap3A_60 = tpu.vector_load %arg8[%swap3A_58, %swap3A_59] {strides = array<i32>} : memref<128x128xf32, #tpu.memory_space<vmem>>, vector<1x16xf32>,
      %swap3A_61 = vector.shape_cast %swap3A_60 : vector<1x16xf32> to vector<16xf32>
      %swap3A_62 = vector.shape_cast %broadcast_in_dim3A_57 : vector<16xf32> to vector<1x16xf32>
      tpu.vector_store %arg8[%swap3A_58, %swap3A_59], %swap3A_62 {strides = array<i32>} : memref<128x128xf32, #tpu.memory_space<vmem>>, vector<1x16xf32>,
      %broadcast_in_dim3A_63 = arith.constant 0.000000e+00 : f32
      %broadcast_in_dim3A_64 = vector.broadcast %broadcast_in_dim3A_63 : f32 to vector<16xf32>
      %swap3A_65 = arith.index_cast %scan3A_49 : i32 to index
      %swap3A_66 = arith.constant 32 : index
      %swap3A_67 = tpu.vector_load %arg8[%swap3A_65, %swap3A_66] {strides = array<i32>} : memref<128x128xf32, #tpu.memory_space<vmem>>, vector<1x16xf32>,
      %swap3A_68 = vector.shape_cast %swap3A_67 : vector<1x16xf32> to vector<16xf32>
      %swap3A_69 = vector.shape_cast %broadcast_in_dim3A_64 : vector<16xf32> to vector<1x16xf32>
      tpu.vector_store %arg8[%swap3A_65, %swap3A_66], %swap3A_69 {strides = array<i32>} : memref<128x128xf32, #tpu.memory_space<vmem>>, vector<1x16xf32>,
      %broadcast_in_dim3A_70 = arith.constant 0.000000e+00 : f32
      %broadcast_in_dim3A_71 = vector.broadcast %broadcast_in_dim3A_70 : f32 to vector<16xf32>
      %swap3A_72 = arith.index_cast %scan3A_49 : i32 to index
      %swap3A_73 = arith.constant 48 : index
      %swap3A_74 = tpu.vector_load %arg8[%swap3A_72, %swap3A_73] {strides = array<i32>} : memref<128x128xf32, #tpu.memory_space<vmem>>, vector<1x16xf32>,
      %swap3A_75 = vector.shape_cast %swap3A_74 : vector<1x16xf32> to vector<16xf32>
      %swap3A_76 = vector.shape_cast %broadcast_in_dim3A_71 : vector<16xf32> to vector<1x16xf32>
      tpu.vector_store %arg8[%swap3A_72, %swap3A_73], %swap3A_76 {strides = array<i32>} : memref<128x128xf32, #tpu.memory_space<vmem>>, vector<1x16xf32>,
      %broadcast_in_dim3A_77 = arith.constant 0.000000e+00 : f32
      %broadcast_in_dim3A_78 = vector.broadcast %broadcast_in_dim3A_77 : f32 to vector<16xf32>
      %swap3A_79 = arith.index_cast %scan3A_49 : i32 to index
      %swap3A_80 = arith.constant 64 : index
      %swap3A_81 = tpu.vector_load %arg8[%swap3A_79, %swap3A_80] {strides = array<i32>} : memref<128x128xf32, #tpu.memory_space<vmem>>, vector<1x16xf32>,
      %swap3A_82 = vector.shape_cast %swap3A_81 : vector<1x16xf32> to vector<16xf32>
      %swap3A_83 = vector.shape_cast %broadcast_in_dim3A_78 : vector<16xf32> to vector<1x16xf32>
      tpu.vector_store %arg8[%swap3A_79, %swap3A_80], %swap3A_83 {strides = array<i32>} : memref<128x128xf32, #tpu.memory_space<vmem>>, vector<1x16xf32>,
      %broadcast_in_dim3A_84 = arith.constant 0.000000e+00 : f32
      %broadcast_in_dim3A_85 = vector.broadcast %broadcast_in_dim3A_84 : f32 to vector<16xf32>
      %swap3A_86 = arith.index_cast %scan3A_49 : i32 to index
      %swap3A_87 = arith.constant 80 : index
      %swap3A_88 = tpu.vector_load %arg8[%swap3A_86, %swap3A_87] {strides = array<i32>} : memref<128x128xf32, #tpu.memory_space<vmem>>, vector<1x16xf32>,
      %swap3A_89 = vector.shape_cast %swap3A_88 : vector<1x16xf32> to vector<16xf32>
      %swap3A_90 = vector.shape_cast %broadcast_in_dim3A_85 : vector<16xf32> to vector<1x16xf32>
      tpu.vector_store %arg8[%swap3A_86, %swap3A_87], %swap3A_90 {strides = array<i32>} : memref<128x128xf32, #tpu.memory_space<vmem>>, vector<1x16xf32>,
      %broadcast_in_dim3A_91 = arith.constant 0.000000e+00 : f32
      %broadcast_in_dim3A_92 = vector.broadcast %broadcast_in_dim3A_91 : f32 to vector<16xf32>
      %swap3A_93 = arith.index_cast %scan3A_49 : i32 to index
      %swap3A_94 = arith.constant 96 : index
      %swap3A_95 = tpu.vector_load %arg8[%swap3A_93, %swap3A_94] {strides = array<i32>} : memref<128x128xf32, #tpu.memory_space<vmem>>, vector<1x16xf32>,
      %swap3A_96 = vector.shape_cast %swap3A_95 : vector<1x16xf32> to vector<16xf32>
      %swap3A_97 = vector.shape_cast %broadcast_in_dim3A_92 : vector<16xf32> to vector<1x16xf32>
      tpu.vector_store %arg8[%swap3A_93, %swap3A_94], %swap3A_97 {strides = array<i32>} : memref<128x128xf32, #tpu.memory_space<vmem>>, vector<1x16xf32>,
      %broadcast_in_dim3A_98 = arith.constant 0.000000e+00 : f32
      %broadcast_in_dim3A_99 = vector.broadcast %broadcast_in_dim3A_98 : f32 to vector<16xf32>
      %swap3A_100 = arith.index_cast %scan3A_49 : i32 to index
      %swap3A_101 = arith.constant 112 : index
      %swap3A_102 = tpu.vector_load %arg8[%swap3A_100, %swap3A_101] {strides = array<i32>} : memref<128x128xf32, #tpu.memory_space<vmem>>, vector<1x16xf32>,
      %swap3A_103 = vector.shape_cast %swap3A_102 : vector<1x16xf32> to vector<16xf32>
      %swap3A_104 = vector.shape_cast %broadcast_in_dim3A_99 : vector<16xf32> to vector<1x16xf32>
      tpu.vector_store %arg8[%swap3A_100, %swap3A_101], %swap3A_104 {strides = array<i32>} : memref<128x128xf32, #tpu.memory_space<vmem>>, vector<1x16xf32>,
      %scan3A_105 = arith.constant 0 : i32
      scf.yield %scan3A_105 : i32
    }
    %scan3A_6 = arith.constant 128 : i32
    %mul3A_7 = arith.constant 626 : i32
    %mul3A_8 = arith.muli %arg1, %mul3A_7 : i32
    %add3A_9 = arith.constant 0 : i32
    %add3A_10 = arith.addi %mul3A_8, %add3A_9 : i32
    "tpu.region"() ({
      %run_scoped3A = tpu.sem_alloc : memref<!tpu.dma_semaphore, #tpu.memory_space<semaphore_mem>>
      %dma_start3A_49 = arith.constant 0 : i32
      %dma_start3A_50 = tpu.memref_slice %arg10[%add3A_10, %dma_start3A_49] : memref<10016x128xf32, #tpu.memory_space<vmem_shared>> -> memref<128x128xf32, #tpu.memory_space<vmem_shared>>
      %dma_start3A_51 = arith.constant 0 : i32
      %dma_start3A_52 = tpu.memref_slice %arg10[%add3A_10, %dma_start3A_51] : memref<10016x128xf32, #tpu.memory_space<vmem_shared>> -> memref<128x128xf32, #tpu.memory_space<vmem_shared>>
      tpu.enqueue_dma source(%arg8 : memref<128x128xf32, #tpu.memory_space<vmem>>) target(%dma_start3A_52 : memref<128x128xf32, #tpu.memory_space<vmem_shared>>) target_semaphore(%run_scoped3A : memref<!tpu.dma_semaphore, #tpu.memory_space<semaphore_mem>>)
      %dma_wait3A = arith.constant 0 : i32
      %dma_wait3A_53 = tpu.memref_slice %arg10[%add3A_10, %dma_wait3A] : memref<10016x128xf32, #tpu.memory_space<vmem_shared>> -> memref<128x128xf32, #tpu.memory_space<vmem_shared>>
      %dma_wait3A_54 = arith.constant 0 : i32
      %dma_wait3A_55 = tpu.memref_slice %arg10[%add3A_10, %dma_wait3A_54] : memref<10016x128xf32, #tpu.memory_space<vmem_shared>> -> memref<128x128xf32, #tpu.memory_space<vmem_shared>>
      tpu.wait_dma2 semaphore(%run_scoped3A : memref<!tpu.dma_semaphore, #tpu.memory_space<semaphore_mem>>) src(%arg8 : memref<128x128xf32, #tpu.memory_space<vmem>>) dst(%dma_wait3A_55 : memref<128x128xf32, #tpu.memory_space<vmem_shared>>)
      tpu.yield
    }) : () -> ()
    %mul3A_11 = arith.constant 626 : i32
    %mul3A_12 = arith.muli %arg1, %mul3A_11 : i32
    %add3A_13 = arith.constant 128 : i32
    %add3A_14 = arith.addi %mul3A_12, %add3A_13 : i32
    "tpu.region"() ({
      %run_scoped3A = tpu.sem_alloc : memref<!tpu.dma_semaphore, #tpu.memory_space<semaphore_mem>>
      %dma_start3A_49 = arith.constant 0 : i32
      %dma_start3A_50 = tpu.memref_slice %arg10[%add3A_14, %dma_start3A_49] : memref<10016x128xf32, #tpu.memory_space<vmem_shared>> -> memref<128x128xf32, #tpu.memory_space<vmem_shared>>
      %dma_start3A_51 = arith.constant 0 : i32
      %dma_start3A_52 = tpu.memref_slice %arg10[%add3A_14, %dma_start3A_51] : memref<10016x128xf32, #tpu.memory_space<vmem_shared>> -> memref<128x128xf32, #tpu.memory_space<vmem_shared>>
      tpu.enqueue_dma source(%arg8 : memref<128x128xf32, #tpu.memory_space<vmem>>) target(%dma_start3A_52 : memref<128x128xf32, #tpu.memory_space<vmem_shared>>) target_semaphore(%run_scoped3A : memref<!tpu.dma_semaphore, #tpu.memory_space<semaphore_mem>>)
      %dma_wait3A = arith.constant 0 : i32
      %dma_wait3A_53 = tpu.memref_slice %arg10[%add3A_14, %dma_wait3A] : memref<10016x128xf32, #tpu.memory_space<vmem_shared>> -> memref<128x128xf32, #tpu.memory_space<vmem_shared>>
      %dma_wait3A_54 = arith.constant 0 : i32
      %dma_wait3A_55 = tpu.memref_slice %arg10[%add3A_14, %dma_wait3A_54] : memref<10016x128xf32, #tpu.memory_space<vmem_shared>> -> memref<128x128xf32, #tpu.memory_space<vmem_shared>>
      tpu.wait_dma2 semaphore(%run_scoped3A : memref<!tpu.dma_semaphore, #tpu.memory_space<semaphore_mem>>) src(%arg8 : memref<128x128xf32, #tpu.memory_space<vmem>>) dst(%dma_wait3A_55 : memref<128x128xf32, #tpu.memory_space<vmem_shared>>)
      tpu.yield
    }) : () -> ()
    %mul3A_15 = arith.constant 626 : i32
    %mul3A_16 = arith.muli %arg1, %mul3A_15 : i32
    %add3A_17 = arith.constant 256 : i32
    %add3A_18 = arith.addi %mul3A_16, %add3A_17 : i32
    "tpu.region"() ({
      %run_scoped3A = tpu.sem_alloc : memref<!tpu.dma_semaphore, #tpu.memory_space<semaphore_mem>>
      %dma_start3A_49 = arith.constant 0 : i32
      %dma_start3A_50 = tpu.memref_slice %arg10[%add3A_18, %dma_start3A_49] : memref<10016x128xf32, #tpu.memory_space<vmem_shared>> -> memref<128x128xf32, #tpu.memory_space<vmem_shared>>
      %dma_start3A_51 = arith.constant 0 : i32
      %dma_start3A_52 = tpu.memref_slice %arg10[%add3A_18, %dma_start3A_51] : memref<10016x128xf32, #tpu.memory_space<vmem_shared>> -> memref<128x128xf32, #tpu.memory_space<vmem_shared>>
      tpu.enqueue_dma source(%arg8 : memref<128x128xf32, #tpu.memory_space<vmem>>) target(%dma_start3A_52 : memref<128x128xf32, #tpu.memory_space<vmem_shared>>) target_semaphore(%run_scoped3A : memref<!tpu.dma_semaphore, #tpu.memory_space<semaphore_mem>>)
      %dma_wait3A = arith.constant 0 : i32
      %dma_wait3A_53 = tpu.memref_slice %arg10[%add3A_18, %dma_wait3A] : memref<10016x128xf32, #tpu.memory_space<vmem_shared>> -> memref<128x128xf32, #tpu.memory_space<vmem_shared>>
      %dma_wait3A_54 = arith.constant 0 : i32
      %dma_wait3A_55 = tpu.memref_slice %arg10[%add3A_18, %dma_wait3A_54] : memref<10016x128xf32, #tpu.memory_space<vmem_shared>> -> memref<128x128xf32, #tpu.memory_space<vmem_shared>>
      tpu.wait_dma2 semaphore(%run_scoped3A : memref<!tpu.dma_semaphore, #tpu.memory_space<semaphore_mem>>) src(%arg8 : memref<128x128xf32, #tpu.memory_space<vmem>>) dst(%dma_wait3A_55 : memref<128x128xf32, #tpu.memory_space<vmem_shared>>)
      tpu.yield
    }) : () -> ()
    %mul3A_19 = arith.constant 626 : i32
    %mul3A_20 = arith.muli %arg1, %mul3A_19 : i32
    %add3A_21 = arith.constant 384 : i32
    %add3A_22 = arith.addi %mul3A_20, %add3A_21 : i32
    "tpu.region"() ({
      %run_scoped3A = tpu.sem_alloc : memref<!tpu.dma_semaphore, #tpu.memory_space<semaphore_mem>>
      %dma_start3A_49 = arith.constant 0 : i32
      %dma_start3A_50 = tpu.memref_slice %arg10[%add3A_22, %dma_start3A_49] : memref<10016x128xf32, #tpu.memory_space<vmem_shared>> -> memref<128x128xf32, #tpu.memory_space<vmem_shared>>
      %dma_start3A_51 = arith.constant 0 : i32
      %dma_start3A_52 = tpu.memref_slice %arg10[%add3A_22, %dma_start3A_51] : memref<10016x128xf32, #tpu.memory_space<vmem_shared>> -> memref<128x128xf32, #tpu.memory_space<vmem_shared>>
      tpu.enqueue_dma source(%arg8 : memref<128x128xf32, #tpu.memory_space<vmem>>) target(%dma_start3A_52 : memref<128x128xf32, #tpu.memory_space<vmem_shared>>) target_semaphore(%run_scoped3A : memref<!tpu.dma_semaphore, #tpu.memory_space<semaphore_mem>>)
      %dma_wait3A = arith.constant 0 : i32
      %dma_wait3A_53 = tpu.memref_slice %arg10[%add3A_22, %dma_wait3A] : memref<10016x128xf32, #tpu.memory_space<vmem_shared>> -> memref<128x128xf32, #tpu.memory_space<vmem_shared>>
      %dma_wait3A_54 = arith.constant 0 : i32
      %dma_wait3A_55 = tpu.memref_slice %arg10[%add3A_22, %dma_wait3A_54] : memref<10016x128xf32, #tpu.memory_space<vmem_shared>> -> memref<128x128xf32, #tpu.memory_space<vmem_shared>>
      tpu.wait_dma2 semaphore(%run_scoped3A : memref<!tpu.dma_semaphore, #tpu.memory_space<semaphore_mem>>) src(%arg8 : memref<128x128xf32, #tpu.memory_space<vmem>>) dst(%dma_wait3A_55 : memref<128x128xf32, #tpu.memory_space<vmem_shared>>)
      tpu.yield
    }) : () -> ()
    %mul3A_23 = arith.constant 626 : i32
    %mul3A_24 = arith.muli %arg1, %mul3A_23 : i32
    %add3A_25 = arith.constant 512 : i32
    %add3A_26 = arith.addi %mul3A_24, %add3A_25 : i32
    "tpu.region"() ({
      %run_scoped3A = tpu.sem_alloc : memref<!tpu.dma_semaphore, #tpu.memory_space<semaphore_mem>>
      %dma_start3A_49 = arith.constant 0 : i32
      %dma_start3A_50 = arith.constant 0 : i32
      %dma_start3A_51 = tpu.memref_slice %arg8[%dma_start3A_49, %dma_start3A_50] : memref<128x128xf32, #tpu.memory_space<vmem>> -> memref<114x128xf32, #tpu.memory_space<vmem>>
      %dma_start3A_52 = arith.constant 0 : i32
      %dma_start3A_53 = tpu.memref_slice %arg10[%add3A_26, %dma_start3A_52] : memref<10016x128xf32, #tpu.memory_space<vmem_shared>> -> memref<114x128xf32, #tpu.memory_space<vmem_shared>>
      %dma_start3A_54 = arith.constant 0 : i32
      %dma_start3A_55 = tpu.memref_slice %arg10[%add3A_26, %dma_start3A_54] : memref<10016x128xf32, #tpu.memory_space<vmem_shared>> -> memref<114x128xf32, #tpu.memory_space<vmem_shared>>
      %dma_start3A_56 = arith.constant 0 : i32
      %dma_start3A_57 = arith.constant 0 : i32
      %dma_start3A_58 = tpu.memref_slice %arg8[%dma_start3A_56, %dma_start3A_57] : memref<128x128xf32, #tpu.memory_space<vmem>> -> memref<114x128xf32, #tpu.memory_space<vmem>>
      tpu.enqueue_dma source(%dma_start3A_58 : memref<114x128xf32, #tpu.memory_space<vmem>>) target(%dma_start3A_55 : memref<114x128xf32, #tpu.memory_space<vmem_shared>>) target_semaphore(%run_scoped3A : memref<!tpu.dma_semaphore, #tpu.memory_space<semaphore_mem>>)
      %dma_wait3A = arith.constant 0 : i32
      %dma_wait3A_59 = arith.constant 0 : i32
      %dma_wait3A_60 = tpu.memref_slice %arg8[%dma_wait3A, %dma_wait3A_59] : memref<128x128xf32, #tpu.memory_space<vmem>> -> memref<114x128xf32, #tpu.memory_space<vmem>>
      %dma_wait3A_61 = arith.constant 0 : i32
      %dma_wait3A_62 = tpu.memref_slice %arg10[%add3A_26, %dma_wait3A_61] : memref<10016x128xf32, #tpu.memory_space<vmem_shared>> -> memref<114x128xf32, #tpu.memory_space<vmem_shared>>
      %dma_wait3A_63 = arith.constant 0 : i32
      %dma_wait3A_64 = tpu.memref_slice %arg10[%add3A_26, %dma_wait3A_63] : memref<10016x128xf32, #tpu.memory_space<vmem_shared>> -> memref<114x128xf32, #tpu.memory_space<vmem_shared>>
      %dma_wait3A_65 = arith.constant 0 : i32
      %dma_wait3A_66 = arith.constant 0 : i32
      %dma_wait3A_67 = tpu.memref_slice %arg8[%dma_wait3A_65, %dma_wait3A_66] : memref<128x128xf32, #tpu.memory_space<vmem>> -> memref<114x128xf32, #tpu.memory_space<vmem>>
      tpu.wait_dma2 semaphore(%run_scoped3A : memref<!tpu.dma_semaphore, #tpu.memory_space<semaphore_mem>>) src(%dma_wait3A_67 : memref<114x128xf32, #tpu.memory_space<vmem>>) dst(%dma_wait3A_64 : memref<114x128xf32, #tpu.memory_space<vmem_shared>>)
      tpu.yield
    }) : () -> ()
    %mul3A_27 = arith.constant 40 : i32
    %mul3A_28 = arith.muli %add3A, %mul3A_27 : i32
    "tpu.region"() ({
      %run_scoped3A = tpu.sem_alloc : memref<!tpu.dma_semaphore, #tpu.memory_space<semaphore_mem>>
      %dma_start3A_49 = arith.constant 0 : i32
      %dma_start3A_50 = tpu.memref_slice %arg2[%mul3A_28, %dma_start3A_49] : memref<1280x128xi32, #tpu.memory_space<hbm>> -> memref<40x128xi32, #tpu.memory_space<hbm>>
      %dma_start3A_51 = arith.constant 0 : i32
      %dma_start3A_52 = tpu.memref_slice %arg2[%mul3A_28, %dma_start3A_51] : memref<1280x128xi32, #tpu.memory_space<hbm>> -> memref<40x128xi32, #tpu.memory_space<hbm>>
      tpu.enqueue_dma source(%dma_start3A_52 : memref<40x128xi32, #tpu.memory_space<hbm>>) target(%arg6 : memref<40x128xi32, #tpu.memory_space<vmem>>) target_semaphore(%run_scoped3A : memref<!tpu.dma_semaphore, #tpu.memory_space<semaphore_mem>>)
      %dma_wait3A = arith.constant 0 : i32
      %dma_wait3A_53 = tpu.memref_slice %arg2[%mul3A_28, %dma_wait3A] : memref<1280x128xi32, #tpu.memory_space<hbm>> -> memref<40x128xi32, #tpu.memory_space<hbm>>
      %dma_wait3A_54 = arith.constant 0 : i32
      %dma_wait3A_55 = tpu.memref_slice %arg2[%mul3A_28, %dma_wait3A_54] : memref<1280x128xi32, #tpu.memory_space<hbm>> -> memref<40x128xi32, #tpu.memory_space<hbm>>
      tpu.wait_dma2 semaphore(%run_scoped3A : memref<!tpu.dma_semaphore, #tpu.memory_space<semaphore_mem>>) src(%dma_wait3A_55 : memref<40x128xi32, #tpu.memory_space<hbm>>) dst(%arg6 : memref<40x128xi32, #tpu.memory_space<vmem>>)
      tpu.yield
    }) : () -> ()
    %mul3A_29 = arith.constant 40 : i32
    %mul3A_30 = arith.muli %add3A, %mul3A_29 : i32
    "tpu.region"() ({
      %run_scoped3A = tpu.sem_alloc : memref<!tpu.dma_semaphore, #tpu.memory_space<semaphore_mem>>
      %dma_start3A_49 = arith.constant 0 : i32
      %dma_start3A_50 = tpu.memref_slice %arg3[%mul3A_30, %dma_start3A_49] : memref<1280x128xi32, #tpu.memory_space<hbm>> -> memref<40x128xi32, #tpu.memory_space<hbm>>
      %dma_start3A_51 = arith.constant 0 : i32
      %dma_start3A_52 = tpu.memref_slice %arg3[%mul3A_30, %dma_start3A_51] : memref<1280x128xi32, #tpu.memory_space<hbm>> -> memref<40x128xi32, #tpu.memory_space<hbm>>
      tpu.enqueue_dma source(%dma_start3A_52 : memref<40x128xi32, #tpu.memory_space<hbm>>) target(%arg7 : memref<40x128xi32, #tpu.memory_space<vmem>>) target_semaphore(%run_scoped3A : memref<!tpu.dma_semaphore, #tpu.memory_space<semaphore_mem>>)
      %dma_wait3A = arith.constant 0 : i32
      %dma_wait3A_53 = tpu.memref_slice %arg3[%mul3A_30, %dma_wait3A] : memref<1280x128xi32, #tpu.memory_space<hbm>> -> memref<40x128xi32, #tpu.memory_space<hbm>>
      %dma_wait3A_54 = arith.constant 0 : i32
      %dma_wait3A_55 = tpu.memref_slice %arg3[%mul3A_30, %dma_wait3A_54] : memref<1280x128xi32, #tpu.memory_space<hbm>> -> memref<40x128xi32, #tpu.memory_space<hbm>>
      tpu.wait_dma2 semaphore(%run_scoped3A : memref<!tpu.dma_semaphore, #tpu.memory_space<semaphore_mem>>) src(%dma_wait3A_55 : memref<40x128xi32, #tpu.memory_space<hbm>>) dst(%arg7 : memref<40x128xi32, #tpu.memory_space<vmem>>)
      tpu.yield
    }) : () -> ()
    %barrier3A = arith.constant 0 : index
    tpu.barrier barrier_id(%barrier3A)
    %dma_start3A = arith.constant 0 : i32
    %dma_start3A_31 = arith.constant 0 : i32
    %dma_start3A_32 = tpu.memref_slice %arg6[%dma_start3A, %dma_start3A_31] : memref<40x128xi32, #tpu.memory_space<vmem>> -> memref<1x128xi32, #tpu.memory_space<vmem>>
    %dma_start3A_33 = tpu.memref_squeeze %dma_start3A_32 : memref<1x128xi32, #tpu.memory_space<vmem>> -> memref<128xi32, #tpu.memory_space<vmem>>
    %dma_start3A_34 = arith.constant 0 : i32
    %dma_start3A_35 = arith.constant 0 : i32
    %dma_start3A_36 = tpu.memref_slice %arg4[%dma_start3A_34, %dma_start3A_35] : memref<10000x128xf32, #tpu.memory_space<hbm>> -> memref<10000x128xf32, #tpu.memory_space<hbm>>
    tpu.enqueue_indirect_dma source(%dma_start3A_36 : memref<10000x128xf32, #tpu.memory_space<hbm>>) target(%arg8 : memref<128x128xf32, #tpu.memory_space<vmem>>) offsets(%dma_start3A_33 : memref<128xi32, #tpu.memory_space<vmem>>) semaphore(%arg11 : memref<!tpu.dma_semaphore, #tpu.memory_space<semaphore_mem>>)
    %scan3A_37 = arith.constant 0 : i32
    %scan3A_38 = arith.constant 0 : i32
    %scan3A_39 = arith.constant 20 : i32
    %scan3A_40 = arith.addi %scan3A_38, %scan3A_39 : i32
    %scan3A_41 = arith.constant 1 : i32
    %scan3A_42 = scf.for %scan3A_49 = %scan3A_38 to %scan3A_40 step %scan3A_41 iter_args(%scan3A_50 = %scan3A_37) -> (i32)  : i32 {
      %mul3A_51 = arith.constant 2 : i32
      %mul3A_52 = arith.muli %mul3A_51, %scan3A_49 : i32
      %add3A_53 = arith.constant 1 : i32
      %add3A_54 = arith.addi %mul3A_52, %add3A_53 : i32
      %dma_start3A_55 = arith.constant 0 : i32
      %dma_start3A_56 = tpu.memref_slice %arg6[%add3A_54, %dma_start3A_55] : memref<40x128xi32, #tpu.memory_space<vmem>> -> memref<1x128xi32, #tpu.memory_space<vmem>>
      %dma_start3A_57 = tpu.memref_squeeze %dma_start3A_56 : memref<1x128xi32, #tpu.memory_space<vmem>> -> memref<128xi32, #tpu.memory_space<vmem>>
      %dma_start3A_58 = arith.constant 0 : i32
      %dma_start3A_59 = arith.constant 0 : i32
      %dma_start3A_60 = tpu.memref_slice %arg4[%dma_start3A_58, %dma_start3A_59] : memref<10000x128xf32, #tpu.memory_space<hbm>> -> memref<10000x128xf32, #tpu.memory_space<hbm>>
      tpu.enqueue_indirect_dma source(%dma_start3A_60 : memref<10000x128xf32, #tpu.memory_space<hbm>>) target(%arg9 : memref<128x128xf32, #tpu.memory_space<vmem>>) offsets(%dma_start3A_57 : memref<128xi32, #tpu.memory_space<vmem>>) semaphore(%arg12 : memref<!tpu.dma_semaphore, #tpu.memory_space<semaphore_mem>>)
      %dma_wait3A = arith.constant 0 : i32
      %dma_wait3A_61 = tpu.memref_slice %arg6[%mul3A_52, %dma_wait3A] : memref<40x128xi32, #tpu.memory_space<vmem>> -> memref<1x128xi32, #tpu.memory_space<vmem>>
      %dma_wait3A_62 = tpu.memref_squeeze %dma_wait3A_61 : memref<1x128xi32, #tpu.memory_space<vmem>> -> memref<128xi32, #tpu.memory_space<vmem>>
      %dma_wait3A_63 = arith.constant 0 : i32
      %dma_wait3A_64 = arith.constant 0 : i32
      %dma_wait3A_65 = tpu.memref_slice %arg4[%dma_wait3A_63, %dma_wait3A_64] : memref<10000x128xf32, #tpu.memory_space<hbm>> -> memref<10000x128xf32, #tpu.memory_space<hbm>>
      tpu.wait_indirect_dma semaphore(%arg11 : memref<!tpu.dma_semaphore, #tpu.memory_space<semaphore_mem>>) src(%dma_wait3A_65 : memref<10000x128xf32, #tpu.memory_space<hbm>>) dst(%arg8 : memref<128x128xf32, #tpu.memory_space<vmem>>)
      "tpu.region"() ({
        %run_scoped3A = tpu.sem_alloc : memref<!tpu.dma_semaphore, #tpu.memory_space<semaphore_mem>>
        %dma_start3A_81 = arith.constant 0 : i32
        %dma_start3A_82 = tpu.memref_slice %arg7[%mul3A_52, %dma_start3A_81] : memref<40x128xi32, #tpu.memory_space<vmem>> -> memref<1x128xi32, #tpu.memory_space<vmem>>
        %dma_start3A_83 = tpu.memref_squeeze %dma_start3A_82 : memref<1x128xi32, #tpu.memory_space<vmem>> -> memref<128xi32, #tpu.memory_space<vmem>>
        %dma_start3A_84 = arith.constant 0 : i32
        %dma_start3A_85 = arith.constant 0 : i32
        %dma_start3A_86 = tpu.memref_slice %arg10[%dma_start3A_84, %dma_start3A_85] : memref<10016x128xf32, #tpu.memory_space<vmem_shared>> -> memref<10016x128xf32, #tpu.memory_space<vmem_shared>>
        tpu.enqueue_indirect_dma source(%arg8 : memref<128x128xf32, #tpu.memory_space<vmem>>) target(%dma_start3A_86 : memref<10016x128xf32, #tpu.memory_space<vmem_shared>>) offsets(%dma_start3A_83 : memref<128xi32, #tpu.memory_space<vmem>>) semaphore(%run_scoped3A : memref<!tpu.dma_semaphore, #tpu.memory_space<semaphore_mem>>) {add = true}
        %dma_wait3A_87 = arith.constant 0 : i32
        %dma_wait3A_88 = tpu.memref_slice %arg7[%mul3A_52, %dma_wait3A_87] : memref<40x128xi32, #tpu.memory_space<vmem>> -> memref<1x128xi32, #tpu.memory_space<vmem>>
        %dma_wait3A_89 = tpu.memref_squeeze %dma_wait3A_88 : memref<1x128xi32, #tpu.memory_space<vmem>> -> memref<128xi32, #tpu.memory_space<vmem>>
        %dma_wait3A_90 = arith.constant 0 : i32
        %dma_wait3A_91 = arith.constant 0 : i32
        %dma_wait3A_92 = tpu.memref_slice %arg10[%dma_wait3A_90, %dma_wait3A_91] : memref<10016x128xf32, #tpu.memory_space<vmem_shared>> -> memref<10016x128xf32, #tpu.memory_space<vmem_shared>>
        tpu.wait_indirect_dma semaphore(%run_scoped3A : memref<!tpu.dma_semaphore, #tpu.memory_space<semaphore_mem>>) src(%arg8 : memref<128x128xf32, #tpu.memory_space<vmem>>) dst(%dma_wait3A_92 : memref<10016x128xf32, #tpu.memory_space<vmem_shared>>)
        tpu.yield
      }) : () -> ()
      %add3A_66 = arith.constant 2 : i32
      %add3A_67 = arith.addi %mul3A_52, %add3A_66 : i32
      %lt3A = arith.constant 40 : i32
      %lt3A_68 = arith.cmpi slt, %add3A_67, %lt3A : i32
      %convert_element_type3A = arith.extui %lt3A_68 : i1 to i32
      %cond3A = arith.constant 0 : i32
      %cond3A_69 = arith.cmpi ne, %convert_element_type3A, %cond3A : i32
      scf.if %cond3A_69 {
        %add3A_81 = arith.constant 2 : i32
        %add3A_82 = arith.addi %mul3A_52, %add3A_81 : i32
        %dma_start3A_83 = arith.constant 0 : i32
        %dma_start3A_84 = tpu.memref_slice %arg6[%add3A_82, %dma_start3A_83] : memref<40x128xi32, #tpu.memory_space<vmem>> -> memref<1x128xi32, #tpu.memory_space<vmem>>
        %dma_start3A_85 = tpu.memref_squeeze %dma_start3A_84 : memref<1x128xi32, #tpu.memory_space<vmem>> -> memref<128xi32, #tpu.memory_space<vmem>>
        %dma_start3A_86 = arith.constant 0 : i32
        %dma_start3A_87 = arith.constant 0 : i32
        %dma_start3A_88 = tpu.memref_slice %arg4[%dma_start3A_86, %dma_start3A_87] : memref<10000x128xf32, #tpu.memory_space<hbm>> -> memref<10000x128xf32, #tpu.memory_space<hbm>>
        tpu.enqueue_indirect_dma source(%dma_start3A_88 : memref<10000x128xf32, #tpu.memory_space<hbm>>) target(%arg8 : memref<128x128xf32, #tpu.memory_space<vmem>>) offsets(%dma_start3A_85 : memref<128xi32, #tpu.memory_space<vmem>>) semaphore(%arg11 : memref<!tpu.dma_semaphore, #tpu.memory_space<semaphore_mem>>)
      } else {
      }
      %add3A_70 = arith.constant 1 : i32
      %add3A_71 = arith.addi %mul3A_52, %add3A_70 : i32
      %dma_wait3A_72 = arith.constant 0 : i32
      %dma_wait3A_73 = tpu.memref_slice %arg6[%add3A_71, %dma_wait3A_72] : memref<40x128xi32, #tpu.memory_space<vmem>> -> memref<1x128xi32, #tpu.memory_space<vmem>>
      %dma_wait3A_74 = tpu.memref_squeeze %dma_wait3A_73 : memref<1x128xi32, #tpu.memory_space<vmem>> -> memref<128xi32, #tpu.memory_space<vmem>>
      %dma_wait3A_75 = arith.constant 0 : i32
      %dma_wait3A_76 = arith.constant 0 : i32
      %dma_wait3A_77 = tpu.memref_slice %arg4[%dma_wait3A_75, %dma_wait3A_76] : memref<10000x128xf32, #tpu.memory_space<hbm>> -> memref<10000x128xf32, #tpu.memory_space<hbm>>
      tpu.wait_indirect_dma semaphore(%arg12 : memref<!tpu.dma_semaphore, #tpu.memory_space<semaphore_mem>>) src(%dma_wait3A_77 : memref<10000x128xf32, #tpu.memory_space<hbm>>) dst(%arg9 : memref<128x128xf32, #tpu.memory_space<vmem>>)
      %add3A_78 = arith.constant 1 : i32
      %add3A_79 = arith.addi %mul3A_52, %add3A_78 : i32
      "tpu.region"() ({
        %run_scoped3A = tpu.sem_alloc : memref<!tpu.dma_semaphore, #tpu.memory_space<semaphore_mem>>
        %dma_start3A_81 = arith.constant 0 : i32
        %dma_start3A_82 = tpu.memref_slice %arg7[%add3A_79, %dma_start3A_81] : memref<40x128xi32, #tpu.memory_space<vmem>> -> memref<1x128xi32, #tpu.memory_space<vmem>>
        %dma_start3A_83 = tpu.memref_squeeze %dma_start3A_82 : memref<1x128xi32, #tpu.memory_space<vmem>> -> memref<128xi32, #tpu.memory_space<vmem>>
        %dma_start3A_84 = arith.constant 0 : i32
        %dma_start3A_85 = arith.constant 0 : i32
        %dma_start3A_86 = tpu.memref_slice %arg10[%dma_start3A_84, %dma_start3A_85] : memref<10016x128xf32, #tpu.memory_space<vmem_shared>> -> memref<10016x128xf32, #tpu.memory_space<vmem_shared>>
        tpu.enqueue_indirect_dma source(%arg9 : memref<128x128xf32, #tpu.memory_space<vmem>>) target(%dma_start3A_86 : memref<10016x128xf32, #tpu.memory_space<vmem_shared>>) offsets(%dma_start3A_83 : memref<128xi32, #tpu.memory_space<vmem>>) semaphore(%run_scoped3A : memref<!tpu.dma_semaphore, #tpu.memory_space<semaphore_mem>>) {add = true}
        %dma_wait3A_87 = arith.constant 0 : i32
        %dma_wait3A_88 = tpu.memref_slice %arg7[%add3A_79, %dma_wait3A_87] : memref<40x128xi32, #tpu.memory_space<vmem>> -> memref<1x128xi32, #tpu.memory_space<vmem>>
        %dma_wait3A_89 = tpu.memref_squeeze %dma_wait3A_88 : memref<1x128xi32, #tpu.memory_space<vmem>> -> memref<128xi32, #tpu.memory_space<vmem>>
        %dma_wait3A_90 = arith.constant 0 : i32
        %dma_wait3A_91 = arith.constant 0 : i32
        %dma_wait3A_92 = tpu.memref_slice %arg10[%dma_wait3A_90, %dma_wait3A_91] : memref<10016x128xf32, #tpu.memory_space<vmem_shared>> -> memref<10016x128xf32, #tpu.memory_space<vmem_shared>>
        tpu.wait_indirect_dma semaphore(%run_scoped3A : memref<!tpu.dma_semaphore, #tpu.memory_space<semaphore_mem>>) src(%arg9 : memref<128x128xf32, #tpu.memory_space<vmem>>) dst(%dma_wait3A_92 : memref<10016x128xf32, #tpu.memory_space<vmem_shared>>)
        tpu.yield
      }) : () -> ()
      %scan3A_80 = arith.constant 0 : i32
      scf.yield %scan3A_80 : i32
    }
    %scan3A_43 = arith.constant 20 : i32
    %barrier3A_44 = arith.constant 0 : index
    tpu.barrier barrier_id(%barrier3A_44)
    %mul3A_45 = arith.constant 626 : i32
    %mul3A_46 = arith.muli %arg1, %mul3A_45 : i32
    %mul3A_47 = arith.constant 626 : i32
    %mul3A_48 = arith.muli %arg1, %mul3A_47 : i32
    "tpu.region"() ({
      %run_scoped3A = tpu.sem_alloc : memref<!tpu.dma_semaphore, #tpu.memory_space<semaphore_mem>>
      %dma_start3A_49 = arith.constant 0 : i32
      %dma_start3A_50 = tpu.memref_slice %arg5[%arg0, %mul3A_48, %dma_start3A_49] : memref<2x10016x128xf32, #tpu.memory_space<hbm>> -> memref<1x626x128xf32, #tpu.memory_space<hbm>>
      %dma_start3A_51 = tpu.memref_squeeze %dma_start3A_50 : memref<1x626x128xf32, #tpu.memory_space<hbm>> -> memref<626x128xf32, #tpu.memory_space<hbm>>
      %dma_start3A_52 = arith.constant 0 : i32
      %dma_start3A_53 = tpu.memref_slice %arg10[%mul3A_46, %dma_start3A_52] : memref<10016x128xf32, #tpu.memory_space<vmem_shared>> -> memref<626x128xf32, #tpu.memory_space<vmem_shared>>
      tpu.enqueue_dma source(%dma_start3A_53 : memref<626x128xf32, #tpu.memory_space<vmem_shared>>) target(%dma_start3A_51 : memref<626x128xf32, #tpu.memory_space<hbm>>) target_semaphore(%run_scoped3A : memref<!tpu.dma_semaphore, #tpu.memory_space<semaphore_mem>>)
      %dma_wait3A = arith.constant 0 : i32
      %dma_wait3A_54 = tpu.memref_slice %arg5[%arg0, %mul3A_48, %dma_wait3A] : memref<2x10016x128xf32, #tpu.memory_space<hbm>> -> memref<1x626x128xf32, #tpu.memory_space<hbm>>
      %dma_wait3A_55 = tpu.memref_squeeze %dma_wait3A_54 : memref<1x626x128xf32, #tpu.memory_space<hbm>> -> memref<626x128xf32, #tpu.memory_space<hbm>>
      %dma_wait3A_56 = arith.constant 0 : i32
      %dma_wait3A_57 = tpu.memref_slice %arg10[%mul3A_46, %dma_wait3A_56] : memref<10016x128xf32, #tpu.memory_space<vmem_shared>> -> memref<626x128xf32, #tpu.memory_space<vmem_shared>>
      tpu.wait_dma2 semaphore(%run_scoped3A : memref<!tpu.dma_semaphore, #tpu.memory_space<semaphore_mem>>) src(%dma_wait3A_57 : memref<626x128xf32, #tpu.memory_space<vmem_shared>>) dst(%dma_wait3A_55 : memref<626x128xf32, #tpu.memory_space<hbm>>)
      tpu.yield
    }) : () -> ()
    return
  }
}

#map = affine_map<(d0, d1) -> (0, 0)>
#map1 = affine_map<(d0, d1) -> (0, 0, 0)>
module attributes {stable_mosaic.version = 14 : i64} {
  func.func @_agg_body(%arg0: i32, %arg1: i32, %arg2: memref<1280x128xi32, #tpu.memory_space<hbm>>, %arg3: memref<1280x128xi32, #tpu.memory_space<hbm>>, %arg4: memref<10000x128xf32, #tpu.memory_space<hbm>>, %arg5: memref<2x10016x128xf32, #tpu.memory_space<hbm>>, %arg6: memref<40x128xi32, #tpu.memory_space<vmem>>, %arg7: memref<40x128xi32, #tpu.memory_space<vmem>>, %arg8: memref<128x128xf32, #tpu.memory_space<vmem>>, %arg9: memref<128x128xf32, #tpu.memory_space<vmem>>, %arg10: memref<10016x128xf32, #tpu.memory_space<vmem_shared>>, %arg11: memref<!tpu.dma_semaphore, #tpu.memory_space<semaphore_mem>>, %arg12: memref<!tpu.dma_semaphore, #tpu.memory_space<semaphore_mem>>) attributes {dimension_semantics = [#tpu.dimension_semantics<core_parallel>, #tpu.dimension_semantics<subcore_parallel>], iteration_bounds = array<i64: 2, 16>, scalar_prefetch = 0 : i64, scratch_operands = 7 : i64, tpu.core_type = #tpu.core_type<sc_vector_subcore>, window_params = [{transform_indices = #map}, {transform_indices = #map}, {transform_indices = #map}, {transform_indices = #map1}]} {
    %mul3A = arith.constant 16 : i32
    %mul3A_0 = arith.muli %arg0, %mul3A : i32
    %add3A = arith.addi %mul3A_0, %arg1 : i32
    %scan3A = arith.constant 0 : i32
    %scan3A_1 = arith.constant 0 : i32
    %scan3A_2 = arith.constant 128 : i32
    %scan3A_3 = arith.addi %scan3A_1, %scan3A_2 : i32
    %scan3A_4 = arith.constant 1 : i32
    %scan3A_5 = scf.for %scan3A_49 = %scan3A_1 to %scan3A_3 step %scan3A_4 iter_args(%scan3A_50 = %scan3A) -> (i32)  : i32 {
      %broadcast_in_dim3A = arith.constant 0.000000e+00 : f32
      %broadcast_in_dim3A_51 = vector.broadcast %broadcast_in_dim3A : f32 to vector<16xf32>
      %swap3A = arith.index_cast %scan3A_49 : i32 to index
      %swap3A_52 = arith.constant 0 : index
      %swap3A_53 = tpu.vector_load %arg8[%swap3A, %swap3A_52] {strides = array<i32>} : memref<128x128xf32, #tpu.memory_space<vmem>>, vector<1x16xf32>,
      %swap3A_54 = vector.shape_cast %swap3A_53 : vector<1x16xf32> to vector<16xf32>
      %swap3A_55 = vector.shape_cast %broadcast_in_dim3A_51 : vector<16xf32> to vector<1x16xf32>
      tpu.vector_store %arg8[%swap3A, %swap3A_52], %swap3A_55 {strides = array<i32>} : memref<128x128xf32, #tpu.memory_space<vmem>>, vector<1x16xf32>,
      %broadcast_in_dim3A_56 = arith.constant 0.000000e+00 : f32
      %broadcast_in_dim3A_57 = vector.broadcast %broadcast_in_dim3A_56 : f32 to vector<16xf32>
      %swap3A_58 = arith.index_cast %scan3A_49 : i32 to index
      %swap3A_59 = arith.constant 16 : index
      %swap3A_60 = tpu.vector_load %arg8[%swap3A_58, %swap3A_59] {strides = array<i32>} : memref<128x128xf32, #tpu.memory_space<vmem>>, vector<1x16xf32>,
      %swap3A_61 = vector.shape_cast %swap3A_60 : vector<1x16xf32> to vector<16xf32>
      %swap3A_62 = vector.shape_cast %broadcast_in_dim3A_57 : vector<16xf32> to vector<1x16xf32>
      tpu.vector_store %arg8[%swap3A_58, %swap3A_59], %swap3A_62 {strides = array<i32>} : memref<128x128xf32, #tpu.memory_space<vmem>>, vector<1x16xf32>,
      %broadcast_in_dim3A_63 = arith.constant 0.000000e+00 : f32
      %broadcast_in_dim3A_64 = vector.broadcast %broadcast_in_dim3A_63 : f32 to vector<16xf32>
      %swap3A_65 = arith.index_cast %scan3A_49 : i32 to index
      %swap3A_66 = arith.constant 32 : index
      %swap3A_67 = tpu.vector_load %arg8[%swap3A_65, %swap3A_66] {strides = array<i32>} : memref<128x128xf32, #tpu.memory_space<vmem>>, vector<1x16xf32>,
      %swap3A_68 = vector.shape_cast %swap3A_67 : vector<1x16xf32> to vector<16xf32>
      %swap3A_69 = vector.shape_cast %broadcast_in_dim3A_64 : vector<16xf32> to vector<1x16xf32>
      tpu.vector_store %arg8[%swap3A_65, %swap3A_66], %swap3A_69 {strides = array<i32>} : memref<128x128xf32, #tpu.memory_space<vmem>>, vector<1x16xf32>,
      %broadcast_in_dim3A_70 = arith.constant 0.000000e+00 : f32
      %broadcast_in_dim3A_71 = vector.broadcast %broadcast_in_dim3A_70 : f32 to vector<16xf32>
      %swap3A_72 = arith.index_cast %scan3A_49 : i32 to index
      %swap3A_73 = arith.constant 48 : index
      %swap3A_74 = tpu.vector_load %arg8[%swap3A_72, %swap3A_73] {strides = array<i32>} : memref<128x128xf32, #tpu.memory_space<vmem>>, vector<1x16xf32>,
      %swap3A_75 = vector.shape_cast %swap3A_74 : vector<1x16xf32> to vector<16xf32>
      %swap3A_76 = vector.shape_cast %broadcast_in_dim3A_71 : vector<16xf32> to vector<1x16xf32>
      tpu.vector_store %arg8[%swap3A_72, %swap3A_73], %swap3A_76 {strides = array<i32>} : memref<128x128xf32, #tpu.memory_space<vmem>>, vector<1x16xf32>,
      %broadcast_in_dim3A_77 = arith.constant 0.000000e+00 : f32
      %broadcast_in_dim3A_78 = vector.broadcast %broadcast_in_dim3A_77 : f32 to vector<16xf32>
      %swap3A_79 = arith.index_cast %scan3A_49 : i32 to index
      %swap3A_80 = arith.constant 64 : index
      %swap3A_81 = tpu.vector_load %arg8[%swap3A_79, %swap3A_80] {strides = array<i32>} : memref<128x128xf32, #tpu.memory_space<vmem>>, vector<1x16xf32>,
      %swap3A_82 = vector.shape_cast %swap3A_81 : vector<1x16xf32> to vector<16xf32>
      %swap3A_83 = vector.shape_cast %broadcast_in_dim3A_78 : vector<16xf32> to vector<1x16xf32>
      tpu.vector_store %arg8[%swap3A_79, %swap3A_80], %swap3A_83 {strides = array<i32>} : memref<128x128xf32, #tpu.memory_space<vmem>>, vector<1x16xf32>,
      %broadcast_in_dim3A_84 = arith.constant 0.000000e+00 : f32
      %broadcast_in_dim3A_85 = vector.broadcast %broadcast_in_dim3A_84 : f32 to vector<16xf32>
      %swap3A_86 = arith.index_cast %scan3A_49 : i32 to index
      %swap3A_87 = arith.constant 80 : index
      %swap3A_88 = tpu.vector_load %arg8[%swap3A_86, %swap3A_87] {strides = array<i32>} : memref<128x128xf32, #tpu.memory_space<vmem>>, vector<1x16xf32>,
      %swap3A_89 = vector.shape_cast %swap3A_88 : vector<1x16xf32> to vector<16xf32>
      %swap3A_90 = vector.shape_cast %broadcast_in_dim3A_85 : vector<16xf32> to vector<1x16xf32>
      tpu.vector_store %arg8[%swap3A_86, %swap3A_87], %swap3A_90 {strides = array<i32>} : memref<128x128xf32, #tpu.memory_space<vmem>>, vector<1x16xf32>,
      %broadcast_in_dim3A_91 = arith.constant 0.000000e+00 : f32
      %broadcast_in_dim3A_92 = vector.broadcast %broadcast_in_dim3A_91 : f32 to vector<16xf32>
      %swap3A_93 = arith.index_cast %scan3A_49 : i32 to index
      %swap3A_94 = arith.constant 96 : index
      %swap3A_95 = tpu.vector_load %arg8[%swap3A_93, %swap3A_94] {strides = array<i32>} : memref<128x128xf32, #tpu.memory_space<vmem>>, vector<1x16xf32>,
      %swap3A_96 = vector.shape_cast %swap3A_95 : vector<1x16xf32> to vector<16xf32>
      %swap3A_97 = vector.shape_cast %broadcast_in_dim3A_92 : vector<16xf32> to vector<1x16xf32>
      tpu.vector_store %arg8[%swap3A_93, %swap3A_94], %swap3A_97 {strides = array<i32>} : memref<128x128xf32, #tpu.memory_space<vmem>>, vector<1x16xf32>,
      %broadcast_in_dim3A_98 = arith.constant 0.000000e+00 : f32
      %broadcast_in_dim3A_99 = vector.broadcast %broadcast_in_dim3A_98 : f32 to vector<16xf32>
      %swap3A_100 = arith.index_cast %scan3A_49 : i32 to index
      %swap3A_101 = arith.constant 112 : index
      %swap3A_102 = tpu.vector_load %arg8[%swap3A_100, %swap3A_101] {strides = array<i32>} : memref<128x128xf32, #tpu.memory_space<vmem>>, vector<1x16xf32>,
      %swap3A_103 = vector.shape_cast %swap3A_102 : vector<1x16xf32> to vector<16xf32>
      %swap3A_104 = vector.shape_cast %broadcast_in_dim3A_99 : vector<16xf32> to vector<1x16xf32>
      tpu.vector_store %arg8[%swap3A_100, %swap3A_101], %swap3A_104 {strides = array<i32>} : memref<128x128xf32, #tpu.memory_space<vmem>>, vector<1x16xf32>,
      %scan3A_105 = arith.constant 0 : i32
      scf.yield %scan3A_105 : i32
    }
    %scan3A_6 = arith.constant 128 : i32
    %mul3A_7 = arith.constant 626 : i32
    %mul3A_8 = arith.muli %arg1, %mul3A_7 : i32
    %add3A_9 = arith.constant 0 : i32
    %add3A_10 = arith.addi %mul3A_8, %add3A_9 : i32
    "tpu.region"() ({
      %run_scoped3A = tpu.sem_alloc : memref<!tpu.dma_semaphore, #tpu.memory_space<semaphore_mem>>
      %dma_start3A_49 = arith.constant 0 : i32
      %dma_start3A_50 = tpu.memref_slice %arg10[%add3A_10, %dma_start3A_49] : memref<10016x128xf32, #tpu.memory_space<vmem_shared>> -> memref<128x128xf32, #tpu.memory_space<vmem_shared>>
      %dma_start3A_51 = arith.constant 0 : i32
      %dma_start3A_52 = tpu.memref_slice %arg10[%add3A_10, %dma_start3A_51] : memref<10016x128xf32, #tpu.memory_space<vmem_shared>> -> memref<128x128xf32, #tpu.memory_space<vmem_shared>>
      tpu.enqueue_dma source(%arg8 : memref<128x128xf32, #tpu.memory_space<vmem>>) target(%dma_start3A_52 : memref<128x128xf32, #tpu.memory_space<vmem_shared>>) target_semaphore(%run_scoped3A : memref<!tpu.dma_semaphore, #tpu.memory_space<semaphore_mem>>)
      %dma_wait3A = arith.constant 0 : i32
      %dma_wait3A_53 = tpu.memref_slice %arg10[%add3A_10, %dma_wait3A] : memref<10016x128xf32, #tpu.memory_space<vmem_shared>> -> memref<128x128xf32, #tpu.memory_space<vmem_shared>>
      %dma_wait3A_54 = arith.constant 0 : i32
      %dma_wait3A_55 = tpu.memref_slice %arg10[%add3A_10, %dma_wait3A_54] : memref<10016x128xf32, #tpu.memory_space<vmem_shared>> -> memref<128x128xf32, #tpu.memory_space<vmem_shared>>
      tpu.wait_dma2 semaphore(%run_scoped3A : memref<!tpu.dma_semaphore, #tpu.memory_space<semaphore_mem>>) src(%arg8 : memref<128x128xf32, #tpu.memory_space<vmem>>) dst(%dma_wait3A_55 : memref<128x128xf32, #tpu.memory_space<vmem_shared>>)
      tpu.yield
    }) : () -> ()
    %mul3A_11 = arith.constant 626 : i32
    %mul3A_12 = arith.muli %arg1, %mul3A_11 : i32
    %add3A_13 = arith.constant 128 : i32
    %add3A_14 = arith.addi %mul3A_12, %add3A_13 : i32
    "tpu.region"() ({
      %run_scoped3A = tpu.sem_alloc : memref<!tpu.dma_semaphore, #tpu.memory_space<semaphore_mem>>
      %dma_start3A_49 = arith.constant 0 : i32
      %dma_start3A_50 = tpu.memref_slice %arg10[%add3A_14, %dma_start3A_49] : memref<10016x128xf32, #tpu.memory_space<vmem_shared>> -> memref<128x128xf32, #tpu.memory_space<vmem_shared>>
      %dma_start3A_51 = arith.constant 0 : i32
      %dma_start3A_52 = tpu.memref_slice %arg10[%add3A_14, %dma_start3A_51] : memref<10016x128xf32, #tpu.memory_space<vmem_shared>> -> memref<128x128xf32, #tpu.memory_space<vmem_shared>>
      tpu.enqueue_dma source(%arg8 : memref<128x128xf32, #tpu.memory_space<vmem>>) target(%dma_start3A_52 : memref<128x128xf32, #tpu.memory_space<vmem_shared>>) target_semaphore(%run_scoped3A : memref<!tpu.dma_semaphore, #tpu.memory_space<semaphore_mem>>)
      %dma_wait3A = arith.constant 0 : i32
      %dma_wait3A_53 = tpu.memref_slice %arg10[%add3A_14, %dma_wait3A] : memref<10016x128xf32, #tpu.memory_space<vmem_shared>> -> memref<128x128xf32, #tpu.memory_space<vmem_shared>>
      %dma_wait3A_54 = arith.constant 0 : i32
      %dma_wait3A_55 = tpu.memref_slice %arg10[%add3A_14, %dma_wait3A_54] : memref<10016x128xf32, #tpu.memory_space<vmem_shared>> -> memref<128x128xf32, #tpu.memory_space<vmem_shared>>
      tpu.wait_dma2 semaphore(%run_scoped3A : memref<!tpu.dma_semaphore, #tpu.memory_space<semaphore_mem>>) src(%arg8 : memref<128x128xf32, #tpu.memory_space<vmem>>) dst(%dma_wait3A_55 : memref<128x128xf32, #tpu.memory_space<vmem_shared>>)
      tpu.yield
    }) : () -> ()
    %mul3A_15 = arith.constant 626 : i32
    %mul3A_16 = arith.muli %arg1, %mul3A_15 : i32
    %add3A_17 = arith.constant 256 : i32
    %add3A_18 = arith.addi %mul3A_16, %add3A_17 : i32
    "tpu.region"() ({
      %run_scoped3A = tpu.sem_alloc : memref<!tpu.dma_semaphore, #tpu.memory_space<semaphore_mem>>
      %dma_start3A_49 = arith.constant 0 : i32
      %dma_start3A_50 = tpu.memref_slice %arg10[%add3A_18, %dma_start3A_49] : memref<10016x128xf32, #tpu.memory_space<vmem_shared>> -> memref<128x128xf32, #tpu.memory_space<vmem_shared>>
      %dma_start3A_51 = arith.constant 0 : i32
      %dma_start3A_52 = tpu.memref_slice %arg10[%add3A_18, %dma_start3A_51] : memref<10016x128xf32, #tpu.memory_space<vmem_shared>> -> memref<128x128xf32, #tpu.memory_space<vmem_shared>>
      tpu.enqueue_dma source(%arg8 : memref<128x128xf32, #tpu.memory_space<vmem>>) target(%dma_start3A_52 : memref<128x128xf32, #tpu.memory_space<vmem_shared>>) target_semaphore(%run_scoped3A : memref<!tpu.dma_semaphore, #tpu.memory_space<semaphore_mem>>)
      %dma_wait3A = arith.constant 0 : i32
      %dma_wait3A_53 = tpu.memref_slice %arg10[%add3A_18, %dma_wait3A] : memref<10016x128xf32, #tpu.memory_space<vmem_shared>> -> memref<128x128xf32, #tpu.memory_space<vmem_shared>>
      %dma_wait3A_54 = arith.constant 0 : i32
      %dma_wait3A_55 = tpu.memref_slice %arg10[%add3A_18, %dma_wait3A_54] : memref<10016x128xf32, #tpu.memory_space<vmem_shared>> -> memref<128x128xf32, #tpu.memory_space<vmem_shared>>
      tpu.wait_dma2 semaphore(%run_scoped3A : memref<!tpu.dma_semaphore, #tpu.memory_space<semaphore_mem>>) src(%arg8 : memref<128x128xf32, #tpu.memory_space<vmem>>) dst(%dma_wait3A_55 : memref<128x128xf32, #tpu.memory_space<vmem_shared>>)
      tpu.yield
    }) : () -> ()
    %mul3A_19 = arith.constant 626 : i32
    %mul3A_20 = arith.muli %arg1, %mul3A_19 : i32
    %add3A_21 = arith.constant 384 : i32
    %add3A_22 = arith.addi %mul3A_20, %add3A_21 : i32
    "tpu.region"() ({
      %run_scoped3A = tpu.sem_alloc : memref<!tpu.dma_semaphore, #tpu.memory_space<semaphore_mem>>
      %dma_start3A_49 = arith.constant 0 : i32
      %dma_start3A_50 = tpu.memref_slice %arg10[%add3A_22, %dma_start3A_49] : memref<10016x128xf32, #tpu.memory_space<vmem_shared>> -> memref<128x128xf32, #tpu.memory_space<vmem_shared>>
      %dma_start3A_51 = arith.constant 0 : i32
      %dma_start3A_52 = tpu.memref_slice %arg10[%add3A_22, %dma_start3A_51] : memref<10016x128xf32, #tpu.memory_space<vmem_shared>> -> memref<128x128xf32, #tpu.memory_space<vmem_shared>>
      tpu.enqueue_dma source(%arg8 : memref<128x128xf32, #tpu.memory_space<vmem>>) target(%dma_start3A_52 : memref<128x128xf32, #tpu.memory_space<vmem_shared>>) target_semaphore(%run_scoped3A : memref<!tpu.dma_semaphore, #tpu.memory_space<semaphore_mem>>)
      %dma_wait3A = arith.constant 0 : i32
      %dma_wait3A_53 = tpu.memref_slice %arg10[%add3A_22, %dma_wait3A] : memref<10016x128xf32, #tpu.memory_space<vmem_shared>> -> memref<128x128xf32, #tpu.memory_space<vmem_shared>>
      %dma_wait3A_54 = arith.constant 0 : i32
      %dma_wait3A_55 = tpu.memref_slice %arg10[%add3A_22, %dma_wait3A_54] : memref<10016x128xf32, #tpu.memory_space<vmem_shared>> -> memref<128x128xf32, #tpu.memory_space<vmem_shared>>
      tpu.wait_dma2 semaphore(%run_scoped3A : memref<!tpu.dma_semaphore, #tpu.memory_space<semaphore_mem>>) src(%arg8 : memref<128x128xf32, #tpu.memory_space<vmem>>) dst(%dma_wait3A_55 : memref<128x128xf32, #tpu.memory_space<vmem_shared>>)
      tpu.yield
    }) : () -> ()
    %mul3A_23 = arith.constant 626 : i32
    %mul3A_24 = arith.muli %arg1, %mul3A_23 : i32
    %add3A_25 = arith.constant 512 : i32
    %add3A_26 = arith.addi %mul3A_24, %add3A_25 : i32
    "tpu.region"() ({
      %run_scoped3A = tpu.sem_alloc : memref<!tpu.dma_semaphore, #tpu.memory_space<semaphore_mem>>
      %dma_start3A_49 = arith.constant 0 : i32
      %dma_start3A_50 = arith.constant 0 : i32
      %dma_start3A_51 = tpu.memref_slice %arg8[%dma_start3A_49, %dma_start3A_50] : memref<128x128xf32, #tpu.memory_space<vmem>> -> memref<114x128xf32, #tpu.memory_space<vmem>>
      %dma_start3A_52 = arith.constant 0 : i32
      %dma_start3A_53 = tpu.memref_slice %arg10[%add3A_26, %dma_start3A_52] : memref<10016x128xf32, #tpu.memory_space<vmem_shared>> -> memref<114x128xf32, #tpu.memory_space<vmem_shared>>
      %dma_start3A_54 = arith.constant 0 : i32
      %dma_start3A_55 = tpu.memref_slice %arg10[%add3A_26, %dma_start3A_54] : memref<10016x128xf32, #tpu.memory_space<vmem_shared>> -> memref<114x128xf32, #tpu.memory_space<vmem_shared>>
      %dma_start3A_56 = arith.constant 0 : i32
      %dma_start3A_57 = arith.constant 0 : i32
      %dma_start3A_58 = tpu.memref_slice %arg8[%dma_start3A_56, %dma_start3A_57] : memref<128x128xf32, #tpu.memory_space<vmem>> -> memref<114x128xf32, #tpu.memory_space<vmem>>
      tpu.enqueue_dma source(%dma_start3A_58 : memref<114x128xf32, #tpu.memory_space<vmem>>) target(%dma_start3A_55 : memref<114x128xf32, #tpu.memory_space<vmem_shared>>) target_semaphore(%run_scoped3A : memref<!tpu.dma_semaphore, #tpu.memory_space<semaphore_mem>>)
      %dma_wait3A = arith.constant 0 : i32
      %dma_wait3A_59 = arith.constant 0 : i32
      %dma_wait3A_60 = tpu.memref_slice %arg8[%dma_wait3A, %dma_wait3A_59] : memref<128x128xf32, #tpu.memory_space<vmem>> -> memref<114x128xf32, #tpu.memory_space<vmem>>
      %dma_wait3A_61 = arith.constant 0 : i32
      %dma_wait3A_62 = tpu.memref_slice %arg10[%add3A_26, %dma_wait3A_61] : memref<10016x128xf32, #tpu.memory_space<vmem_shared>> -> memref<114x128xf32, #tpu.memory_space<vmem_shared>>
      %dma_wait3A_63 = arith.constant 0 : i32
      %dma_wait3A_64 = tpu.memref_slice %arg10[%add3A_26, %dma_wait3A_63] : memref<10016x128xf32, #tpu.memory_space<vmem_shared>> -> memref<114x128xf32, #tpu.memory_space<vmem_shared>>
      %dma_wait3A_65 = arith.constant 0 : i32
      %dma_wait3A_66 = arith.constant 0 : i32
      %dma_wait3A_67 = tpu.memref_slice %arg8[%dma_wait3A_65, %dma_wait3A_66] : memref<128x128xf32, #tpu.memory_space<vmem>> -> memref<114x128xf32, #tpu.memory_space<vmem>>
      tpu.wait_dma2 semaphore(%run_scoped3A : memref<!tpu.dma_semaphore, #tpu.memory_space<semaphore_mem>>) src(%dma_wait3A_67 : memref<114x128xf32, #tpu.memory_space<vmem>>) dst(%dma_wait3A_64 : memref<114x128xf32, #tpu.memory_space<vmem_shared>>)
      tpu.yield
    }) : () -> ()
    %mul3A_27 = arith.constant 40 : i32
    %mul3A_28 = arith.muli %add3A, %mul3A_27 : i32
    "tpu.region"() ({
      %run_scoped3A = tpu.sem_alloc : memref<!tpu.dma_semaphore, #tpu.memory_space<semaphore_mem>>
      %dma_start3A_49 = arith.constant 0 : i32
      %dma_start3A_50 = tpu.memref_slice %arg2[%mul3A_28, %dma_start3A_49] : memref<1280x128xi32, #tpu.memory_space<hbm>> -> memref<40x128xi32, #tpu.memory_space<hbm>>
      %dma_start3A_51 = arith.constant 0 : i32
      %dma_start3A_52 = tpu.memref_slice %arg2[%mul3A_28, %dma_start3A_51] : memref<1280x128xi32, #tpu.memory_space<hbm>> -> memref<40x128xi32, #tpu.memory_space<hbm>>
      tpu.enqueue_dma source(%dma_start3A_52 : memref<40x128xi32, #tpu.memory_space<hbm>>) target(%arg6 : memref<40x128xi32, #tpu.memory_space<vmem>>) target_semaphore(%run_scoped3A : memref<!tpu.dma_semaphore, #tpu.memory_space<semaphore_mem>>)
      %dma_wait3A = arith.constant 0 : i32
      %dma_wait3A_53 = tpu.memref_slice %arg2[%mul3A_28, %dma_wait3A] : memref<1280x128xi32, #tpu.memory_space<hbm>> -> memref<40x128xi32, #tpu.memory_space<hbm>>
      %dma_wait3A_54 = arith.constant 0 : i32
      %dma_wait3A_55 = tpu.memref_slice %arg2[%mul3A_28, %dma_wait3A_54] : memref<1280x128xi32, #tpu.memory_space<hbm>> -> memref<40x128xi32, #tpu.memory_space<hbm>>
      tpu.wait_dma2 semaphore(%run_scoped3A : memref<!tpu.dma_semaphore, #tpu.memory_space<semaphore_mem>>) src(%dma_wait3A_55 : memref<40x128xi32, #tpu.memory_space<hbm>>) dst(%arg6 : memref<40x128xi32, #tpu.memory_space<vmem>>)
      tpu.yield
    }) : () -> ()
    %mul3A_29 = arith.constant 40 : i32
    %mul3A_30 = arith.muli %add3A, %mul3A_29 : i32
    "tpu.region"() ({
      %run_scoped3A = tpu.sem_alloc : memref<!tpu.dma_semaphore, #tpu.memory_space<semaphore_mem>>
      %dma_start3A_49 = arith.constant 0 : i32
      %dma_start3A_50 = tpu.memref_slice %arg3[%mul3A_30, %dma_start3A_49] : memref<1280x128xi32, #tpu.memory_space<hbm>> -> memref<40x128xi32, #tpu.memory_space<hbm>>
      %dma_start3A_51 = arith.constant 0 : i32
      %dma_start3A_52 = tpu.memref_slice %arg3[%mul3A_30, %dma_start3A_51] : memref<1280x128xi32, #tpu.memory_space<hbm>> -> memref<40x128xi32, #tpu.memory_space<hbm>>
      tpu.enqueue_dma source(%dma_start3A_52 : memref<40x128xi32, #tpu.memory_space<hbm>>) target(%arg7 : memref<40x128xi32, #tpu.memory_space<vmem>>) target_semaphore(%run_scoped3A : memref<!tpu.dma_semaphore, #tpu.memory_space<semaphore_mem>>)
      %dma_wait3A = arith.constant 0 : i32
      %dma_wait3A_53 = tpu.memref_slice %arg3[%mul3A_30, %dma_wait3A] : memref<1280x128xi32, #tpu.memory_space<hbm>> -> memref<40x128xi32, #tpu.memory_space<hbm>>
      %dma_wait3A_54 = arith.constant 0 : i32
      %dma_wait3A_55 = tpu.memref_slice %arg3[%mul3A_30, %dma_wait3A_54] : memref<1280x128xi32, #tpu.memory_space<hbm>> -> memref<40x128xi32, #tpu.memory_space<hbm>>
      tpu.wait_dma2 semaphore(%run_scoped3A : memref<!tpu.dma_semaphore, #tpu.memory_space<semaphore_mem>>) src(%dma_wait3A_55 : memref<40x128xi32, #tpu.memory_space<hbm>>) dst(%arg7 : memref<40x128xi32, #tpu.memory_space<vmem>>)
      tpu.yield
    }) : () -> ()
    %barrier3A = arith.constant 0 : index
    tpu.barrier barrier_id(%barrier3A)
    %dma_start3A = arith.constant 0 : i32
    %dma_start3A_31 = arith.constant 0 : i32
    %dma_start3A_32 = tpu.memref_slice %arg6[%dma_start3A, %dma_start3A_31] : memref<40x128xi32, #tpu.memory_space<vmem>> -> memref<1x128xi32, #tpu.memory_space<vmem>>
    %dma_start3A_33 = tpu.memref_squeeze %dma_start3A_32 : memref<1x128xi32, #tpu.memory_space<vmem>> -> memref<128xi32, #tpu.memory_space<vmem>>
    %dma_start3A_34 = arith.constant 0 : i32
    %dma_start3A_35 = arith.constant 0 : i32
    %dma_start3A_36 = tpu.memref_slice %arg4[%dma_start3A_34, %dma_start3A_35] : memref<10000x128xf32, #tpu.memory_space<hbm>> -> memref<10000x128xf32, #tpu.memory_space<hbm>>
    tpu.enqueue_indirect_dma source(%dma_start3A_36 : memref<10000x128xf32, #tpu.memory_space<hbm>>) target(%arg8 : memref<128x128xf32, #tpu.memory_space<vmem>>) offsets(%dma_start3A_33 : memref<128xi32, #tpu.memory_space<vmem>>) semaphore(%arg11 : memref<!tpu.dma_semaphore, #tpu.memory_space<semaphore_mem>>)
    %scan3A_37 = arith.constant 0 : i32
    %scan3A_38 = arith.constant 0 : i32
    %scan3A_39 = arith.constant 20 : i32
    %scan3A_40 = arith.addi %scan3A_38, %scan3A_39 : i32
    %scan3A_41 = arith.constant 1 : i32
    %scan3A_42 = scf.for %scan3A_49 = %scan3A_38 to %scan3A_40 step %scan3A_41 iter_args(%scan3A_50 = %scan3A_37) -> (i32)  : i32 {
      %mul3A_51 = arith.constant 2 : i32
      %mul3A_52 = arith.muli %mul3A_51, %scan3A_49 : i32
      %add3A_53 = arith.constant 1 : i32
      %add3A_54 = arith.addi %mul3A_52, %add3A_53 : i32
      %dma_start3A_55 = arith.constant 0 : i32
      %dma_start3A_56 = tpu.memref_slice %arg6[%add3A_54, %dma_start3A_55] : memref<40x128xi32, #tpu.memory_space<vmem>> -> memref<1x128xi32, #tpu.memory_space<vmem>>
      %dma_start3A_57 = tpu.memref_squeeze %dma_start3A_56 : memref<1x128xi32, #tpu.memory_space<vmem>> -> memref<128xi32, #tpu.memory_space<vmem>>
      %dma_start3A_58 = arith.constant 0 : i32
      %dma_start3A_59 = arith.constant 0 : i32
      %dma_start3A_60 = tpu.memref_slice %arg4[%dma_start3A_58, %dma_start3A_59] : memref<10000x128xf32, #tpu.memory_space<hbm>> -> memref<10000x128xf32, #tpu.memory_space<hbm>>
      tpu.enqueue_indirect_dma source(%dma_start3A_60 : memref<10000x128xf32, #tpu.memory_space<hbm>>) target(%arg9 : memref<128x128xf32, #tpu.memory_space<vmem>>) offsets(%dma_start3A_57 : memref<128xi32, #tpu.memory_space<vmem>>) semaphore(%arg12 : memref<!tpu.dma_semaphore, #tpu.memory_space<semaphore_mem>>)
      %dma_wait3A = arith.constant 0 : i32
      %dma_wait3A_61 = tpu.memref_slice %arg6[%mul3A_52, %dma_wait3A] : memref<40x128xi32, #tpu.memory_space<vmem>> -> memref<1x128xi32, #tpu.memory_space<vmem>>
      %dma_wait3A_62 = tpu.memref_squeeze %dma_wait3A_61 : memref<1x128xi32, #tpu.memory_space<vmem>> -> memref<128xi32, #tpu.memory_space<vmem>>
      %dma_wait3A_63 = arith.constant 0 : i32
      %dma_wait3A_64 = arith.constant 0 : i32
      %dma_wait3A_65 = tpu.memref_slice %arg4[%dma_wait3A_63, %dma_wait3A_64] : memref<10000x128xf32, #tpu.memory_space<hbm>> -> memref<10000x128xf32, #tpu.memory_space<hbm>>
      tpu.wait_indirect_dma semaphore(%arg11 : memref<!tpu.dma_semaphore, #tpu.memory_space<semaphore_mem>>) src(%dma_wait3A_65 : memref<10000x128xf32, #tpu.memory_space<hbm>>) dst(%arg8 : memref<128x128xf32, #tpu.memory_space<vmem>>)
      "tpu.region"() ({
        %run_scoped3A = tpu.sem_alloc : memref<!tpu.dma_semaphore, #tpu.memory_space<semaphore_mem>>
        %dma_start3A_81 = arith.constant 0 : i32
        %dma_start3A_82 = tpu.memref_slice %arg7[%mul3A_52, %dma_start3A_81] : memref<40x128xi32, #tpu.memory_space<vmem>> -> memref<1x128xi32, #tpu.memory_space<vmem>>
        %dma_start3A_83 = tpu.memref_squeeze %dma_start3A_82 : memref<1x128xi32, #tpu.memory_space<vmem>> -> memref<128xi32, #tpu.memory_space<vmem>>
        %dma_start3A_84 = arith.constant 0 : i32
        %dma_start3A_85 = arith.constant 0 : i32
        %dma_start3A_86 = tpu.memref_slice %arg10[%dma_start3A_84, %dma_start3A_85] : memref<10016x128xf32, #tpu.memory_space<vmem_shared>> -> memref<10016x128xf32, #tpu.memory_space<vmem_shared>>
        tpu.enqueue_indirect_dma source(%arg8 : memref<128x128xf32, #tpu.memory_space<vmem>>) target(%dma_start3A_86 : memref<10016x128xf32, #tpu.memory_space<vmem_shared>>) offsets(%dma_start3A_83 : memref<128xi32, #tpu.memory_space<vmem>>) semaphore(%run_scoped3A : memref<!tpu.dma_semaphore, #tpu.memory_space<semaphore_mem>>) {add = true}
        %dma_wait3A_87 = arith.constant 0 : i32
        %dma_wait3A_88 = tpu.memref_slice %arg7[%mul3A_52, %dma_wait3A_87] : memref<40x128xi32, #tpu.memory_space<vmem>> -> memref<1x128xi32, #tpu.memory_space<vmem>>
        %dma_wait3A_89 = tpu.memref_squeeze %dma_wait3A_88 : memref<1x128xi32, #tpu.memory_space<vmem>> -> memref<128xi32, #tpu.memory_space<vmem>>
        %dma_wait3A_90 = arith.constant 0 : i32
        %dma_wait3A_91 = arith.constant 0 : i32
        %dma_wait3A_92 = tpu.memref_slice %arg10[%dma_wait3A_90, %dma_wait3A_91] : memref<10016x128xf32, #tpu.memory_space<vmem_shared>> -> memref<10016x128xf32, #tpu.memory_space<vmem_shared>>
        tpu.wait_indirect_dma semaphore(%run_scoped3A : memref<!tpu.dma_semaphore, #tpu.memory_space<semaphore_mem>>) src(%arg8 : memref<128x128xf32, #tpu.memory_space<vmem>>) dst(%dma_wait3A_92 : memref<10016x128xf32, #tpu.memory_space<vmem_shared>>)
        tpu.yield
      }) : () -> ()
      %add3A_66 = arith.constant 2 : i32
      %add3A_67 = arith.addi %mul3A_52, %add3A_66 : i32
      %lt3A = arith.constant 40 : i32
      %lt3A_68 = arith.cmpi slt, %add3A_67, %lt3A : i32
      %convert_element_type3A = arith.extui %lt3A_68 : i1 to i32
      %cond3A = arith.constant 0 : i32
      %cond3A_69 = arith.cmpi ne, %convert_element_type3A, %cond3A : i32
      scf.if %cond3A_69 {
        %add3A_81 = arith.constant 2 : i32
        %add3A_82 = arith.addi %mul3A_52, %add3A_81 : i32
        %dma_start3A_83 = arith.constant 0 : i32
        %dma_start3A_84 = tpu.memref_slice %arg6[%add3A_82, %dma_start3A_83] : memref<40x128xi32, #tpu.memory_space<vmem>> -> memref<1x128xi32, #tpu.memory_space<vmem>>
        %dma_start3A_85 = tpu.memref_squeeze %dma_start3A_84 : memref<1x128xi32, #tpu.memory_space<vmem>> -> memref<128xi32, #tpu.memory_space<vmem>>
        %dma_start3A_86 = arith.constant 0 : i32
        %dma_start3A_87 = arith.constant 0 : i32
        %dma_start3A_88 = tpu.memref_slice %arg4[%dma_start3A_86, %dma_start3A_87] : memref<10000x128xf32, #tpu.memory_space<hbm>> -> memref<10000x128xf32, #tpu.memory_space<hbm>>
        tpu.enqueue_indirect_dma source(%dma_start3A_88 : memref<10000x128xf32, #tpu.memory_space<hbm>>) target(%arg8 : memref<128x128xf32, #tpu.memory_space<vmem>>) offsets(%dma_start3A_85 : memref<128xi32, #tpu.memory_space<vmem>>) semaphore(%arg11 : memref<!tpu.dma_semaphore, #tpu.memory_space<semaphore_mem>>)
      } else {
      }
      %add3A_70 = arith.constant 1 : i32
      %add3A_71 = arith.addi %mul3A_52, %add3A_70 : i32
      %dma_wait3A_72 = arith.constant 0 : i32
      %dma_wait3A_73 = tpu.memref_slice %arg6[%add3A_71, %dma_wait3A_72] : memref<40x128xi32, #tpu.memory_space<vmem>> -> memref<1x128xi32, #tpu.memory_space<vmem>>
      %dma_wait3A_74 = tpu.memref_squeeze %dma_wait3A_73 : memref<1x128xi32, #tpu.memory_space<vmem>> -> memref<128xi32, #tpu.memory_space<vmem>>
      %dma_wait3A_75 = arith.constant 0 : i32
      %dma_wait3A_76 = arith.constant 0 : i32
      %dma_wait3A_77 = tpu.memref_slice %arg4[%dma_wait3A_75, %dma_wait3A_76] : memref<10000x128xf32, #tpu.memory_space<hbm>> -> memref<10000x128xf32, #tpu.memory_space<hbm>>
      tpu.wait_indirect_dma semaphore(%arg12 : memref<!tpu.dma_semaphore, #tpu.memory_space<semaphore_mem>>) src(%dma_wait3A_77 : memref<10000x128xf32, #tpu.memory_space<hbm>>) dst(%arg9 : memref<128x128xf32, #tpu.memory_space<vmem>>)
      %add3A_78 = arith.constant 1 : i32
      %add3A_79 = arith.addi %mul3A_52, %add3A_78 : i32
      "tpu.region"() ({
        %run_scoped3A = tpu.sem_alloc : memref<!tpu.dma_semaphore, #tpu.memory_space<semaphore_mem>>
        %dma_start3A_81 = arith.constant 0 : i32
        %dma_start3A_82 = tpu.memref_slice %arg7[%add3A_79, %dma_start3A_81] : memref<40x128xi32, #tpu.memory_space<vmem>> -> memref<1x128xi32, #tpu.memory_space<vmem>>
        %dma_start3A_83 = tpu.memref_squeeze %dma_start3A_82 : memref<1x128xi32, #tpu.memory_space<vmem>> -> memref<128xi32, #tpu.memory_space<vmem>>
        %dma_start3A_84 = arith.constant 0 : i32
        %dma_start3A_85 = arith.constant 0 : i32
        %dma_start3A_86 = tpu.memref_slice %arg10[%dma_start3A_84, %dma_start3A_85] : memref<10016x128xf32, #tpu.memory_space<vmem_shared>> -> memref<10016x128xf32, #tpu.memory_space<vmem_shared>>
        tpu.enqueue_indirect_dma source(%arg9 : memref<128x128xf32, #tpu.memory_space<vmem>>) target(%dma_start3A_86 : memref<10016x128xf32, #tpu.memory_space<vmem_shared>>) offsets(%dma_start3A_83 : memref<128xi32, #tpu.memory_space<vmem>>) semaphore(%run_scoped3A : memref<!tpu.dma_semaphore, #tpu.memory_space<semaphore_mem>>) {add = true}
        %dma_wait3A_87 = arith.constant 0 : i32
        %dma_wait3A_88 = tpu.memref_slice %arg7[%add3A_79, %dma_wait3A_87] : memref<40x128xi32, #tpu.memory_space<vmem>> -> memref<1x128xi32, #tpu.memory_space<vmem>>
        %dma_wait3A_89 = tpu.memref_squeeze %dma_wait3A_88 : memref<1x128xi32, #tpu.memory_space<vmem>> -> memref<128xi32, #tpu.memory_space<vmem>>
        %dma_wait3A_90 = arith.constant 0 : i32
        %dma_wait3A_91 = arith.constant 0 : i32
        %dma_wait3A_92 = tpu.memref_slice %arg10[%dma_wait3A_90, %dma_wait3A_91] : memref<10016x128xf32, #tpu.memory_space<vmem_shared>> -> memref<10016x128xf32, #tpu.memory_space<vmem_shared>>
        tpu.wait_indirect_dma semaphore(%run_scoped3A : memref<!tpu.dma_semaphore, #tpu.memory_space<semaphore_mem>>) src(%arg9 : memref<128x128xf32, #tpu.memory_space<vmem>>) dst(%dma_wait3A_92 : memref<10016x128xf32, #tpu.memory_space<vmem_shared>>)
        tpu.yield
      }) : () -> ()
      %scan3A_80 = arith.constant 0 : i32
      scf.yield %scan3A_80 : i32
    }
    %scan3A_43 = arith.constant 20 : i32
    %barrier3A_44 = arith.constant 0 : index
    tpu.barrier barrier_id(%barrier3A_44)
    %mul3A_45 = arith.constant 626 : i32
    %mul3A_46 = arith.muli %arg1, %mul3A_45 : i32
    %mul3A_47 = arith.constant 626 : i32
    %mul3A_48 = arith.muli %arg1, %mul3A_47 : i32
    "tpu.region"() ({
      %run_scoped3A = tpu.sem_alloc : memref<!tpu.dma_semaphore, #tpu.memory_space<semaphore_mem>>
      %dma_start3A_49 = arith.constant 0 : i32
      %dma_start3A_50 = tpu.memref_slice %arg5[%arg0, %mul3A_48, %dma_start3A_49] : memref<2x10016x128xf32, #tpu.memory_space<hbm>> -> memref<1x626x128xf32, #tpu.memory_space<hbm>>
      %dma_start3A_51 = tpu.memref_squeeze %dma_start3A_50 : memref<1x626x128xf32, #tpu.memory_space<hbm>> -> memref<626x128xf32, #tpu.memory_space<hbm>>
      %dma_start3A_52 = arith.constant 0 : i32
      %dma_start3A_53 = tpu.memref_slice %arg10[%mul3A_46, %dma_start3A_52] : memref<10016x128xf32, #tpu.memory_space<vmem_shared>> -> memref<626x128xf32, #tpu.memory_space<vmem_shared>>
      tpu.enqueue_dma source(%dma_start3A_53 : memref<626x128xf32, #tpu.memory_space<vmem_shared>>) target(%dma_start3A_51 : memref<626x128xf32, #tpu.memory_space<hbm>>) target_semaphore(%run_scoped3A : memref<!tpu.dma_semaphore, #tpu.memory_space<semaphore_mem>>)
      %dma_wait3A = arith.constant 0 : i32
      %dma_wait3A_54 = tpu.memref_slice %arg5[%arg0, %mul3A_48, %dma_wait3A] : memref<2x10016x128xf32, #tpu.memory_space<hbm>> -> memref<1x626x128xf32, #tpu.memory_space<hbm>>
      %dma_wait3A_55 = tpu.memref_squeeze %dma_wait3A_54 : memref<1x626x128xf32, #tpu.memory_space<hbm>> -> memref<626x128xf32, #tpu.memory_space<hbm>>
      %dma_wait3A_56 = arith.constant 0 : i32
      %dma_wait3A_57 = tpu.memref_slice %arg10[%mul3A_46, %dma_wait3A_56] : memref<10016x128xf32, #tpu.memory_space<vmem_shared>> -> memref<626x128xf32, #tpu.memory_space<vmem_shared>>
      tpu.wait_dma2 semaphore(%run_scoped3A : memref<!tpu.dma_semaphore, #tpu.memory_space<semaphore_mem>>) src(%dma_wait3A_57 : memref<626x128xf32, #tpu.memory_space<vmem_shared>>) dst(%dma_wait3A_55 : memref<626x128xf32, #tpu.memory_space<hbm>>)
      tpu.yield
    }) : () -> ()
    return
  }
}

module attributes {stable_mosaic.version = 14 : i64} {
  func.func @_tc_b_body(%arg0: i32, %arg1: memref<1000x128xf32, #tpu.memory_space<vmem>>, %arg2: memref<128x128xf32, #tpu.memory_space<vmem>>, %arg3: memref<1000x16xf32, #tpu.memory_space<vmem>>, %arg4: memref<1000x128xf32, #tpu.memory_space<vmem>>) attributes {dimension_semantics = [#tpu.dimension_semantics<arbitrary>], iteration_bounds = array<i64: 10>, scalar_prefetch = 0 : i64, scratch_operands = 0 : i64, tpu.core_type = #tpu.core_type<tc>, window_params = [{transform_indices = @transform_0, window_bounds = array<i64: 1000, 128>}, {pipeline_mode = #tpu.pipeline_mode<synchronous>, transform_indices = @transform_1, window_bounds = array<i64: 128, 128>}, {transform_indices = @transform_2, window_bounds = array<i64: 1000, 16>}, {transform_indices = @transform_3, window_bounds = array<i64: 1000, 128>}]} {
    %get3A = arith.constant 0 : index
    %get3A_0 = arith.constant 0 : index
    %get3A_1 = vector.load %arg1[%get3A, %get3A_0] : memref<1000x128xf32, #tpu.memory_space<vmem>>, vector<1000x128xf32>
    %get3A_2 = arith.constant 0 : index
    %get3A_3 = arith.constant 0 : index
    %get3A_4 = vector.load %arg2[%get3A_2, %get3A_3] : memref<128x128xf32, #tpu.memory_space<vmem>>, vector<128x128xf32>
    %dot_general3A = arith.constant dense<0.000000e+00> : vector<1000x128xf32>
    %dot_general3A_5 = tpu.matmul %get3A_1, %get3A_4, %dot_general3A {dimension_numbers = #tpu.dot_dimension_numbers<[1], [0], [0], [1], [0, 0, 1, 1], [], []>, transpose_lhs_hint = false} : vector<1000x128xf32>, vector<128x128xf32>, vector<1000x128xf32> -> vector<1000x128xf32>
    %get3A_6 = arith.constant 0 : index
    %get3A_7 = arith.constant 0 : index
    %get3A_8 = vector.load %arg3[%get3A_6, %get3A_7] : memref<1000x16xf32, #tpu.memory_space<vmem>>, vector<1000x1xf32>
    %add3A = arith.constant 1.000000e+00 : f32
    %add3A_9 = vector.broadcast %add3A : f32 to vector<1000x1xf32>
    %add3A_10 = arith.addf %get3A_8, %add3A_9 : vector<1000x1xf32>
    %rsqrt3A = math.rsqrt %add3A_10 : vector<1000x1xf32>
    %mul3A = vector.broadcast %rsqrt3A : vector<1000x1xf32> to vector<1000x128xf32>
    %mul3A_11 = arith.mulf %mul3A, %dot_general3A_5 : vector<1000x128xf32>
    %swap3A = arith.constant 0 : index
    %swap3A_12 = arith.constant 0 : index
    %swap3A_13 = vector.load %arg4[%swap3A, %swap3A_12] : memref<1000x128xf32, #tpu.memory_space<vmem>>, vector<1000x128xf32>
    tpu.vector_store %arg4[%swap3A, %swap3A_12], %mul3A_11 {strides = array<i32>} : memref<1000x128xf32, #tpu.memory_space<vmem>>, vector<1000x128xf32>,
    return
  }
  func.func @transform_0(%arg0: i32) -> (i32, i32) {
    %c0_i32 = arith.constant 0 : i32
    %c0_i32_0 = arith.constant 0 : i32
    return %arg0, %c0_i32 : i32, i32
  }
  func.func @transform_1(%arg0: i32) -> (i32, i32) {
    %c0_i32 = arith.constant 0 : i32
    %c0_i32_0 = arith.constant 0 : i32
    %c0_i32_1 = arith.constant 0 : i32
    return %c0_i32, %c0_i32_0 : i32, i32
  }
  func.func @transform_2(%arg0: i32) -> (i32, i32) {
    %c0_i32 = arith.constant 0 : i32
    %c0_i32_0 = arith.constant 0 : i32
    return %arg0, %c0_i32 : i32, i32
  }
  func.func @transform_3(%arg0: i32) -> (i32, i32) {
    %c0_i32 = arith.constant 0 : i32
    %c0_i32_0 = arith.constant 0 : i32
    return %arg0, %c0_i32 : i32, i32
  }
}

module attributes {stable_mosaic.version = 14 : i64} {
  func.func @_tc_d_body(%arg0: i32, %arg1: memref<2x1000x128xf32, #tpu.memory_space<vmem>>, %arg2: memref<2x1000x128xf32, #tpu.memory_space<vmem>>, %arg3: memref<1000x128xf32, #tpu.memory_space<vmem>>, %arg4: memref<1000x16xf32, #tpu.memory_space<vmem>>, %arg5: memref<1x128xf32, #tpu.memory_space<vmem>>, %arg6: memref<128x128xf32, #tpu.memory_space<vmem>>, %arg7: memref<1000x16xf32, #tpu.memory_space<vmem>>, %arg8: memref<1000x128xf32, #tpu.memory_space<vmem>>) attributes {dimension_semantics = [#tpu.dimension_semantics<arbitrary>], iteration_bounds = array<i64: 10>, scalar_prefetch = 0 : i64, scratch_operands = 0 : i64, tpu.core_type = #tpu.core_type<tc>, window_params = [{transform_indices = @transform_0, window_bounds = array<i64: 2, 1000, 128>}, {transform_indices = @transform_1, window_bounds = array<i64: 2, 1000, 128>}, {transform_indices = @transform_2, window_bounds = array<i64: 1000, 128>}, {transform_indices = @transform_3, window_bounds = array<i64: 1000, 16>}, {pipeline_mode = #tpu.pipeline_mode<synchronous>, transform_indices = @transform_4, window_bounds = array<i64: 1, 128>}, {pipeline_mode = #tpu.pipeline_mode<synchronous>, transform_indices = @transform_5, window_bounds = array<i64: 128, 128>}, {transform_indices = @transform_6, window_bounds = array<i64: 1000, 16>}, {transform_indices = @transform_7, window_bounds = array<i64: 1000, 128>}]} {
    %get3A = arith.constant 0 : index
    %get3A_0 = arith.constant 0 : index
    %get3A_1 = arith.constant 0 : index
    %get3A_2 = vector.load %arg1[%get3A, %get3A_0, %get3A_1] : memref<2x1000x128xf32, #tpu.memory_space<vmem>>, vector<1x1000x128xf32>
    %get3A_3 = vector.shape_cast %get3A_2 : vector<1x1000x128xf32> to vector<1000x128xf32>
    %get3A_4 = arith.constant 1 : index
    %get3A_5 = arith.constant 0 : index
    %get3A_6 = arith.constant 0 : index
    %get3A_7 = vector.load %arg1[%get3A_4, %get3A_5, %get3A_6] : memref<2x1000x128xf32, #tpu.memory_space<vmem>>, vector<1x1000x128xf32>
    %get3A_8 = vector.shape_cast %get3A_7 : vector<1x1000x128xf32> to vector<1000x128xf32>
    %add3A = arith.addf %get3A_3, %get3A_8 : vector<1000x128xf32>
    %get3A_9 = arith.constant 0 : index
    %get3A_10 = arith.constant 0 : index
    %get3A_11 = arith.constant 0 : index
    %get3A_12 = vector.load %arg2[%get3A_9, %get3A_10, %get3A_11] : memref<2x1000x128xf32, #tpu.memory_space<vmem>>, vector<1x1000x128xf32>
    %get3A_13 = vector.shape_cast %get3A_12 : vector<1x1000x128xf32> to vector<1000x128xf32>
    %get3A_14 = arith.constant 1 : index
    %get3A_15 = arith.constant 0 : index
    %get3A_16 = arith.constant 0 : index
    %get3A_17 = vector.load %arg2[%get3A_14, %get3A_15, %get3A_16] : memref<2x1000x128xf32, #tpu.memory_space<vmem>>, vector<1x1000x128xf32>
    %get3A_18 = vector.shape_cast %get3A_17 : vector<1x1000x128xf32> to vector<1000x128xf32>
    %add3A_19 = arith.addf %get3A_13, %get3A_18 : vector<1000x128xf32>
    %add3A_20 = arith.addf %add3A, %add3A_19 : vector<1000x128xf32>
    %get3A_21 = arith.constant 0 : index
    %get3A_22 = arith.constant 0 : index
    %get3A_23 = vector.load %arg3[%get3A_21, %get3A_22] : memref<1000x128xf32, #tpu.memory_space<vmem>>, vector<1000x128xf32>
    %add3A_24 = arith.addf %add3A_20, %get3A_23 : vector<1000x128xf32>
    %get3A_25 = arith.constant 0 : index
    %get3A_26 = arith.constant 0 : index
    %get3A_27 = vector.load %arg4[%get3A_25, %get3A_26] : memref<1000x16xf32, #tpu.memory_space<vmem>>, vector<1000x1xf32>
    %add3A_28 = arith.constant 1.000000e+00 : f32
    %add3A_29 = vector.broadcast %add3A_28 : f32 to vector<1000x1xf32>
    %add3A_30 = arith.addf %get3A_27, %add3A_29 : vector<1000x1xf32>
    %rsqrt3A = math.rsqrt %add3A_30 : vector<1000x1xf32>
    %mul3A = vector.broadcast %rsqrt3A : vector<1000x1xf32> to vector<1000x128xf32>
    %mul3A_31 = arith.mulf %mul3A, %add3A_24 : vector<1000x128xf32>
    %get3A_32 = arith.constant 0 : index
    %get3A_33 = arith.constant 0 : index
    %get3A_34 = vector.load %arg5[%get3A_32, %get3A_33] : memref<1x128xf32, #tpu.memory_space<vmem>>, vector<1x128xf32>
    %add3A_35 = vector.broadcast %get3A_34 : vector<1x128xf32> to vector<1000x128xf32>
    %add3A_36 = arith.addf %mul3A_31, %add3A_35 : vector<1000x128xf32>
    %max3A = arith.constant 0.000000e+00 : f32
    %max3A_37 = vector.broadcast %max3A : f32 to vector<1000x128xf32>
    %max3A_38 = arith.maximumf %add3A_36, %max3A_37 : vector<1000x128xf32>
    %get3A_39 = arith.constant 0 : index
    %get3A_40 = arith.constant 0 : index
    %get3A_41 = vector.load %arg6[%get3A_39, %get3A_40] : memref<128x128xf32, #tpu.memory_space<vmem>>, vector<128x128xf32>
    %dot_general3A = arith.constant dense<0.000000e+00> : vector<1000x128xf32>
    %dot_general3A_42 = tpu.matmul %max3A_38, %get3A_41, %dot_general3A {dimension_numbers = #tpu.dot_dimension_numbers<[1], [0], [0], [1], [0, 0, 1, 1], [], []>, transpose_lhs_hint = false} : vector<1000x128xf32>, vector<128x128xf32>, vector<1000x128xf32> -> vector<1000x128xf32>
    %get3A_43 = arith.constant 0 : index
    %get3A_44 = arith.constant 0 : index
    %get3A_45 = vector.load %arg7[%get3A_43, %get3A_44] : memref<1000x16xf32, #tpu.memory_space<vmem>>, vector<1000x1xf32>
    %add3A_46 = arith.constant 1.000000e+00 : f32
    %add3A_47 = vector.broadcast %add3A_46 : f32 to vector<1000x1xf32>
    %add3A_48 = arith.addf %get3A_45, %add3A_47 : vector<1000x1xf32>
    %rsqrt3A_49 = math.rsqrt %add3A_48 : vector<1000x1xf32>
    %mul3A_50 = vector.broadcast %rsqrt3A_49 : vector<1000x1xf32> to vector<1000x128xf32>
    %mul3A_51 = arith.mulf %mul3A_50, %dot_general3A_42 : vector<1000x128xf32>
    %swap3A = arith.constant 0 : index
    %swap3A_52 = arith.constant 0 : index
    %swap3A_53 = vector.load %arg8[%swap3A, %swap3A_52] : memref<1000x128xf32, #tpu.memory_space<vmem>>, vector<1000x128xf32>
    tpu.vector_store %arg8[%swap3A, %swap3A_52], %mul3A_51 {strides = array<i32>} : memref<1000x128xf32, #tpu.memory_space<vmem>>, vector<1000x128xf32>,
    return
  }
  func.func @transform_0(%arg0: i32) -> (i32, i32, i32) {
    %c0_i32 = arith.constant 0 : i32
    %c0_i32_0 = arith.constant 0 : i32
    %c0_i32_1 = arith.constant 0 : i32
    return %c0_i32, %arg0, %c0_i32_0 : i32, i32, i32
  }
  func.func @transform_1(%arg0: i32) -> (i32, i32, i32) {
    %c0_i32 = arith.constant 0 : i32
    %c0_i32_0 = arith.constant 0 : i32
    %c0_i32_1 = arith.constant 0 : i32
    return %c0_i32, %arg0, %c0_i32_0 : i32, i32, i32
  }
  func.func @transform_2(%arg0: i32) -> (i32, i32) {
    %c0_i32 = arith.constant 0 : i32
    %c0_i32_0 = arith.constant 0 : i32
    return %arg0, %c0_i32 : i32, i32
  }
  func.func @transform_3(%arg0: i32) -> (i32, i32) {
    %c0_i32 = arith.constant 0 : i32
    %c0_i32_0 = arith.constant 0 : i32
    return %arg0, %c0_i32 : i32, i32
  }
  func.func @transform_4(%arg0: i32) -> (i32, i32) {
    %c0_i32 = arith.constant 0 : i32
    %c0_i32_0 = arith.constant 0 : i32
    %c0_i32_1 = arith.constant 0 : i32
    return %c0_i32, %c0_i32_0 : i32, i32
  }
  func.func @transform_5(%arg0: i32) -> (i32, i32) {
    %c0_i32 = arith.constant 0 : i32
    %c0_i32_0 = arith.constant 0 : i32
    %c0_i32_1 = arith.constant 0 : i32
    return %c0_i32, %c0_i32_0 : i32, i32
  }
  func.func @transform_6(%arg0: i32) -> (i32, i32) {
    %c0_i32 = arith.constant 0 : i32
    %c0_i32_0 = arith.constant 0 : i32
    return %arg0, %c0_i32 : i32, i32
  }
  func.func @transform_7(%arg0: i32) -> (i32, i32) {
    %c0_i32 = arith.constant 0 : i32
    %c0_i32_0 = arith.constant 0 : i32
    return %arg0, %c0_i32 : i32, i32
  }
}

module attributes {stable_mosaic.version = 14 : i64} {
  func.func @_tc_f_body(%arg0: i32, %arg1: memref<2x1000x128xf32, #tpu.memory_space<vmem>>, %arg2: memref<2x1000x128xf32, #tpu.memory_space<vmem>>, %arg3: memref<1000x128xf32, #tpu.memory_space<vmem>>, %arg4: memref<1000x16xf32, #tpu.memory_space<vmem>>, %arg5: memref<1x128xf32, #tpu.memory_space<vmem>>, %arg6: memref<1000x128xf32, #tpu.memory_space<vmem>>) attributes {dimension_semantics = [#tpu.dimension_semantics<arbitrary>], iteration_bounds = array<i64: 10>, scalar_prefetch = 0 : i64, scratch_operands = 0 : i64, tpu.core_type = #tpu.core_type<tc>, window_params = [{transform_indices = @transform_0, window_bounds = array<i64: 2, 1000, 128>}, {transform_indices = @transform_1, window_bounds = array<i64: 2, 1000, 128>}, {transform_indices = @transform_2, window_bounds = array<i64: 1000, 128>}, {transform_indices = @transform_3, window_bounds = array<i64: 1000, 16>}, {pipeline_mode = #tpu.pipeline_mode<synchronous>, transform_indices = @transform_4, window_bounds = array<i64: 1, 128>}, {transform_indices = @transform_5, window_bounds = array<i64: 1000, 128>}]} {
    %get3A = arith.constant 0 : index
    %get3A_0 = arith.constant 0 : index
    %get3A_1 = vector.load %arg4[%get3A, %get3A_0] : memref<1000x16xf32, #tpu.memory_space<vmem>>, vector<1000x1xf32>
    %add3A = arith.constant 1.000000e+00 : f32
    %add3A_2 = vector.broadcast %add3A : f32 to vector<1000x1xf32>
    %add3A_3 = arith.addf %get3A_1, %add3A_2 : vector<1000x1xf32>
    %rsqrt3A = math.rsqrt %add3A_3 : vector<1000x1xf32>
    %get3A_4 = arith.constant 0 : index
    %get3A_5 = arith.constant 0 : index
    %get3A_6 = arith.constant 0 : index
    %get3A_7 = vector.load %arg1[%get3A_4, %get3A_5, %get3A_6] : memref<2x1000x128xf32, #tpu.memory_space<vmem>>, vector<1x1000x128xf32>
    %get3A_8 = vector.shape_cast %get3A_7 : vector<1x1000x128xf32> to vector<1000x128xf32>
    %get3A_9 = arith.constant 1 : index
    %get3A_10 = arith.constant 0 : index
    %get3A_11 = arith.constant 0 : index
    %get3A_12 = vector.load %arg1[%get3A_9, %get3A_10, %get3A_11] : memref<2x1000x128xf32, #tpu.memory_space<vmem>>, vector<1x1000x128xf32>
    %get3A_13 = vector.shape_cast %get3A_12 : vector<1x1000x128xf32> to vector<1000x128xf32>
    %add3A_14 = arith.addf %get3A_8, %get3A_13 : vector<1000x128xf32>
    %get3A_15 = arith.constant 0 : index
    %get3A_16 = arith.constant 0 : index
    %get3A_17 = arith.constant 0 : index
    %get3A_18 = vector.load %arg2[%get3A_15, %get3A_16, %get3A_17] : memref<2x1000x128xf32, #tpu.memory_space<vmem>>, vector<1x1000x128xf32>
    %get3A_19 = vector.shape_cast %get3A_18 : vector<1x1000x128xf32> to vector<1000x128xf32>
    %get3A_20 = arith.constant 1 : index
    %get3A_21 = arith.constant 0 : index
    %get3A_22 = arith.constant 0 : index
    %get3A_23 = vector.load %arg2[%get3A_20, %get3A_21, %get3A_22] : memref<2x1000x128xf32, #tpu.memory_space<vmem>>, vector<1x1000x128xf32>
    %get3A_24 = vector.shape_cast %get3A_23 : vector<1x1000x128xf32> to vector<1000x128xf32>
    %add3A_25 = arith.addf %get3A_19, %get3A_24 : vector<1000x128xf32>
    %add3A_26 = arith.addf %add3A_14, %add3A_25 : vector<1000x128xf32>
    %get3A_27 = arith.constant 0 : index
    %get3A_28 = arith.constant 0 : index
    %get3A_29 = vector.load %arg3[%get3A_27, %get3A_28] : memref<1000x128xf32, #tpu.memory_space<vmem>>, vector<1000x128xf32>
    %add3A_30 = arith.addf %add3A_26, %get3A_29 : vector<1000x128xf32>
    %mul3A = vector.broadcast %rsqrt3A : vector<1000x1xf32> to vector<1000x128xf32>
    %mul3A_31 = arith.mulf %mul3A, %add3A_30 : vector<1000x128xf32>
    %get3A_32 = arith.constant 0 : index
    %get3A_33 = arith.constant 0 : index
    %get3A_34 = vector.load %arg5[%get3A_32, %get3A_33] : memref<1x128xf32, #tpu.memory_space<vmem>>, vector<1x128xf32>
    %add3A_35 = vector.broadcast %get3A_34 : vector<1x128xf32> to vector<1000x128xf32>
    %add3A_36 = arith.addf %mul3A_31, %add3A_35 : vector<1000x128xf32>
    %mul3A_37 = arith.mulf %add3A_36, %add3A_36 : vector<1000x128xf32>
    %reduce_sum3A = arith.constant dense<0.000000e+00> : vector<1000xf32>
    %reduce_sum3A_38 = vector.multi_reduction <add>, %mul3A_37, %reduce_sum3A [1] : vector<1000x128xf32> to vector<1000xf32>
    %broadcast_in_dim3A = vector.shape_cast %reduce_sum3A_38 : vector<1000xf32> to vector<1000x1xf32>
    %sqrt3A = math.sqrt %broadcast_in_dim3A : vector<1000x1xf32>
    %max3A = arith.constant 9.99999996E-13 : f32
    %max3A_39 = vector.broadcast %max3A : f32 to vector<1000x1xf32>
    %max3A_40 = arith.maximumf %sqrt3A, %max3A_39 : vector<1000x1xf32>
    %div3A = vector.broadcast %max3A_40 : vector<1000x1xf32> to vector<1000x128xf32>
    %div3A_41 = arith.divf %add3A_36, %div3A : vector<1000x128xf32>
    %swap3A = arith.constant 0 : index
    %swap3A_42 = arith.constant 0 : index
    %swap3A_43 = vector.load %arg6[%swap3A, %swap3A_42] : memref<1000x128xf32, #tpu.memory_space<vmem>>, vector<1000x128xf32>
    tpu.vector_store %arg6[%swap3A, %swap3A_42], %div3A_41 {strides = array<i32>} : memref<1000x128xf32, #tpu.memory_space<vmem>>, vector<1000x128xf32>,
    return
  }
  func.func @transform_0(%arg0: i32) -> (i32, i32, i32) {
    %c0_i32 = arith.constant 0 : i32
    %c0_i32_0 = arith.constant 0 : i32
    %c0_i32_1 = arith.constant 0 : i32
    return %c0_i32, %arg0, %c0_i32_0 : i32, i32, i32
  }
  func.func @transform_1(%arg0: i32) -> (i32, i32, i32) {
    %c0_i32 = arith.constant 0 : i32
    %c0_i32_0 = arith.constant 0 : i32
    %c0_i32_1 = arith.constant 0 : i32
    return %c0_i32, %arg0, %c0_i32_0 : i32, i32, i32
  }
  func.func @transform_2(%arg0: i32) -> (i32, i32) {
    %c0_i32 = arith.constant 0 : i32
    %c0_i32_0 = arith.constant 0 : i32
    return %arg0, %c0_i32 : i32, i32
  }
  func.func @transform_3(%arg0: i32) -> (i32, i32) {
    %c0_i32 = arith.constant 0 : i32
    %c0_i32_0 = arith.constant 0 : i32
    return %arg0, %c0_i32 : i32, i32
  }
  func.func @transform_4(%arg0: i32) -> (i32, i32) {
    %c0_i32 = arith.constant 0 : i32
    %c0_i32_0 = arith.constant 0 : i32
    %c0_i32_1 = arith.constant 0 : i32
    return %c0_i32, %c0_i32_0 : i32, i32
  }
  func.func @transform_5(%arg0: i32) -> (i32, i32) {
    %c0_i32 = arith.constant 0 : i32
    %c0_i32_0 = arith.constant 0 : i32
    return %arg0, %c0_i32 : i32, i32
  }
}

</mosaic_0001>

<sc_bundles>
// kernel: kernel.10.cloned.1.call-start
scs
__scs_entry_jumppad:
0x0: {  	(pc) =	sbr.rel $0x88, $3  }
0x1: {  	(tag) =	ssettag $0x0;
	lr =	simm.s32 $0x1  }
0x2: {  	[smem:$0x3F9B] =	sst lr;
	_ =	strace $0xD0000000  }
0x3: {  	_ = 	snop  }
0x4: {  	_ = 	snop  }
0x5: {  	_ = 	snop  }
0x6: {  	_ = 	snop  }
0x7: {  	_ = 	snop  }
__scs_overlays_trampoline_lowered:
0x8: {  	[smem:$0x3FAA] =	sst s0  }
0x9: {  	[smem:$0x3FAB] =	sst s1  }
0xa: {  	[smem:$0x3FAC] =	sst s2  }
0xb: {  	[smem:$0x3FAD] =	sst s3  }
0xc: {  	[smem:$0x3FAE] =	sst s4  }
0xd: {  	[smem:$0x3FAF] =	sst s5  }
0xe: {  	[smem:$0x3FB0] =	sst s6  }
0xf: {  	[smem:$0x3FB1] =	sst s7  }
0x10: {  	[smem:$0x3FB2] =	sst s8  }
0x11: {  	[smem:$0x3FB3] =	sst s9;
	s0 =	simm.s32 @!p0 $0x0  }
0x12: {  	s1 =	sld [smem:$0x3F99];
	s0 =	simm.s32 @p0 $0x1  }
0x13: {  	[smem:$0x3FB4] =	sst s0;
	s0 =	simm.s32 @!p1 $0x0  }
0x14: {  	s2 =	sld [smem:$0x3F98];
	s0 =	simm.s32 @p1 $0x1  }
0x15: {  	[smem:$0x3FB5] =	sst s0;
	s0 =	simm.s32 @!p2 $0x0  }
0x16: {  	s3 =	sld [smem:$0x3FDB];
	s0 =	simm.s32 @p2 $0x1  }
0x17: {  	s4 =	simm.s32 $0x1BF5;
	[smem:$0x3FB7] =	sst s0  }
0x18: {  	s0 =	sld [smem:$0x3F9A];
	_ =	swait.ge [sflag:s4], $0x0  }
0x19: {  	s7 =	sld [smem:$0x3F9B]  }
0x1a: {  	s8 =	sadd.s32 $0xFFFFE003, lr  }
0x1b: {  	s9 =	sadd.s32 $0xFFFFFEF7, lr;
	s5 =	simm.s32 $0xFFFFFFFF;
	p2 =	slt.u32 s8, $0xFFFFF086  }
0x1c: {  	p1 =	slt.u32 s9, $0xF7A;
	s5 =	simm.s32 @!p2 $0x0  }
0x1d: {  	s5 =	simm.s32 @p1 $0x1;
	p0 =	seq.s32 s7, s2  }
0x1e: {  	s7 =	smul.u32 @!p0 $0xF7A, s2;
	p2 =	seq.s32 @!p0 s5, $0x0  }
0x1f: {  	s9 =	smul.u32 $0xF7A, s1;
	s8 =	simm.s32 @!p0 $0x1BF5;
	p2 =	por !p2, p0  }
0x20: {  	[sflag:s8] =	ssyncset.s32 @!p0 $0xFFFFF086;
	s6 =	sadd.s32 @!p0 s3, s7;
	s7 =	simm.s32 @!p0 $0x108  }
0x21: {  	s3 =	sadd.s32 s3, s9;
	s6 =	sadd.s32 @!p0 $0x88, s6;
	s7 =	simm.s32 @p2 $0x1082  }
0x22: {  	[simem:s7], [sflag:s8] =	dma.local @!p0 [hbm:s6], $0xF7A  }
0x23: {  	s9 =	sor.u32 $0xD0000000, s2;
	s6 =	simm.s32 $0x108;
	_ =	swait.ge @!p0 [sflag:s8], $0x0  }
0x24: {  	s3 =	sadd.s32 $0x88, s3;
	s6 =	simm.s32 @!p1 $0x1082;
	[sflag:s4] =	ssyncset.s32 $0xFFFFF086  }
0x25: {  	[simem:s6], [sflag:s4] =	dma.local [hbm:s3], $0xF7A  }
0x26: {  	[smem:$0x3F9B] =	sst s1;
	(tag) =	ssettag s2;
	_ =	strace s9  }
0x27: {  	s1 =	sld [smem:$0x3FAB]  }
0x28: {  	s2 =	sld [smem:$0x3FAC]  }
0x29: {  	s4 =	sld [smem:$0x3FAE]  }
0x2a: {  	p0 =	seq.s32 s5, $0x0;
	s5 =	sld [smem:$0x3FAF]  }
0x2b: {  	s6 =	sld [smem:$0x3FB0]  }
0x2c: {  	s7 =	sld [smem:$0x3FB1]  }
0x2d: {  	s3 =	simm.s32 $0x108;
	s8 =	sld [smem:$0x3FB2]  }
0x2e: {  	s3 =	simm.s32 @!p0 $0x1082;
	s9 =	sld [smem:$0x3FB3]  }
0x2f: {  	lr =	sadd.s32 s0, s3;
	s0 =	sld [smem:$0x3FAA]  }
0x30: {  	s3 =	sld [smem:$0x3FAD]  }
0x31: {  	[smem:$0x3FB6] =	sst s10  }
0x32: {  	s10 =	sld [smem:$0x3FB4];
	_ =	sdelay $0x3  }
0x33: {  	p0 =	seq.s32 s10, $0x1;
	s10 =	sld [smem:$0x3FB6];
	_ =	sdelay $0x3  }
0x34: {  	[smem:$0x3FB6] =	sst s10  }
0x35: {  	s10 =	sld [smem:$0x3FB5];
	_ =	sdelay $0x3  }
0x36: {  	p1 =	seq.s32 s10, $0x1;
	s10 =	sld [smem:$0x3FB6];
	_ =	sdelay $0x3  }
0x37: {  	[smem:$0x3FB6] =	sst s10  }
0x38: {  	s10 =	sld [smem:$0x3FB7]  }
0x39: {  	_ = 	snop;
	(pc) =	sbr.ind lr, $3  }
0x3a: {  	_ = 	snop  }
0x3b: {  	_ = 	snop  }
0x3c: {  	p2 =	seq.s32 s10, $0x1;
	s10 =	sld [smem:$0x3FB6]  }
0x3d: {  	_ =	shalt  }
0x3e: {  	_ =	shalt  }
0x3f: {  	_ =	shalt  }
0x40: {  	_ =	shalt  }
0x41: {  	_ =	shalt  }
0x42: {  	_ =	shalt  }
0x43: {  	_ =	shalt  }
0x44: {  	_ =	shalt  }
0x45: {  	_ =	shalt  }
0x46: {  	_ =	shalt  }
0x47: {  	_ =	shalt  }
0x48: {  	_ =	shalt  }
0x49: {  	_ =	shalt  }
0x4a: {  	_ =	shalt  }
0x4b: {  	_ =	shalt  }
0x4c: {  	_ =	shalt  }
0x4d: {  	_ =	shalt  }
0x4e: {  	_ =	shalt  }
0x4f: {  	_ =	shalt  }
0x50: {  	_ =	shalt  }
0x51: {  	_ =	shalt  }
0x52: {  	_ =	shalt  }
0x53: {  	_ =	shalt  }
0x54: {  	_ =	shalt  }
0x55: {  	_ =	shalt  }
0x56: {  	_ =	shalt  }
0x57: {  	_ =	shalt  }
0x58: {  	_ =	shalt  }
0x59: {  	_ =	shalt  }
0x5a: {  	_ =	shalt  }
0x5b: {  	_ =	shalt  }
0x5c: {  	_ =	shalt  }
0x5d: {  	_ =	shalt  }
0x5e: {  	_ =	shalt  }
0x5f: {  	_ =	shalt  }
0x60: {  	_ =	shalt  }
0x61: {  	_ =	shalt  }
0x62: {  	_ =	shalt  }
0x63: {  	_ =	shalt  }
0x64: {  	_ =	shalt  }
0x65: {  	_ =	shalt  }
0x66: {  	_ =	shalt  }
0x67: {  	_ =	shalt  }
0x68: {  	_ =	shalt  }
0x69: {  	_ =	shalt  }
0x6a: {  	_ =	shalt  }
0x6b: {  	_ =	shalt  }
0x6c: {  	_ =	shalt  }
0x6d: {  	_ =	shalt  }
0x6e: {  	_ =	shalt  }
0x6f: {  	_ =	shalt  }
0x70: {  	_ =	shalt  }
0x71: {  	_ =	shalt  }
0x72: {  	_ =	shalt  }
0x73: {  	_ =	shalt  }
0x74: {  	_ =	shalt  }
0x75: {  	_ =	shalt  }
0x76: {  	_ =	shalt  }
0x77: {  	_ =	shalt  }
0x78: {  	_ =	shalt  }
0x79: {  	_ =	shalt  }
0x7a: {  	_ =	shalt  }
0x7b: {  	_ =	shalt  }
0x7c: {  	_ =	shalt  }
0x7d: {  	_ =	shalt  }
0x7e: {  	_ =	shalt  }
0x7f: {  	_ =	shalt  }
0x80: {  	_ =	shalt  }
0x81: {  	_ =	shalt  }
0x82: {  	_ =	shalt  }
0x83: {  	_ =	shalt  }
0x84: {  	_ =	shalt  }
0x85: {  	_ =	shalt  }
0x86: {  	_ =	shalt  }
0x87: {  	_ =	shalt  }
.Lfunc_end0:
.L_simem_size_0:
called_computation_lowered:
.L_overlay_start_0:
0x88: {  	s2 =	sld [smem:$0x3FD9]  }
0x89: {  	s3 =	sld [smem:$0x3FFE];
	_ =	sdelay $0x1  }
0x8a: {  	s1 =	srdreg.scid  }
0x8b: {  	s0 =	sand.u32 $0x1, s1  }
0x8c: {  	s17 =	sshll.u32 s0, $0xA;
	s2 =	sadd.s32 s3, s2  }
0x8d: {  	s2 =	sadd.s32 s2, s17  }
0x8e: {  	[smem:$0x3FC2] =	sst s2  }
0x8f: {  	_ = 	snop  }
0x90: {  	s2 =	sld [smem:$0x3FD0];
	(tm) =	ssettm $0x1  }
0x91: {  	s18 =	sld [smem:$0x3FFB];
	_ =	sdelay $0x3  }
0x92: {  	_ =	strace s18  }
0x93: {  	s3 =	sld [smem:$0x3FFC];
	_ =	sdelay $0x3  }
0x94: {  	_ =	strace s3  }
0x95: {  	s3 =	sld [smem:$0x3FFD];
	_ =	sdelay $0x3  }
0x96: {  	_ =	strace s3  }
0x97: {  	_ =	strace $0x8FFFFFFF  }
0x98: {  	s19 =	sld [smem:$0x3FDB];
	_ =	sdelay $0x1  }
0x99: {  	s4 =	simm.s32 $_scs_section_size  }
0x9a: {  	s5 =	simm.s32 $_size__tile_overlayer_lowered;
	s6 =	simm.s32 $_tile_overlayer_lowered  }
0x9b: {  	s22 =	simm.s32 $0x1BFF;
	s21 =	sshll.u32 s6, $0x1;
	s3 =	sadd.s32 s4, s19  }
0x9c: {  	s7 =	simm.s32 $0x0;
	s20 =	sshll.u32 s5, $0x1;
	s5 =	sadd.s32 s21, s3  }
0x9d: {  	[timem:s7], [sflag:s22] =	dma.local [hbm:s5], s20  }
0x9e: {  	_ =	swait.ge [sflag:s22], s20  }
0x9f: {  	s4 =	ssub.s32 $0x0, s20;
	[sflag:s22] =	ssyncset.done $0x0  }
0xa0: {  	[sflag:s22] =	ssyncadd.s32 s4;
	_ =	sdelay $0x1  }
0xa1: {  	s23 =	simm.s32 $0x1B8B  }
0xa2: {  	_ =	swait.ge [sflag:s23], $0x1  }
0xa3: {  	[sflag:s23] =	ssyncset.done $0x0  }
0xa4: {  	s25 =	simm.s32 $0x1B8E;
	s24 =	sld [smem:$0x3FFE];
	[sflag:s23] =	ssyncadd.s32 $0xFFFFFFFF  }
0xa5: {  	s26 =	simm.s32 $execute0_lowered;
	[smem:$0x3FD2] =	sst s25  }
0xa6: {  	s5 =	sshll.u32 s26, $0x1;
	_ =	strace $0x80000046;
	[dreg:$0x1] =	wrdreg $0xFFFFFFFF  }
0xa7: {  	s28 =	simm.s32 $_size_execute0_lowered;
	s3 =	sadd.s32 s3, s5;
	[dreg:$0x0] =	wrdreg $0x0  }
0xa8: {  	s5 =	sshll.u32 s28, $0x1;
	[dreg:$0x2] =	wrdreg s3  }
0xa9: {  	[dreg:$0x3] =	wrdreg s5  }
0xaa: {  	[dreg:$0x4] =	wrdreg $0xC0  }
0xab: {  	_ =	task [dreg:s7], $0x5FFFF  }
0xac: {  	[dreg:$0x1] =	wrdreg $0xFFFFFFFF  }
0xad: {  	[dreg:$0x0] =	wrdreg $0x60  }
0xae: {  	[dreg:$0x2] =	wrdreg s2  }
0xaf: {  	[dreg:$0x3] =	wrdreg s24  }
0xb0: {  	[dreg:$0x4] =	wrdreg $0x53200  }
0xb1: {  	[dreg:$0x5] =	wrdreg $0x9  }
0xb2: {  	_ =	task.clear_ibuf [dreg:s7], $0x6FFFF;
	_ =	strace $0x90000046  }
0xb3: {  	s29 =	simm.s32 $0x9;
	_ =	strace $0x80000048  }
0xb4: {  	_ =	swait.ge [sflag:s29], $0x1  }
0xb5: {  	[sflag:s29] =	ssyncadd.s32 $0xFFFFFFFF  }
0xb6: {  	_ =	strace $0x90000048  }
0xb7: {  	_ =	sfence  }
0xb8: {  	s30 =	sld [smem:$0x0];
	_ =	sdelay $0x2  }
0xb9: {  	s31 =	sshll.u32 s1, $0xD;
	s1 =	sshrl.u32 s1, $0x2  }
0xba: {  	s3 =	sand.u32 $0x4000, s31;
	s1 =	sadd.s32 s1, s30  }
0xbb: {  	s0 =	sor.u32 s3, s0;
	s1 =	sshll.u32 s1, $0x11  }
0xbc: {  	s0 =	sor.u32 s1, s0  }
0xbd: {  	s0 =	sadd.s32 $0x8F2B, s0  }
0xbe: {  	[sflag:s0] =	ssyncadd.remote.s32 $0x1  }
0xbf: {  	_ =	sfence.sel $0xFFFF  }
0xc0: {  	[dreg:$0x0] =	wrdreg $0xFFFFFFFF;
	(pc) =	sbr.abs _section_cstart, $3  }
0xc1: {  	[dreg:$0x1] =	wrdreg $0xFFFFFFFF  }
0xc2: {  	_ =	task.clear_ibuf [dreg:s7], $0x2FFFF;
	_ =	strace $0x9FFFFFFF  }
0xc3: {  	(tm) =	ssettm $0x7FFFFFFF  }
tec
execute0_lowered:
.L_overlay_start_1:
0x0: {  	(tag) =	ssettag $0x1  }
0x1: {  	s6 =	rddreg [dreg:$0x0]  }
0x2: {  	s7 =	rddreg [dreg:$0x1];
	s1 =	srdreg.scid  }
0x3: {  	s0 =	stileid.u32;
	s2 =	rddreg [dreg:$0x2];
	s3 =	simm.s32 $0x0  }
0x4: {  	s14 =	simm.s32 $0x1;
	s15 =	simm.s32 $0x0;
	s9 =	smul.u32 $0x2710, s0  }
0x5: {  	s8 =	sand.u32 $0x1, s1;
	s1 =	rddreg [dreg:$0x3];
	s12 =	smul.u32 $0x4E20, s0  }
0x6: {  	[smem:$0x7FF] =	sst s3;
	s4 =	sadd.s32 $0x1400, s7;
	s10 =	smul.u32 $0x27100, s8  }
0x7: {  	s5 =	sadd.s32 $0xE00, s7;
	s11 =	smul.u32 $0x4E200, s8;
	s8 =	ssub.s32 $0x2, s8  }
0x8: {  	s31 =	sshll.u32 s0, $0x6;
	_ =	strace $0x80000047;
	s13 =	sshrl.u32 s8, $0x1  }
0x9: {  	s30 =	sadd.s32 s9, s2;
	s10 =	sadd.s32 s9, s10;
	s11 =	sadd.s32 s12, s11  }
0xa: {  	s8 =	ssub.s32 s8, s13;
	s9 =	simm.s32 $0x4E20;
	s12 =	sshrl.u32 s30, $0x3  }
0xb: {  	s13 =	simm.s32 $0x50;
	s10 =	sshrl.u32 s10, $0x3;
	s29 =	sshrl.u32 s11, $0x3  }
0xc: {  	s8 =	smax.u32 s8, $0x1;
	s11 =	sor.u32 $0x1C02, s31;
	s7 =	sadd.s32 s10, s7  }
0xd: {  	s6 =	sadd.s32 s6, s29;
	s10 =	simm.s32 $0x2;
	s7 =	sadd.s32 $0x1600, s7  }
.LBB2_1:
0xe: {  	[tilespmem:s9], [sflag:$0x2] =	stream.linear.gather [hbm4b:s4+s3], $0x500, $0x38;
	[tilespmem:$0x7A30] =	vst v63  }
0xf: {  	_ =	swait.ge [sflag:s10], $0x500  }
0x10: {  	[sflag:s10] =	ssyncset.done $0x0  }
0x11: {  	[sflag:s10] =	ssyncadd.s32 $0xFFFFFB00  }
0x12: {  	[tilespmem:s3], [sflag:$0x2] =	stream.linear.gather [hbm4b:s6+s3], $0x4E20, $0x38;
	[tilespmem:$0x7A30] =	vst v63  }
0x13: {  	_ =	swait.ge [sflag:s10], $0x4E20  }
0x14: {  	[sflag:s10] =	ssyncset.done $0x0  }
0x15: {  	[sflag:s10] =	ssyncadd.s32 $0xFFFFB1E0  }
0x16: {  	[spmem:s12], [sflag:s11] =	dma.local [hbm:s5], $0x4E2  }
0x17: {  	_ =	swait.ge [sflag:s10], $0x4E2  }
0x18: {  	[sflag:s10] =	ssyncset.done $0x0  }
0x19: {  	[sflag:s10] =	ssyncadd.s32 $0xFFFFFB1E  }
0x1a: {  	s16 =	simm.s32 $0x0;
	[bflag:$0x0] =	sbarrier.arrive $0xFFFF  }
0x1b: {  	[spmem:s2] =	stream.indirect.scatter.add.f32 [tilespmem:s9], [sflag:$0x1], $0x10, s16, s13, $0xb8;
	[tilespmem:$0x7A30] =	vst v63  }
0x1c: {  	s22 =	simm.s32 $0x50  }
0x1d: {  	[spmem:s2] =	stream.indirect.scatter.add.f32 [tilespmem:s9], [sflag:$0x1], $0x10, s22, s13, $0xb8;
	[tilespmem:$0x7A30] =	vst v63  }
0x1e: {  	s23 =	simm.s32 $0xA0  }
0x1f: {  	[spmem:s2] =	stream.indirect.scatter.add.f32 [tilespmem:s9], [sflag:$0x1], $0x10, s23, s13, $0xb8;
	[tilespmem:$0x7A30] =	vst v63  }
0x20: {  	s24 =	simm.s32 $0xF0  }
0x21: {  	[spmem:s2] =	stream.indirect.scatter.add.f32 [tilespmem:s9], [sflag:$0x1], $0x10, s24, s13, $0xb8;
	[tilespmem:$0x7A30] =	vst v63  }
0x22: {  	s25 =	simm.s32 $0x140  }
0x23: {  	[spmem:s2] =	stream.indirect.scatter.add.f32 [tilespmem:s9], [sflag:$0x1], $0x10, s25, s13, $0xb8;
	[tilespmem:$0x7A30] =	vst v63  }
0x24: {  	s26 =	simm.s32 $0x190  }
0x25: {  	[spmem:s2] =	stream.indirect.scatter.add.f32 [tilespmem:s9], [sflag:$0x1], $0x10, s26, s13, $0xb8;
	[tilespmem:$0x7A30] =	vst v63  }
0x26: {  	s28 =	simm.s32 $0x1E0  }
0x27: {  	[spmem:s2] =	stream.indirect.scatter.add.f32 [tilespmem:s9], [sflag:$0x1], $0x10, s28, s13, $0xb8;
	[tilespmem:$0x7A30] =	vst v63  }
0x28: {  	s29 =	simm.s32 $0x230  }
0x29: {  	[spmem:s2] =	stream.indirect.scatter.add.f32 [tilespmem:s9], [sflag:$0x1], $0x10, s29, s13, $0xb8;
	[tilespmem:$0x7A30] =	vst v63  }
0x2a: {  	s30 =	simm.s32 $0x280  }
0x2b: {  	[spmem:s2] =	stream.indirect.scatter.add.f32 [tilespmem:s9], [sflag:$0x1], $0x10, s30, s13, $0xb8;
	[tilespmem:$0x7A30] =	vst v63  }
0x2c: {  	s31 =	simm.s32 $0x2D0  }
0x2d: {  	[spmem:s2] =	stream.indirect.scatter.add.f32 [tilespmem:s9], [sflag:$0x1], $0x10, s31, s13, $0xb8;
	[tilespmem:$0x7A30] =	vst v63  }
0x2e: {  	_ =	swait.ge [sflag:s14], $0x500  }
0x2f: {  	[sflag:s14] =	ssyncset.done $0x0  }
0x30: {  	[sflag:s14] =	ssyncadd.s32 $0xFFFFFB00  }
0x31: {  	_ =	swait.ge [sflag:s14], $0x500  }
0x32: {  	[sflag:s14] =	ssyncset.done $0x0  }
0x33: {  	[sflag:s14] =	ssyncadd.s32 $0xFFFFFB00  }
0x34: {  	_ =	swait.ge [sflag:s14], $0x500  }
0x35: {  	[sflag:s14] =	ssyncset.done $0x0  }
0x36: {  	[sflag:s14] =	ssyncadd.s32 $0xFFFFFB00  }
0x37: {  	_ =	swait.ge [sflag:s14], $0x500  }
0x38: {  	[sflag:s14] =	ssyncset.done $0x0  }
0x39: {  	[sflag:s14] =	ssyncadd.s32 $0xFFFFFB00  }
0x3a: {  	_ =	swait.ge [sflag:s14], $0x500  }
0x3b: {  	[sflag:s14] =	ssyncset.done $0x0  }
0x3c: {  	[sflag:s14] =	ssyncadd.s32 $0xFFFFFB00  }
0x3d: {  	_ =	swait.ge [sflag:s14], $0x500  }
0x3e: {  	[sflag:s14] =	ssyncset.done $0x0  }
0x3f: {  	[sflag:s14] =	ssyncadd.s32 $0xFFFFFB00  }
0x40: {  	_ =	swait.ge [sflag:s14], $0x500  }
0x41: {  	[sflag:s14] =	ssyncset.done $0x0  }
0x42: {  	[sflag:s14] =	ssyncadd.s32 $0xFFFFFB00  }
0x43: {  	_ =	swait.ge [sflag:s14], $0x500  }
0x44: {  	[sflag:s14] =	ssyncset.done $0x0  }
0x45: {  	[sflag:s14] =	ssyncadd.s32 $0xFFFFFB00  }
0x46: {  	_ =	swait.ge [sflag:s14], $0x500  }
0x47: {  	[sflag:s14] =	ssyncset.done $0x0  }
0x48: {  	[sflag:s14] =	ssyncadd.s32 $0xFFFFFB00  }
0x49: {  	_ =	swait.ge [sflag:s14], $0x500  }
0x4a: {  	s18 =	simm.s32 $0x1900;
	s16 =	simm.s32 $0xC80;
	[sflag:s14] =	ssyncset.done $0x0  }
.LBB2_2:
0x4b: {  	s19 =	sshra.s32 s16, $0x2  }
0x4c: {  	[sflag:s14] =	ssyncadd.s32 $0xFFFFFB00;
	s16 =	smov.u32 s18;
	s17 =	sadd.s32 $0xC80, s18  }
0x4d: {  	[spmem:s2] =	stream.indirect.scatter.add.f32 [tilespmem:s9], [sflag:$0x1], $0x10, s19, s13, $0xb8;
	[tilespmem:$0x7A30] =	vst v63  }
0x4e: {  	p0 =	sne.s32 s18, $0x12C00;
	s18 =	sadd.s32 $0x50, s19  }
0x4f: {  	[spmem:s2] =	stream.indirect.scatter.add.f32 [tilespmem:s9], [sflag:$0x1], $0x10, s18, s13, $0xb8;
	[tilespmem:$0x7A30] =	vst v63  }
0x50: {  	s18 =	sadd.s32 $0xA0, s19  }
0x51: {  	[spmem:s2] =	stream.indirect.scatter.add.f32 [tilespmem:s9], [sflag:$0x1], $0x10, s18, s13, $0xb8;
	[tilespmem:$0x7A30] =	vst v63  }
0x52: {  	s18 =	sadd.s32 $0xF0, s19  }
0x53: {  	[spmem:s2] =	stream.indirect.scatter.add.f32 [tilespmem:s9], [sflag:$0x1], $0x10, s18, s13, $0xb8;
	[tilespmem:$0x7A30] =	vst v63  }
0x54: {  	s18 =	sadd.s32 $0x140, s19  }
0x55: {  	[spmem:s2] =	stream.indirect.scatter.add.f32 [tilespmem:s9], [sflag:$0x1], $0x10, s18, s13, $0xb8;
	[tilespmem:$0x7A30] =	vst v63  }
0x56: {  	s18 =	sadd.s32 $0x190, s19  }
0x57: {  	[spmem:s2] =	stream.indirect.scatter.add.f32 [tilespmem:s9], [sflag:$0x1], $0x10, s18, s13, $0xb8;
	[tilespmem:$0x7A30] =	vst v63  }
0x58: {  	s18 =	sadd.s32 $0x1E0, s19  }
0x59: {  	[spmem:s2] =	stream.indirect.scatter.add.f32 [tilespmem:s9], [sflag:$0x1], $0x10, s18, s13, $0xb8;
	[tilespmem:$0x7A30] =	vst v63  }
0x5a: {  	s18 =	sadd.s32 $0x230, s19  }
0x5b: {  	[spmem:s2] =	stream.indirect.scatter.add.f32 [tilespmem:s9], [sflag:$0x1], $0x10, s18, s13, $0xb8;
	[tilespmem:$0x7A30] =	vst v63  }
0x5c: {  	s18 =	sadd.s32 $0x280, s19  }
0x5d: {  	[spmem:s2] =	stream.indirect.scatter.add.f32 [tilespmem:s9], [sflag:$0x1], $0x10, s18, s13, $0xb8;
	[tilespmem:$0x7A30] =	vst v63  }
0x5e: {  	s18 =	sadd.s32 $0x2D0, s19  }
0x5f: {  	[spmem:s2] =	stream.indirect.scatter.add.f32 [tilespmem:s9], [sflag:$0x1], $0x10, s18, s13, $0xb8;
	[tilespmem:$0x7A30] =	vst v63  }
0x60: {  	_ =	swait.ge [sflag:s14], $0x500  }
0x61: {  	[sflag:s14] =	ssyncset.done $0x0  }
0x62: {  	[sflag:s14] =	ssyncadd.s32 $0xFFFFFB00  }
0x63: {  	_ =	swait.ge [sflag:s14], $0x500  }
0x64: {  	[sflag:s14] =	ssyncset.done $0x0  }
0x65: {  	[sflag:s14] =	ssyncadd.s32 $0xFFFFFB00  }
0x66: {  	_ =	swait.ge [sflag:s14], $0x500  }
0x67: {  	[sflag:s14] =	ssyncset.done $0x0  }
0x68: {  	[sflag:s14] =	ssyncadd.s32 $0xFFFFFB00  }
0x69: {  	_ =	swait.ge [sflag:s14], $0x500  }
0x6a: {  	[sflag:s14] =	ssyncset.done $0x0  }
0x6b: {  	[sflag:s14] =	ssyncadd.s32 $0xFFFFFB00  }
0x6c: {  	_ =	swait.ge [sflag:s14], $0x500  }
0x6d: {  	[sflag:s14] =	ssyncset.done $0x0  }
0x6e: {  	[sflag:s14] =	ssyncadd.s32 $0xFFFFFB00  }
0x6f: {  	_ =	swait.ge [sflag:s14], $0x500  }
0x70: {  	[sflag:s14] =	ssyncset.done $0x0  }
0x71: {  	[sflag:s14] =	ssyncadd.s32 $0xFFFFFB00  }
0x72: {  	_ =	swait.ge [sflag:s14], $0x500  }
0x73: {  	[sflag:s14] =	ssyncset.done $0x0  }
0x74: {  	[sflag:s14] =	ssyncadd.s32 $0xFFFFFB00  }
0x75: {  	_ =	swait.ge [sflag:s14], $0x500  }
0x76: {  	[sflag:s14] =	ssyncset.done $0x0  }
0x77: {  	[sflag:s14] =	ssyncadd.s32 $0xFFFFFB00  }
.Ltmp0:
0x78: {  	_ =	swait.ge [sflag:s14], $0x500;
	(pc) =	sbr.rel @p0 .LBB2_2-.Ltmp0, $4  }
0x79: {  	[sflag:s14] =	ssyncset.done $0x0  }
0x7a: {  	[sflag:s14] =	ssyncadd.s32 $0xFFFFFB00  }
0x7b: {  	_ =	swait.ge [sflag:s14], $0x500  }
0x7c: {  	s18 =	smov.u32 s17;
	[sflag:s14] =	ssyncset.done $0x0  }
0x7d: {  	s16 =	sshra.s32 s16, $0x2;
	[sflag:s14] =	ssyncadd.s32 $0xFFFFFB00  }
0x7e: {  	[spmem:s2] =	stream.indirect.scatter.add.f32 [tilespmem:s9], [sflag:$0x1], $0x10, s16, s13, $0xb8;
	[tilespmem:$0x7A30] =	vst v63  }
0x7f: {  	s17 =	sadd.s32 $0x50, s16  }
0x80: {  	[spmem:s2] =	stream.indirect.scatter.add.f32 [tilespmem:s9], [sflag:$0x1], $0x10, s17, s13, $0xb8;
	[tilespmem:$0x7A30] =	vst v63  }
0x81: {  	s24 =	sadd.s32 $0xA0, s16  }
0x82: {  	[spmem:s2] =	stream.indirect.scatter.add.f32 [tilespmem:s9], [sflag:$0x1], $0x10, s24, s13, $0xb8;
	[tilespmem:$0x7A30] =	vst v63  }
0x83: {  	s25 =	sadd.s32 $0xF0, s16  }
0x84: {  	[spmem:s2] =	stream.indirect.scatter.add.f32 [tilespmem:s9], [sflag:$0x1], $0x10, s25, s13, $0xb8;
	[tilespmem:$0x7A30] =	vst v63  }
0x85: {  	s26 =	sadd.s32 $0x140, s16  }
0x86: {  	[spmem:s2] =	stream.indirect.scatter.add.f32 [tilespmem:s9], [sflag:$0x1], $0x10, s26, s13, $0xb8;
	[tilespmem:$0x7A30] =	vst v63  }
0x87: {  	s28 =	sadd.s32 $0x190, s16  }
0x88: {  	[spmem:s2] =	stream.indirect.scatter.add.f32 [tilespmem:s9], [sflag:$0x1], $0x10, s28, s13, $0xb8;
	[tilespmem:$0x7A30] =	vst v63  }
0x89: {  	s29 =	sadd.s32 $0x1E0, s16  }
0x8a: {  	[spmem:s2] =	stream.indirect.scatter.add.f32 [tilespmem:s9], [sflag:$0x1], $0x10, s29, s13, $0xb8;
	[tilespmem:$0x7A30] =	vst v63  }
0x8b: {  	s30 =	sadd.s32 $0x230, s16  }
0x8c: {  	[spmem:s2] =	stream.indirect.scatter.add.f32 [tilespmem:s9], [sflag:$0x1], $0x10, s30, s13, $0xb8;
	[tilespmem:$0x7A30] =	vst v63  }
0x8d: {  	s31 =	sadd.s32 $0x280, s16  }
0x8e: {  	[spmem:s2] =	stream.indirect.scatter.add.f32 [tilespmem:s9], [sflag:$0x1], $0x10, s31, s13, $0xb8;
	[tilespmem:$0x7A30] =	vst v63  }
0x8f: {  	s16 =	sadd.s32 $0x2D0, s16  }
0x90: {  	[spmem:s2] =	stream.indirect.scatter.add.f32 [tilespmem:s9], [sflag:$0x1], $0x10, s16, s13, $0xb8;
	[tilespmem:$0x7A30] =	vst v63  }
0x91: {  	_ =	swait.ge [sflag:s14], $0x500  }
0x92: {  	[sflag:s14] =	ssyncset.done $0x0  }
0x93: {  	[sflag:s14] =	ssyncadd.s32 $0xFFFFFB00  }
0x94: {  	_ =	swait.ge [sflag:s14], $0x500  }
0x95: {  	[sflag:s14] =	ssyncset.done $0x0  }
0x96: {  	[sflag:s14] =	ssyncadd.s32 $0xFFFFFB00  }
0x97: {  	_ =	swait.ge [sflag:s14], $0x500  }
0x98: {  	[sflag:s14] =	ssyncset.done $0x0  }
0x99: {  	[sflag:s14] =	ssyncadd.s32 $0xFFFFFB00  }
0x9a: {  	_ =	swait.ge [sflag:s14], $0x500  }
0x9b: {  	[sflag:s14] =	ssyncset.done $0x0  }
0x9c: {  	[sflag:s14] =	ssyncadd.s32 $0xFFFFFB00  }
0x9d: {  	_ =	swait.ge [sflag:s14], $0x500  }
0x9e: {  	[sflag:s14] =	ssyncset.done $0x0  }
0x9f: {  	[sflag:s14] =	ssyncadd.s32 $0xFFFFFB00  }
0xa0: {  	_ =	swait.ge [sflag:s14], $0x500  }
0xa1: {  	[sflag:s14] =	ssyncset.done $0x0  }
0xa2: {  	[sflag:s14] =	ssyncadd.s32 $0xFFFFFB00  }
0xa3: {  	_ =	swait.ge [sflag:s14], $0x500  }
0xa4: {  	[sflag:s14] =	ssyncset.done $0x0  }
0xa5: {  	[sflag:s14] =	ssyncadd.s32 $0xFFFFFB00  }
0xa6: {  	_ =	swait.ge [sflag:s14], $0x500  }
0xa7: {  	[sflag:s14] =	ssyncset.done $0x0  }
0xa8: {  	[sflag:s14] =	ssyncadd.s32 $0xFFFFFB00  }
0xa9: {  	_ =	swait.ge [sflag:s14], $0x500  }
0xaa: {  	[sflag:s14] =	ssyncset.done $0x0  }
0xab: {  	[sflag:s14] =	ssyncadd.s32 $0xFFFFFB00  }
0xac: {  	_ =	swait.ge [sflag:s14], $0x500  }
0xad: {  	s15 =	sadd.s32 $0x1, s15;
	[sflag:s14] =	ssyncset.done $0x0  }
0xae: {  	p0 =	sne.s32 s15, s8;
	[sflag:s14] =	ssyncadd.s32 $0xFFFFFB00  }
.Ltmp1:
0xaf: {  	[bflag:$0x0] =	sbarrier.arrive $0xFFFF;
	(pc) =	sbr.rel @p0 .LBB2_1-.Ltmp1, $4  }
0xb0: {  	[hbm:s7], [sflag:s11] =	dma.local [spmem:s12], $0x4E2  }
0xb1: {  	_ =	swait.ge [sflag:s10], $0x4E2  }
0xb2: {  	[sflag:s10] =	ssyncset.done $0x0  }
0xb3: {  	[sflag:s10] =	ssyncadd.s32 $0xFFFFFB1E  }
0xb4: {  	_ =	sfence.sel $0x180000  }
0xb5: {  	[bflag:$0x0] =	sbarrier.arrive $0xFFFF  }
0xb6: {  	p0 =	sne.s32 s0, $0x0;
	_ =	strace $0x90000047  }
0xb7: {  	s0 =	sadd.s32 @!p0 $0x100000, s1;
	[bflag:$0x2] =	sbarrier.arrive $0xFFFF  }
0xb8: {  	[sflag:s0] =	ssyncadd.tile.s32 @!p0 $0x1;
	_ =	shalt  }
.Lfunc_end2:
_tile_overlayer_lowered:
.L_overlay_start_2:
0xb9: {  	(tag) =	ssettag $0x2  }
0xba: {  	s0 =	rddreg [dreg:$0x0];
	s2 =	stileid.u32  }
0xbb: {  	s1 =	rddreg [dreg:$0x1];
	p0 =	sne.s32 s2, $0x0  }
0xbc: {  	s3 =	rddreg [dreg:$0x2];
	[bflag:$0x3] =	sbarrier.arrive $0xFFFF;
	s2 =	simm.s32 @!p0 $0x1C02  }
0xbd: {  	[timem:s3], [sflag:s2] =	dma.local @!p0 [hbm:s0], s1  }
0xbe: {  	s0 =	simm.s32 @!p0 $0x2  }
0xbf: {  	_ =	swait.ge @!p0 [sflag:s0], s1  }
0xc0: {  	s1 =	ssub.s32 @!p0 $0x0, s1;
	[sflag:s0] =	ssyncset.done @!p0 $0x0  }
0xc1: {  	[sflag:s0] =	ssyncadd.s32 @!p0 s1  }
0xc2: {  	[bflag:$0x3] =	sbarrier.arrive $0xFFFF  }
0xc3: {  	_ =	shalt  }

// kernel: kernel.13.cloned.1.call-start
scs
__scs_entry_jumppad:
0x0: {  	(pc) =	sbr.rel $0x88, $3  }
0x1: {  	(tag) =	ssettag $0x0;
	lr =	simm.s32 $0x1  }
0x2: {  	[smem:$0x3F9B] =	sst lr;
	_ =	strace $0xD0000000  }
0x3: {  	_ = 	snop  }
0x4: {  	_ = 	snop  }
0x5: {  	_ = 	snop  }
0x6: {  	_ = 	snop  }
0x7: {  	_ = 	snop  }
__scs_overlays_trampoline_lowered:
0x8: {  	[smem:$0x3FAA] =	sst s0  }
0x9: {  	[smem:$0x3FAB] =	sst s1  }
0xa: {  	[smem:$0x3FAC] =	sst s2  }
0xb: {  	[smem:$0x3FAD] =	sst s3  }
0xc: {  	[smem:$0x3FAE] =	sst s4  }
0xd: {  	[smem:$0x3FAF] =	sst s5  }
0xe: {  	[smem:$0x3FB0] =	sst s6  }
0xf: {  	[smem:$0x3FB1] =	sst s7  }
0x10: {  	[smem:$0x3FB2] =	sst s8  }
0x11: {  	[smem:$0x3FB3] =	sst s9;
	s0 =	simm.s32 @!p0 $0x0  }
0x12: {  	s1 =	sld [smem:$0x3F99];
	s0 =	simm.s32 @p0 $0x1  }
0x13: {  	[smem:$0x3FB4] =	sst s0;
	s0 =	simm.s32 @!p1 $0x0  }
0x14: {  	s2 =	sld [smem:$0x3F98];
	s0 =	simm.s32 @p1 $0x1  }
0x15: {  	[smem:$0x3FB5] =	sst s0;
	s0 =	simm.s32 @!p2 $0x0  }
0x16: {  	s3 =	sld [smem:$0x3FDB];
	s0 =	simm.s32 @p2 $0x1  }
0x17: {  	s4 =	simm.s32 $0x1BF5;
	[smem:$0x3FB7] =	sst s0  }
0x18: {  	s0 =	sld [smem:$0x3F9A];
	_ =	swait.ge [sflag:s4], $0x0  }
0x19: {  	s7 =	sld [smem:$0x3F9B]  }
0x1a: {  	s8 =	sadd.s32 $0xFFFFE003, lr  }
0x1b: {  	s9 =	sadd.s32 $0xFFFFFEF7, lr;
	s5 =	simm.s32 $0xFFFFFFFF;
	p2 =	slt.u32 s8, $0xFFFFF086  }
0x1c: {  	p1 =	slt.u32 s9, $0xF7A;
	s5 =	simm.s32 @!p2 $0x0  }
0x1d: {  	s5 =	simm.s32 @p1 $0x1;
	p0 =	seq.s32 s7, s2  }
0x1e: {  	s7 =	smul.u32 @!p0 $0xF7A, s2;
	p2 =	seq.s32 @!p0 s5, $0x0  }
0x1f: {  	s9 =	smul.u32 $0xF7A, s1;
	s8 =	simm.s32 @!p0 $0x1BF5;
	p2 =	por !p2, p0  }
0x20: {  	[sflag:s8] =	ssyncset.s32 @!p0 $0xFFFFF086;
	s6 =	sadd.s32 @!p0 s3, s7;
	s7 =	simm.s32 @!p0 $0x108  }
0x21: {  	s3 =	sadd.s32 s3, s9;
	s6 =	sadd.s32 @!p0 $0x88, s6;
	s7 =	simm.s32 @p2 $0x1082  }
0x22: {  	[simem:s7], [sflag:s8] =	dma.local @!p0 [hbm:s6], $0xF7A  }
0x23: {  	s9 =	sor.u32 $0xD0000000, s2;
	s6 =	simm.s32 $0x108;
	_ =	swait.ge @!p0 [sflag:s8], $0x0  }
0x24: {  	s3 =	sadd.s32 $0x88, s3;
	s6 =	simm.s32 @!p1 $0x1082;
	[sflag:s4] =	ssyncset.s32 $0xFFFFF086  }
0x25: {  	[simem:s6], [sflag:s4] =	dma.local [hbm:s3], $0xF7A  }
0x26: {  	[smem:$0x3F9B] =	sst s1;
	(tag) =	ssettag s2;
	_ =	strace s9  }
0x27: {  	s1 =	sld [smem:$0x3FAB]  }
0x28: {  	s2 =	sld [smem:$0x3FAC]  }
0x29: {  	s4 =	sld [smem:$0x3FAE]  }
0x2a: {  	p0 =	seq.s32 s5, $0x0;
	s5 =	sld [smem:$0x3FAF]  }
0x2b: {  	s6 =	sld [smem:$0x3FB0]  }
0x2c: {  	s7 =	sld [smem:$0x3FB1]  }
0x2d: {  	s3 =	simm.s32 $0x108;
	s8 =	sld [smem:$0x3FB2]  }
0x2e: {  	s3 =	simm.s32 @!p0 $0x1082;
	s9 =	sld [smem:$0x3FB3]  }
0x2f: {  	lr =	sadd.s32 s0, s3;
	s0 =	sld [smem:$0x3FAA]  }
0x30: {  	s3 =	sld [smem:$0x3FAD]  }
0x31: {  	[smem:$0x3FB6] =	sst s10  }
0x32: {  	s10 =	sld [smem:$0x3FB4];
	_ =	sdelay $0x3  }
0x33: {  	p0 =	seq.s32 s10, $0x1;
	s10 =	sld [smem:$0x3FB6];
	_ =	sdelay $0x3  }
0x34: {  	[smem:$0x3FB6] =	sst s10  }
0x35: {  	s10 =	sld [smem:$0x3FB5];
	_ =	sdelay $0x3  }
0x36: {  	p1 =	seq.s32 s10, $0x1;
	s10 =	sld [smem:$0x3FB6];
	_ =	sdelay $0x3  }
0x37: {  	[smem:$0x3FB6] =	sst s10  }
0x38: {  	s10 =	sld [smem:$0x3FB7]  }
0x39: {  	_ = 	snop;
	(pc) =	sbr.ind lr, $3  }
0x3a: {  	_ = 	snop  }
0x3b: {  	_ = 	snop  }
0x3c: {  	p2 =	seq.s32 s10, $0x1;
	s10 =	sld [smem:$0x3FB6]  }
0x3d: {  	_ =	shalt  }
0x3e: {  	_ =	shalt  }
0x3f: {  	_ =	shalt  }
0x40: {  	_ =	shalt  }
0x41: {  	_ =	shalt  }
0x42: {  	_ =	shalt  }
0x43: {  	_ =	shalt  }
0x44: {  	_ =	shalt  }
0x45: {  	_ =	shalt  }
0x46: {  	_ =	shalt  }
0x47: {  	_ =	shalt  }
0x48: {  	_ =	shalt  }
0x49: {  	_ =	shalt  }
0x4a: {  	_ =	shalt  }
0x4b: {  	_ =	shalt  }
0x4c: {  	_ =	shalt  }
0x4d: {  	_ =	shalt  }
0x4e: {  	_ =	shalt  }
0x4f: {  	_ =	shalt  }
0x50: {  	_ =	shalt  }
0x51: {  	_ =	shalt  }
0x52: {  	_ =	shalt  }
0x53: {  	_ =	shalt  }
0x54: {  	_ =	shalt  }
0x55: {  	_ =	shalt  }
0x56: {  	_ =	shalt  }
0x57: {  	_ =	shalt  }
0x58: {  	_ =	shalt  }
0x59: {  	_ =	shalt  }
0x5a: {  	_ =	shalt  }
0x5b: {  	_ =	shalt  }
0x5c: {  	_ =	shalt  }
0x5d: {  	_ =	shalt  }
0x5e: {  	_ =	shalt  }
0x5f: {  	_ =	shalt  }
0x60: {  	_ =	shalt  }
0x61: {  	_ =	shalt  }
0x62: {  	_ =	shalt  }
0x63: {  	_ =	shalt  }
0x64: {  	_ =	shalt  }
0x65: {  	_ =	shalt  }
0x66: {  	_ =	shalt  }
0x67: {  	_ =	shalt  }
0x68: {  	_ =	shalt  }
0x69: {  	_ =	shalt  }
0x6a: {  	_ =	shalt  }
0x6b: {  	_ =	shalt  }
0x6c: {  	_ =	shalt  }
0x6d: {  	_ =	shalt  }
0x6e: {  	_ =	shalt  }
0x6f: {  	_ =	shalt  }
0x70: {  	_ =	shalt  }
0x71: {  	_ =	shalt  }
0x72: {  	_ =	shalt  }
0x73: {  	_ =	shalt  }
0x74: {  	_ =	shalt  }
0x75: {  	_ =	shalt  }
0x76: {  	_ =	shalt  }
0x77: {  	_ =	shalt  }
0x78: {  	_ =	shalt  }
0x79: {  	_ =	shalt  }
0x7a: {  	_ =	shalt  }
0x7b: {  	_ =	shalt  }
0x7c: {  	_ =	shalt  }
0x7d: {  	_ =	shalt  }
0x7e: {  	_ =	shalt  }
0x7f: {  	_ =	shalt  }
0x80: {  	_ =	shalt  }
0x81: {  	_ =	shalt  }
0x82: {  	_ =	shalt  }
0x83: {  	_ =	shalt  }
0x84: {  	_ =	shalt  }
0x85: {  	_ =	shalt  }
0x86: {  	_ =	shalt  }
0x87: {  	_ =	shalt  }
.Lfunc_end0:
.L_simem_size_0:
called_computation.1_lowered:
.L_overlay_start_0:
0x88: {  	s2 =	sld [smem:$0x3FD9]  }
0x89: {  	s3 =	sld [smem:$0x3FFE];
	_ =	sdelay $0x1  }
0x8a: {  	s1 =	srdreg.scid  }
0x8b: {  	s0 =	sand.u32 $0x1, s1  }
0x8c: {  	s17 =	sshll.u32 s0, $0xA;
	s2 =	sadd.s32 s3, s2  }
0x8d: {  	s2 =	sadd.s32 s2, s17  }
0x8e: {  	[smem:$0x3FC2] =	sst s2  }
0x8f: {  	_ = 	snop  }
0x90: {  	s18 =	sld [smem:$0x3FD0];
	(tm) =	ssettm $0x1  }
0x91: {  	s19 =	sld [smem:$0x3FFB];
	_ =	sdelay $0x3  }
0x92: {  	_ =	strace s19  }
0x93: {  	s2 =	sld [smem:$0x3FFC];
	_ =	sdelay $0x3  }
0x94: {  	_ =	strace s2  }
0x95: {  	s2 =	sld [smem:$0x3FFD];
	_ =	sdelay $0x3  }
0x96: {  	_ =	strace s2  }
0x97: {  	_ =	strace $0x8FFFFFFF  }
0x98: {  	s20 =	sld [smem:$0x3FDB];
	_ =	sdelay $0x1  }
0x99: {  	s4 =	simm.s32 $_scs_section_size  }
0x9a: {  	s5 =	simm.s32 $_size__tile_overlayer_lowered;
	s6 =	simm.s32 $_tile_overlayer_lowered  }
0x9b: {  	s7 =	simm.s32 $0x1BFF;
	s21 =	sshll.u32 s6, $0x1;
	s4 =	sadd.s32 s4, s20  }
0x9c: {  	s22 =	simm.s32 $0x0;
	s5 =	sshll.u32 s5, $0x1;
	s6 =	sadd.s32 s21, s4  }
0x9d: {  	[timem:s22], [sflag:s7] =	dma.local [hbm:s6], s5  }
0x9e: {  	_ =	swait.ge [sflag:s7], s5  }
0x9f: {  	s5 =	ssub.s32 $0x0, s5;
	[sflag:s7] =	ssyncset.done $0x0  }
0xa0: {  	[sflag:s7] =	ssyncadd.s32 s5;
	_ =	sdelay $0x1  }
0xa1: {  	s23 =	simm.s32 $0x1B8B  }
0xa2: {  	_ =	swait.ge [sflag:s23], $0x1  }
0xa3: {  	[sflag:s23] =	ssyncset.done $0x0  }
0xa4: {  	[sflag:s23] =	ssyncadd.s32 $0xFFFFFFFF  }
0xa5: {  	s5 =	sld [smem:$0x0]  }
0xa6: {  	s6 =	sand.u32 $0xFFFFFFFE, s1  }
0xa7: {  	p0 =	sne.s32 s1, s6  }
0xa8: {  	s6 =	sshll.u32 @p0 s6, $0xE  }
0xa9: {  	s6 =	sadd.s32 @p0 $0x11B8D, s6;
	s7 =	sshll.u32 @p0 s5, $0x11  }
0xaa: {  	s6 =	sor.u32 @p0 s7, s6  }
0xab: {  	[sflag:s6] =	ssyncadd.remote.s32 @p0 $0x1;
	_ =	sdelay $0x1  }
0xac: {  	s6 =	simm.s32 @p0 $0x1B8D  }
0xad: {  	_ =	swait.eq @p0 [sflag:s6], $0x1  }
0xae: {  	[sflag:s6] =	ssyncadd.s32 @p0 $0xFFFFFFFF  }
0xaf: {  	s7 =	sshll.u32 @!p0 s1, $0xE  }
0xb0: {  	s7 =	sor.u32 @!p0 $0x4000, s7;
	s6 =	simm.s32 @!p0 $0x1B8D  }
0xb1: {  	s5 =	sshll.u32 @!p0 s5, $0x11;
	s7 =	sadd.s32 @!p0 $0x11B8D, s7;
	_ =	swait.eq @!p0 [sflag:s6], $0x1  }
0xb2: {  	s5 =	sor.u32 @!p0 s5, s7;
	[sflag:s6] =	ssyncadd.s32 @!p0 $0xFFFFFFFF  }
0xb3: {  	s25 =	simm.s32 $0x1B8E;
	s24 =	sld [smem:$0x3FFE];
	[sflag:s5] =	ssyncadd.remote.s32 @!p0 $0x1  }
0xb4: {  	s26 =	simm.s32 $execute0_lowered;
	[smem:$0x3FD2] =	sst s25  }
0xb5: {  	s6 =	sshll.u32 s26, $0x1;
	_ =	strace $0x8000004C;
	[dreg:$0x1] =	wrdreg $0xFFFFFFFF  }
0xb6: {  	s28 =	simm.s32 $_size_execute0_lowered;
	s4 =	sadd.s32 s4, s6;
	[dreg:$0x0] =	wrdreg $0x0  }
0xb7: {  	s6 =	sshll.u32 s28, $0x1;
	[dreg:$0x2] =	wrdreg s4  }
0xb8: {  	[dreg:$0x3] =	wrdreg s6  }
0xb9: {  	[dreg:$0x4] =	wrdreg $0xC0  }
0xba: {  	_ =	task [dreg:s22], $0x5FFFF  }
0xbb: {  	[dreg:$0x1] =	wrdreg $0xFFFFFFFF  }
0xbc: {  	[dreg:$0x0] =	wrdreg $0x60  }
0xbd: {  	[dreg:$0x2] =	wrdreg s24  }
0xbe: {  	[dreg:$0x3] =	wrdreg s18  }
0xbf: {  	[dreg:$0x4] =	wrdreg $0xA8000  }
0xc0: {  	[dreg:$0x5] =	wrdreg $0x9  }
0xc1: {  	_ =	task.clear_ibuf [dreg:s22], $0x6FFFF;
	_ =	strace $0x9000004C  }
0xc2: {  	s29 =	simm.s32 $0x9;
	_ =	strace $0x8000004E  }
0xc3: {  	_ =	swait.ge [sflag:s29], $0x1  }
0xc4: {  	[sflag:s29] =	ssyncadd.s32 $0xFFFFFFFF  }
0xc5: {  	_ =	strace $0x9000004E  }
0xc6: {  	_ =	sfence  }
0xc7: {  	s30 =	sld [smem:$0x0];
	_ =	sdelay $0x2  }
0xc8: {  	s31 =	sshll.u32 s1, $0xD;
	s1 =	sshrl.u32 s1, $0x2  }
0xc9: {  	s4 =	sand.u32 $0x4000, s31;
	s1 =	sadd.s32 s1, s30  }
0xca: {  	s0 =	sor.u32 s4, s0;
	s1 =	sshll.u32 s1, $0x11  }
0xcb: {  	s0 =	sor.u32 s1, s0  }
0xcc: {  	s0 =	sadd.s32 $0x8F2B, s0  }
0xcd: {  	[sflag:s0] =	ssyncadd.remote.s32 $0x1  }
0xce: {  	_ =	sfence.sel $0xFFFF  }
0xcf: {  	[dreg:$0x0] =	wrdreg $0xFFFFFFFF;
	(pc) =	sbr.abs _section_cstart, $3  }
0xd0: {  	[dreg:$0x1] =	wrdreg $0xFFFFFFFF  }
0xd1: {  	_ =	task.clear_ibuf [dreg:s22], $0x2FFFF;
	_ =	strace $0x9FFFFFFF  }
0xd2: {  	(tm) =	ssettm $0x7FFFFFFF  }
0xd3: {  	_ =	shalt  }
tec
execute0_lowered:
.L_overlay_start_1:
0x0: {  	(tag) =	ssettag $0x1  }
0x1: {  	s5 =	rddreg [dreg:$0x0]  }
0x2: {  	s2 =	rddreg [dreg:$0x1];
	s0 =	srdreg.scid  }
0x3: {  	s3 =	rddreg [dreg:$0x2];
	s1 =	stileid.u32  }
0x4: {  	s4 =	simm.s32 $0x0;
	s14 =	simm.s32 $0x2800;
	s15 =	simm.s32 $0x3  }
0x5: {  	s16 =	simm.s32 $0x1400;
	s17 =	simm.s32 $0x80;
	s18 =	simm.s32 $0x6800  }
0x6: {  	s19 =	simm.s32 $0x1;
	s20 =	simm.s32 $0x2;
	s21 =	simm.s32 $0x1380  }
0x7: {  	s22 =	simm.s32 $0x2700;
	s23 =	simm.s32 $0x2780;
	s8 =	smul.u32 $0x13900, s1  }
0x8: {  	s6 =	sand.u32 $0x1, s0;
	s0 =	rddreg [dreg:$0x3];
	s10 =	smul.u32 $0x4E400, s1  }
0x9: {  	[smem:$0x7FF] =	sst s4;
	s7 =	sshll.u32 s6, $0x4;
	s9 =	smul.u32 $0x139000, s6  }
0xa: {  	_ =	strace $0x8000004D;
	s6 =	ssub.s32 $0x2, s6;
	s7 =	sor.u32 s1, s7  }
0xb: {  	s29 =	sshrl.u32 s6, $0x1;
	s30 =	sshrl.u32 s10, $0x2;
	s7 =	smul.u32 $0x280, s7  }
0xc: {  	s9 =	sadd.s32 s8, s9;
	s13 =	ssub.s32 s6, s29;
	s31 =	sadd.s32 s30, s3  }
0xd: {  	s28 =	sshrl.u32 s9, $0x3;
	s6 =	sadd.s32 $0x4000, s31;
	s9 =	sadd.s32 $0x10000, s31  }
0xe: {  	s13 =	smax.u32 s13, $0x1;
	s11 =	sadd.s32 s7, s5;
	s12 =	sadd.s32 s28, s5  }
0xf: {  	s5 =	sadd.s32 s8, s3;
	s7 =	sadd.s32 $0x8000, s31;
	s8 =	sadd.s32 $0xC000, s31  }
0x10: {  	v0 =	vimm.f32 $0.0e+00;
	s10 =	sadd.s32 $0x5E00, s11;
	s11 =	sadd.s32 $0xE00, s11;
	s12 =	sadd.s32 $0x63800, s12  }
.LBB2_1:
0x11: {  	s24 =	simm.s32 $0x0;
	s25 =	simm.s32 $0x200  }
.LBB2_2:
0x12: {  	p0 =	sne.s32 s25, $0xFE00;
	[tilespmem:s24+$0x2870] =	vst v0  }
0x13: {  	[tilespmem:s24+$0x2800] =	vst v0  }
0x14: {  	[tilespmem:s24+$0x2810] =	vst v0  }
.Ltmp0:
0x15: {  	[tilespmem:s24+$0x2820] =	vst v0;
	(pc) =	sbr.rel @p0 .LBB2_2-.Ltmp0, $4  }
0x16: {  	[tilespmem:s24+$0x2830] =	vst v0  }
0x17: {  	[tilespmem:s24+$0x2840] =	vst v0  }
0x18: {  	[tilespmem:s24+$0x2850] =	vst v0  }
0x19: {  	[tilespmem:s24+$0x2860] =	vst v0;
	s24 =	sshra.s32 s25, $0x2;
	s25 =	sadd.s32 $0x200, s25  }
0x1a: {  	[tilespmem:s24+$0x2870] =	vst v0  }
0x1b: {  	[tilespmem:s24+$0x2800] =	vst v0  }
0x1c: {  	[tilespmem:s24+$0x2810] =	vst v0  }
0x1d: {  	[tilespmem:s24+$0x2820] =	vst v0  }
0x1e: {  	[tilespmem:s24+$0x2830] =	vst v0  }
0x1f: {  	[tilespmem:s24+$0x2840] =	vst v0  }
0x20: {  	[tilespmem:s24+$0x2850] =	vst v0  }
0x21: {  	[tilespmem:s24+$0x2860] =	vst v0  }
0x22: {  	[spmem:s5] =	stream.linear.scatter [tilespmem:s14], [sflag:$0x3], $0x4000, $0x38;
	[tilespmem:$0x1E100] =	vst v63  }
0x23: {  	_ =	swait.ge [sflag:s15], $0x4000  }
0x24: {  	[sflag:s15] =	ssyncset.done $0x0  }
0x25: {  	[sflag:s15] =	ssyncadd.s32 $0xFFFFC000  }
0x26: {  	[spmem:s6] =	stream.linear.scatter [tilespmem:s14], [sflag:$0x3], $0x4000, $0x38;
	[tilespmem:$0x1E100] =	vst v63  }
0x27: {  	_ =	swait.ge [sflag:s15], $0x4000  }
0x28: {  	[sflag:s15] =	ssyncset.done $0x0  }
0x29: {  	[sflag:s15] =	ssyncadd.s32 $0xFFFFC000  }
0x2a: {  	[spmem:s7] =	stream.linear.scatter [tilespmem:s14], [sflag:$0x3], $0x4000, $0x38;
	[tilespmem:$0x1E100] =	vst v63  }
0x2b: {  	_ =	swait.ge [sflag:s15], $0x4000  }
0x2c: {  	[sflag:s15] =	ssyncset.done $0x0  }
0x2d: {  	[sflag:s15] =	ssyncadd.s32 $0xFFFFC000  }
0x2e: {  	[spmem:s8] =	stream.linear.scatter [tilespmem:s14], [sflag:$0x3], $0x4000, $0x38;
	[tilespmem:$0x1E100] =	vst v63  }
0x2f: {  	_ =	swait.ge [sflag:s15], $0x4000  }
0x30: {  	[sflag:s15] =	ssyncset.done $0x0  }
0x31: {  	[sflag:s15] =	ssyncadd.s32 $0xFFFFC000  }
0x32: {  	[spmem:s9] =	stream.linear.scatter [tilespmem:s14], [sflag:$0x3], $0x3900, $0x38;
	[tilespmem:$0x1E100] =	vst v63  }
0x33: {  	_ =	swait.ge [sflag:s15], $0x3900  }
0x34: {  	[sflag:s15] =	ssyncset.done $0x0  }
0x35: {  	s26 =	simm.s32 $0x0;
	[sflag:s15] =	ssyncadd.s32 $0xFFFFC700  }
0x36: {  	[tilespmem:s26], [sflag:$0x3] =	stream.linear.gather [hbm4b:s10+s26], $0x1400, $0x38;
	[tilespmem:$0x1E100] =	vst v63  }
0x37: {  	_ =	swait.ge [sflag:s15], $0x1400  }
0x38: {  	[sflag:s15] =	ssyncset.done $0x0  }
0x39: {  	[sflag:s15] =	ssyncadd.s32 $0xFFFFEC00  }
0x3a: {  	[tilespmem:s16], [sflag:$0x3] =	stream.linear.gather [hbm4b:s11+s26], $0x1400, $0x38;
	[tilespmem:$0x1E100] =	vst v63  }
0x3b: {  	_ =	swait.ge [sflag:s15], $0x1400  }
0x3c: {  	[sflag:s15] =	ssyncset.done $0x0  }
0x3d: {  	[sflag:s15] =	ssyncadd.s32 $0xFFFFEC00  }
0x3e: {  	[bflag:$0x0] =	sbarrier.arrive $0xFFFF  }
0x3f: {  	[tilespmem:s14], [sflag:$0x1] =	stream.indirect.gather [hbm4b:s2+s17], $0x80, s26, s17, $0xb8;
	[tilespmem:$0x1E100] =	vst v63  }
0x40: {  	s28 =	simm.s32 $0x80  }
0x41: {  	[tilespmem:s18], [sflag:$0x2] =	stream.indirect.gather [hbm4b:s2+s17], $0x80, s28, s17, $0xb8;
	[tilespmem:$0x1E100] =	vst v63  }
0x42: {  	_ =	swait.ge [sflag:s19], $0x4000  }
0x43: {  	[sflag:s19] =	ssyncset.done $0x0  }
0x44: {  	s29 =	simm.s32 $0x1400;
	[sflag:s19] =	ssyncadd.s32 $0xFFFFC000  }
0x45: {  	[spmem:s3] =	stream.indirect.scatter.add.f32 [tilespmem:s14], [sflag:$0x3], $0x80, s29, s17, $0xb8;
	[tilespmem:$0x1E100] =	vst v63  }
0x46: {  	_ =	swait.ge [sflag:s15], $0x4000  }
0x47: {  	[sflag:s15] =	ssyncset.done $0x0  }
0x48: {  	s30 =	simm.s32 $0x100;
	[sflag:s15] =	ssyncadd.s32 $0xFFFFC000  }
0x49: {  	[tilespmem:s14], [sflag:$0x1] =	stream.indirect.gather [hbm4b:s2+s17], $0x80, s30, s17, $0xb8;
	[tilespmem:$0x1E100] =	vst v63  }
0x4a: {  	_ =	swait.ge [sflag:s20], $0x4000  }
0x4b: {  	[sflag:s20] =	ssyncset.done $0x0  }
0x4c: {  	s31 =	simm.s32 $0x1480;
	[sflag:s20] =	ssyncadd.s32 $0xFFFFC000  }
0x4d: {  	[spmem:s3] =	stream.indirect.scatter.add.f32 [tilespmem:s18], [sflag:$0x3], $0x80, s31, s17, $0xb8;
	[tilespmem:$0x1E100] =	vst v63  }
0x4e: {  	_ =	swait.ge [sflag:s15], $0x4000  }
0x4f: {  	s25 =	simm.s32 $0x800;
	s24 =	simm.s32 $0x100;
	[sflag:s15] =	ssyncset.done $0x0  }
.LBB2_4:
0x50: {  	s26 =	sadd.s32 $0x80, s24  }
0x51: {  	[sflag:s15] =	ssyncadd.s32 $0xFFFFC000;
	s28 =	smov.u32 s25;
	s29 =	sadd.s32 $0x400, s25  }
0x52: {  	[tilespmem:s18], [sflag:$0x2] =	stream.indirect.gather [hbm4b:s2+s17], $0x80, s26, s17, $0xb8;
	[tilespmem:$0x1E100] =	vst v63  }
0x53: {  	p0 =	sne.s32 s25, $0x4800;
	_ =	swait.ge [sflag:s19], $0x4000  }
0x54: {  	[sflag:s19] =	ssyncset.done $0x0  }
0x55: {  	s25 =	sadd.s32 $0x1400, s24;
	[sflag:s19] =	ssyncadd.s32 $0xFFFFC000  }
0x56: {  	[spmem:s3] =	stream.indirect.scatter.add.f32 [tilespmem:s14], [sflag:$0x3], $0x80, s25, s17, $0xb8;
	[tilespmem:$0x1E100] =	vst v63  }
0x57: {  	_ =	swait.ge [sflag:s15], $0x4000  }
0x58: {  	[sflag:s15] =	ssyncset.done $0x0  }
0x59: {  	s25 =	sadd.s32 $0x100, s24;
	[sflag:s15] =	ssyncadd.s32 $0xFFFFC000  }
0x5a: {  	[tilespmem:s14], [sflag:$0x1] =	stream.indirect.gather [hbm4b:s2+s17], $0x80, s25, s17, $0xb8;
	[tilespmem:$0x1E100] =	vst v63  }
0x5b: {  	_ =	swait.ge [sflag:s20], $0x4000  }
.Ltmp1:
0x5c: {  	[sflag:s20] =	ssyncset.done $0x0;
	(pc) =	sbr.rel @p0 .LBB2_4-.Ltmp1, $4  }
0x5d: {  	s24 =	sadd.s32 $0x1480, s24;
	[sflag:s20] =	ssyncadd.s32 $0xFFFFC000  }
0x5e: {  	[spmem:s3] =	stream.indirect.scatter.add.f32 [tilespmem:s18], [sflag:$0x3], $0x80, s24, s17, $0xb8;
	[tilespmem:$0x1E100] =	vst v63  }
0x5f: {  	_ =	swait.ge [sflag:s15], $0x4000  }
0x60: {  	s25 =	smov.u32 s29;
	s24 =	sshra.s32 s28, $0x2;
	[sflag:s15] =	ssyncset.done $0x0  }
0x61: {  	s25 =	sadd.s32 $0x80, s24;
	[sflag:s15] =	ssyncadd.s32 $0xFFFFC000  }
0x62: {  	[tilespmem:s18], [sflag:$0x2] =	stream.indirect.gather [hbm4b:s2+s17], $0x80, s25, s17, $0xb8;
	[tilespmem:$0x1E100] =	vst v63  }
0x63: {  	_ =	swait.ge [sflag:s19], $0x4000  }
0x64: {  	[sflag:s19] =	ssyncset.done $0x0  }
0x65: {  	s26 =	sadd.s32 $0x1400, s24;
	[sflag:s19] =	ssyncadd.s32 $0xFFFFC000  }
0x66: {  	[spmem:s3] =	stream.indirect.scatter.add.f32 [tilespmem:s14], [sflag:$0x3], $0x80, s26, s17, $0xb8;
	[tilespmem:$0x1E100] =	vst v63  }
0x67: {  	_ =	swait.ge [sflag:s15], $0x4000  }
0x68: {  	[sflag:s15] =	ssyncset.done $0x0  }
0x69: {  	s28 =	sadd.s32 $0x100, s24;
	[sflag:s15] =	ssyncadd.s32 $0xFFFFC000  }
0x6a: {  	[tilespmem:s14], [sflag:$0x1] =	stream.indirect.gather [hbm4b:s2+s17], $0x80, s28, s17, $0xb8;
	[tilespmem:$0x1E100] =	vst v63  }
0x6b: {  	_ =	swait.ge [sflag:s20], $0x4000  }
0x6c: {  	[sflag:s20] =	ssyncset.done $0x0  }
0x6d: {  	s29 =	sadd.s32 $0x1480, s24;
	[sflag:s20] =	ssyncadd.s32 $0xFFFFC000  }
0x6e: {  	[spmem:s3] =	stream.indirect.scatter.add.f32 [tilespmem:s18], [sflag:$0x3], $0x80, s29, s17, $0xb8;
	[tilespmem:$0x1E100] =	vst v63  }
0x6f: {  	_ =	swait.ge [sflag:s15], $0x4000  }
0x70: {  	[sflag:s15] =	ssyncset.done $0x0  }
0x71: {  	[sflag:s15] =	ssyncadd.s32 $0xFFFFC000  }
0x72: {  	[tilespmem:s18], [sflag:$0x2] =	stream.indirect.gather [hbm4b:s2+s17], $0x80, s21, s17, $0xb8;
	[tilespmem:$0x1E100] =	vst v63  }
0x73: {  	_ =	swait.ge [sflag:s19], $0x4000  }
0x74: {  	[sflag:s19] =	ssyncset.done $0x0  }
0x75: {  	[sflag:s19] =	ssyncadd.s32 $0xFFFFC000  }
0x76: {  	[spmem:s3] =	stream.indirect.scatter.add.f32 [tilespmem:s14], [sflag:$0x3], $0x80, s22, s17, $0xb8;
	[tilespmem:$0x1E100] =	vst v63  }
0x77: {  	_ =	swait.ge [sflag:s15], $0x4000  }
0x78: {  	[sflag:s15] =	ssyncset.done $0x0  }
0x79: {  	[sflag:s15] =	ssyncadd.s32 $0xFFFFC000  }
0x7a: {  	_ =	swait.ge [sflag:s20], $0x4000  }
0x7b: {  	[sflag:s20] =	ssyncset.done $0x0  }
0x7c: {  	[sflag:s20] =	ssyncadd.s32 $0xFFFFC000  }
0x7d: {  	[spmem:s3] =	stream.indirect.scatter.add.f32 [tilespmem:s18], [sflag:$0x3], $0x80, s23, s17, $0xb8;
	[tilespmem:$0x1E100] =	vst v63  }
0x7e: {  	_ =	swait.ge [sflag:s15], $0x4000  }
0x7f: {  	s30 =	sshll.u32 s1, $0x6;
	s4 =	sadd.s32 $0x1, s4;
	[sflag:s15] =	ssyncset.done $0x0  }
0x80: {  	s31 =	sshrl.u32 s5, $0x3;
	p0 =	sne.s32 s4, s13;
	[sflag:s15] =	ssyncadd.s32 $0xFFFFC000  }
.Ltmp2:
0x81: {  	s24 =	sor.u32 $0x1C03, s30;
	[bflag:$0x0] =	sbarrier.arrive $0xFFFF;
	(pc) =	sbr.rel @p0 .LBB2_1-.Ltmp2, $4  }
0x82: {  	[hbm:s12], [sflag:s24] =	dma.local [spmem:s31], $0x2720  }
0x83: {  	_ =	swait.ge [sflag:s15], $0x2720  }
0x84: {  	[sflag:s15] =	ssyncset.done $0x0  }
0x85: {  	[sflag:s15] =	ssyncadd.s32 $0xFFFFD8E0  }
0x86: {  	_ =	sfence.sel $0x180000  }
0x87: {  	[bflag:$0x0] =	sbarrier.arrive $0xFFFF  }
0x88: {  	p0 =	sne.s32 s1, $0x0;
	_ =	strace $0x9000004D  }
0x89: {  	s0 =	sadd.s32 @!p0 $0x100000, s0;
	[bflag:$0x2] =	sbarrier.arrive $0xFFFF  }
0x8a: {  	[sflag:s0] =	ssyncadd.tile.s32 @!p0 $0x1;
	_ =	shalt  }
.Lfunc_end2:
_tile_overlayer_lowered:
.L_overlay_start_2:
0x8b: {  	(tag) =	ssettag $0x2  }
0x8c: {  	s0 =	rddreg [dreg:$0x0];
	s2 =	stileid.u32  }
0x8d: {  	s1 =	rddreg [dreg:$0x1];
	p0 =	sne.s32 s2, $0x0  }
0x8e: {  	s3 =	rddreg [dreg:$0x2];
	[bflag:$0x3] =	sbarrier.arrive $0xFFFF;
	s2 =	simm.s32 @!p0 $0x1C03  }
0x8f: {  	[timem:s3], [sflag:s2] =	dma.local @!p0 [hbm:s0], s1  }
0x90: {  	s0 =	simm.s32 @!p0 $0x3  }
0x91: {  	_ =	swait.ge @!p0 [sflag:s0], s1  }
0x92: {  	s1 =	ssub.s32 @!p0 $0x0, s1;
	[sflag:s0] =	ssyncset.done @!p0 $0x0  }
0x93: {  	[sflag:s0] =	ssyncadd.s32 @!p0 s1  }
0x94: {  	[bflag:$0x3] =	sbarrier.arrive $0xFFFF  }
0x95: {  	_ =	shalt  }

// kernel: kernel.16.cloned.1.call-start
scs
__scs_entry_jumppad:
0x0: {  	(pc) =	sbr.rel $0x88, $3  }
0x1: {  	(tag) =	ssettag $0x0;
	lr =	simm.s32 $0x1  }
0x2: {  	[smem:$0x3F9B] =	sst lr;
	_ =	strace $0xD0000000  }
0x3: {  	_ = 	snop  }
0x4: {  	_ = 	snop  }
0x5: {  	_ = 	snop  }
0x6: {  	_ = 	snop  }
0x7: {  	_ = 	snop  }
__scs_overlays_trampoline_lowered:
0x8: {  	[smem:$0x3FAA] =	sst s0  }
0x9: {  	[smem:$0x3FAB] =	sst s1  }
0xa: {  	[smem:$0x3FAC] =	sst s2  }
0xb: {  	[smem:$0x3FAD] =	sst s3  }
0xc: {  	[smem:$0x3FAE] =	sst s4  }
0xd: {  	[smem:$0x3FAF] =	sst s5  }
0xe: {  	[smem:$0x3FB0] =	sst s6  }
0xf: {  	[smem:$0x3FB1] =	sst s7  }
0x10: {  	[smem:$0x3FB2] =	sst s8  }
0x11: {  	[smem:$0x3FB3] =	sst s9;
	s0 =	simm.s32 @!p0 $0x0  }
0x12: {  	s1 =	sld [smem:$0x3F99];
	s0 =	simm.s32 @p0 $0x1  }
0x13: {  	[smem:$0x3FB4] =	sst s0;
	s0 =	simm.s32 @!p1 $0x0  }
0x14: {  	s2 =	sld [smem:$0x3F98];
	s0 =	simm.s32 @p1 $0x1  }
0x15: {  	[smem:$0x3FB5] =	sst s0;
	s0 =	simm.s32 @!p2 $0x0  }
0x16: {  	s3 =	sld [smem:$0x3FDB];
	s0 =	simm.s32 @p2 $0x1  }
0x17: {  	s4 =	simm.s32 $0x1BF5;
	[smem:$0x3FB7] =	sst s0  }
0x18: {  	s0 =	sld [smem:$0x3F9A];
	_ =	swait.ge [sflag:s4], $0x0  }
0x19: {  	s7 =	sld [smem:$0x3F9B]  }
0x1a: {  	s8 =	sadd.s32 $0xFFFFE003, lr  }
0x1b: {  	s9 =	sadd.s32 $0xFFFFFEF7, lr;
	s5 =	simm.s32 $0xFFFFFFFF;
	p2 =	slt.u32 s8, $0xFFFFF086  }
0x1c: {  	p1 =	slt.u32 s9, $0xF7A;
	s5 =	simm.s32 @!p2 $0x0  }
0x1d: {  	s5 =	simm.s32 @p1 $0x1;
	p0 =	seq.s32 s7, s2  }
0x1e: {  	s7 =	smul.u32 @!p0 $0xF7A, s2;
	p2 =	seq.s32 @!p0 s5, $0x0  }
0x1f: {  	s9 =	smul.u32 $0xF7A, s1;
	s8 =	simm.s32 @!p0 $0x1BF5;
	p2 =	por !p2, p0  }
0x20: {  	[sflag:s8] =	ssyncset.s32 @!p0 $0xFFFFF086;
	s6 =	sadd.s32 @!p0 s3, s7;
	s7 =	simm.s32 @!p0 $0x108  }
0x21: {  	s3 =	sadd.s32 s3, s9;
	s6 =	sadd.s32 @!p0 $0x88, s6;
	s7 =	simm.s32 @p2 $0x1082  }
0x22: {  	[simem:s7], [sflag:s8] =	dma.local @!p0 [hbm:s6], $0xF7A  }
0x23: {  	s9 =	sor.u32 $0xD0000000, s2;
	s6 =	simm.s32 $0x108;
	_ =	swait.ge @!p0 [sflag:s8], $0x0  }
0x24: {  	s3 =	sadd.s32 $0x88, s3;
	s6 =	simm.s32 @!p1 $0x1082;
	[sflag:s4] =	ssyncset.s32 $0xFFFFF086  }
0x25: {  	[simem:s6], [sflag:s4] =	dma.local [hbm:s3], $0xF7A  }
0x26: {  	[smem:$0x3F9B] =	sst s1;
	(tag) =	ssettag s2;
	_ =	strace s9  }
0x27: {  	s1 =	sld [smem:$0x3FAB]  }
0x28: {  	s2 =	sld [smem:$0x3FAC]  }
0x29: {  	s4 =	sld [smem:$0x3FAE]  }
0x2a: {  	p0 =	seq.s32 s5, $0x0;
	s5 =	sld [smem:$0x3FAF]  }
0x2b: {  	s6 =	sld [smem:$0x3FB0]  }
0x2c: {  	s7 =	sld [smem:$0x3FB1]  }
0x2d: {  	s3 =	simm.s32 $0x108;
	s8 =	sld [smem:$0x3FB2]  }
0x2e: {  	s3 =	simm.s32 @!p0 $0x1082;
	s9 =	sld [smem:$0x3FB3]  }
0x2f: {  	lr =	sadd.s32 s0, s3;
	s0 =	sld [smem:$0x3FAA]  }
0x30: {  	s3 =	sld [smem:$0x3FAD]  }
0x31: {  	[smem:$0x3FB6] =	sst s10  }
0x32: {  	s10 =	sld [smem:$0x3FB4];
	_ =	sdelay $0x3  }
0x33: {  	p0 =	seq.s32 s10, $0x1;
	s10 =	sld [smem:$0x3FB6];
	_ =	sdelay $0x3  }
0x34: {  	[smem:$0x3FB6] =	sst s10  }
0x35: {  	s10 =	sld [smem:$0x3FB5];
	_ =	sdelay $0x3  }
0x36: {  	p1 =	seq.s32 s10, $0x1;
	s10 =	sld [smem:$0x3FB6];
	_ =	sdelay $0x3  }
0x37: {  	[smem:$0x3FB6] =	sst s10  }
0x38: {  	s10 =	sld [smem:$0x3FB7]  }
0x39: {  	_ = 	snop;
	(pc) =	sbr.ind lr, $3  }
0x3a: {  	_ = 	snop  }
0x3b: {  	_ = 	snop  }
0x3c: {  	p2 =	seq.s32 s10, $0x1;
	s10 =	sld [smem:$0x3FB6]  }
0x3d: {  	_ =	shalt  }
0x3e: {  	_ =	shalt  }
0x3f: {  	_ =	shalt  }
0x40: {  	_ =	shalt  }
0x41: {  	_ =	shalt  }
0x42: {  	_ =	shalt  }
0x43: {  	_ =	shalt  }
0x44: {  	_ =	shalt  }
0x45: {  	_ =	shalt  }
0x46: {  	_ =	shalt  }
0x47: {  	_ =	shalt  }
0x48: {  	_ =	shalt  }
0x49: {  	_ =	shalt  }
0x4a: {  	_ =	shalt  }
0x4b: {  	_ =	shalt  }
0x4c: {  	_ =	shalt  }
0x4d: {  	_ =	shalt  }
0x4e: {  	_ =	shalt  }
0x4f: {  	_ =	shalt  }
0x50: {  	_ =	shalt  }
0x51: {  	_ =	shalt  }
0x52: {  	_ =	shalt  }
0x53: {  	_ =	shalt  }
0x54: {  	_ =	shalt  }
0x55: {  	_ =	shalt  }
0x56: {  	_ =	shalt  }
0x57: {  	_ =	shalt  }
0x58: {  	_ =	shalt  }
0x59: {  	_ =	shalt  }
0x5a: {  	_ =	shalt  }
0x5b: {  	_ =	shalt  }
0x5c: {  	_ =	shalt  }
0x5d: {  	_ =	shalt  }
0x5e: {  	_ =	shalt  }
0x5f: {  	_ =	shalt  }
0x60: {  	_ =	shalt  }
0x61: {  	_ =	shalt  }
0x62: {  	_ =	shalt  }
0x63: {  	_ =	shalt  }
0x64: {  	_ =	shalt  }
0x65: {  	_ =	shalt  }
0x66: {  	_ =	shalt  }
0x67: {  	_ =	shalt  }
0x68: {  	_ =	shalt  }
0x69: {  	_ =	shalt  }
0x6a: {  	_ =	shalt  }
0x6b: {  	_ =	shalt  }
0x6c: {  	_ =	shalt  }
0x6d: {  	_ =	shalt  }
0x6e: {  	_ =	shalt  }
0x6f: {  	_ =	shalt  }
0x70: {  	_ =	shalt  }
0x71: {  	_ =	shalt  }
0x72: {  	_ =	shalt  }
0x73: {  	_ =	shalt  }
0x74: {  	_ =	shalt  }
0x75: {  	_ =	shalt  }
0x76: {  	_ =	shalt  }
0x77: {  	_ =	shalt  }
0x78: {  	_ =	shalt  }
0x79: {  	_ =	shalt  }
0x7a: {  	_ =	shalt  }
0x7b: {  	_ =	shalt  }
0x7c: {  	_ =	shalt  }
0x7d: {  	_ =	shalt  }
0x7e: {  	_ =	shalt  }
0x7f: {  	_ =	shalt  }
0x80: {  	_ =	shalt  }
0x81: {  	_ =	shalt  }
0x82: {  	_ =	shalt  }
0x83: {  	_ =	shalt  }
0x84: {  	_ =	shalt  }
0x85: {  	_ =	shalt  }
0x86: {  	_ =	shalt  }
0x87: {  	_ =	shalt  }
.Lfunc_end0:
.L_simem_size_0:
called_computation.2_lowered:
.L_overlay_start_0:
0x88: {  	s2 =	sld [smem:$0x3FD9]  }
0x89: {  	s3 =	sld [smem:$0x3FFE];
	_ =	sdelay $0x1  }
0x8a: {  	s1 =	srdreg.scid  }
0x8b: {  	s0 =	sand.u32 $0x1, s1  }
0x8c: {  	s17 =	sshll.u32 s0, $0xA;
	s2 =	sadd.s32 s3, s2  }
0x8d: {  	s2 =	sadd.s32 s2, s17  }
0x8e: {  	[smem:$0x3FC2] =	sst s2  }
0x8f: {  	_ = 	snop  }
0x90: {  	s2 =	sld [smem:$0x3FD0];
	(tm) =	ssettm $0x1  }
0x91: {  	s18 =	sld [smem:$0x3FFB];
	_ =	sdelay $0x3  }
0x92: {  	_ =	strace s18  }
0x93: {  	s3 =	sld [smem:$0x3FFC];
	_ =	sdelay $0x3  }
0x94: {  	_ =	strace s3  }
0x95: {  	s3 =	sld [smem:$0x3FFD];
	_ =	sdelay $0x3  }
0x96: {  	_ =	strace s3  }
0x97: {  	_ =	strace $0x8FFFFFFF  }
0x98: {  	s19 =	sld [smem:$0x3FDB];
	_ =	sdelay $0x1  }
0x99: {  	s4 =	simm.s32 $_scs_section_size  }
0x9a: {  	s5 =	simm.s32 $_size__tile_overlayer_lowered;
	s6 =	simm.s32 $_tile_overlayer_lowered  }
0x9b: {  	s22 =	simm.s32 $0x1BFF;
	s21 =	sshll.u32 s6, $0x1;
	s3 =	sadd.s32 s4, s19  }
0x9c: {  	s7 =	simm.s32 $0x0;
	s20 =	sshll.u32 s5, $0x1;
	s5 =	sadd.s32 s21, s3  }
0x9d: {  	[timem:s7], [sflag:s22] =	dma.local [hbm:s5], s20  }
0x9e: {  	_ =	swait.ge [sflag:s22], s20  }
0x9f: {  	s4 =	ssub.s32 $0x0, s20;
	[sflag:s22] =	ssyncset.done $0x0  }
0xa0: {  	[sflag:s22] =	ssyncadd.s32 s4;
	_ =	sdelay $0x1  }
0xa1: {  	s23 =	simm.s32 $0x1B8B  }
0xa2: {  	_ =	swait.ge [sflag:s23], $0x1  }
0xa3: {  	[sflag:s23] =	ssyncset.done $0x0  }
0xa4: {  	s25 =	simm.s32 $0x1B8E;
	s24 =	sld [smem:$0x3FFE];
	[sflag:s23] =	ssyncadd.s32 $0xFFFFFFFF  }
0xa5: {  	s26 =	simm.s32 $execute0_lowered;
	[smem:$0x3FD2] =	sst s25  }
0xa6: {  	s5 =	sshll.u32 s26, $0x1;
	_ =	strace $0x80000049;
	[dreg:$0x1] =	wrdreg $0xFFFFFFFF  }
0xa7: {  	s28 =	simm.s32 $_size_execute0_lowered;
	s3 =	sadd.s32 s3, s5;
	[dreg:$0x0] =	wrdreg $0x0  }
0xa8: {  	s5 =	sshll.u32 s28, $0x1;
	[dreg:$0x2] =	wrdreg s3  }
0xa9: {  	[dreg:$0x3] =	wrdreg s5  }
0xaa: {  	[dreg:$0x4] =	wrdreg $0xC0  }
0xab: {  	_ =	task [dreg:s7], $0x5FFFF  }
0xac: {  	[dreg:$0x1] =	wrdreg $0xFFFFFFFF  }
0xad: {  	[dreg:$0x0] =	wrdreg $0x60  }
0xae: {  	[dreg:$0x2] =	wrdreg s24  }
0xaf: {  	[dreg:$0x3] =	wrdreg s2  }
0xb0: {  	[dreg:$0x4] =	wrdreg $0xA8000  }
0xb1: {  	[dreg:$0x5] =	wrdreg $0xA  }
0xb2: {  	_ =	task.clear_ibuf [dreg:s7], $0x6FFFF;
	_ =	strace $0x90000049  }
0xb3: {  	s29 =	simm.s32 $0xA;
	_ =	strace $0x8000004B  }
0xb4: {  	_ =	swait.ge [sflag:s29], $0x1  }
0xb5: {  	[sflag:s29] =	ssyncadd.s32 $0xFFFFFFFF  }
0xb6: {  	_ =	strace $0x9000004B  }
0xb7: {  	_ =	sfence  }
0xb8: {  	s30 =	sld [smem:$0x0];
	_ =	sdelay $0x2  }
0xb9: {  	s31 =	sshll.u32 s1, $0xD;
	s1 =	sshrl.u32 s1, $0x2  }
0xba: {  	s3 =	sand.u32 $0x4000, s31;
	s1 =	sadd.s32 s1, s30  }
0xbb: {  	s0 =	sor.u32 s3, s0;
	s1 =	sshll.u32 s1, $0x11  }
0xbc: {  	s0 =	sor.u32 s1, s0  }
0xbd: {  	s0 =	sadd.s32 $0x8F2B, s0  }
0xbe: {  	[sflag:s0] =	ssyncadd.remote.s32 $0x1  }
0xbf: {  	_ =	sfence.sel $0xFFFF  }
0xc0: {  	[dreg:$0x0] =	wrdreg $0xFFFFFFFF;
	(pc) =	sbr.abs _section_cstart, $3  }
0xc1: {  	[dreg:$0x1] =	wrdreg $0xFFFFFFFF  }
0xc2: {  	_ =	task.clear_ibuf [dreg:s7], $0x2FFFF;
	_ =	strace $0x9FFFFFFF  }
0xc3: {  	(tm) =	ssettm $0x7FFFFFFF  }
tec
execute0_lowered:
.L_overlay_start_1:
0x0: {  	(tag) =	ssettag $0x1  }
0x1: {  	s5 =	rddreg [dreg:$0x0]  }
0x2: {  	s2 =	rddreg [dreg:$0x1];
	s0 =	srdreg.scid  }
0x3: {  	s3 =	rddreg [dreg:$0x2];
	s1 =	stileid.u32  }
0x4: {  	s4 =	simm.s32 $0x0;
	s14 =	simm.s32 $0x2800;
	s15 =	simm.s32 $0x3  }
0x5: {  	s16 =	simm.s32 $0x1400;
	s17 =	simm.s32 $0x80;
	s18 =	simm.s32 $0x6800  }
0x6: {  	s19 =	simm.s32 $0x1;
	s20 =	simm.s32 $0x2;
	s21 =	simm.s32 $0x1380  }
0x7: {  	s22 =	simm.s32 $0x2700;
	s23 =	simm.s32 $0x2780;
	s8 =	smul.u32 $0x13900, s1  }
0x8: {  	s6 =	sand.u32 $0x1, s0;
	s0 =	rddreg [dreg:$0x3];
	s10 =	smul.u32 $0x4E400, s1  }
0x9: {  	[smem:$0x7FF] =	sst s4;
	s7 =	sshll.u32 s6, $0x4;
	s9 =	smul.u32 $0x139000, s6  }
0xa: {  	_ =	strace $0x8000004A;
	s6 =	ssub.s32 $0x2, s6;
	s7 =	sor.u32 s1, s7  }
0xb: {  	s29 =	sshrl.u32 s6, $0x1;
	s30 =	sshrl.u32 s10, $0x2;
	s7 =	smul.u32 $0x280, s7  }
0xc: {  	s9 =	sadd.s32 s8, s9;
	s13 =	ssub.s32 s6, s29;
	s31 =	sadd.s32 s30, s3  }
0xd: {  	s28 =	sshrl.u32 s9, $0x3;
	s6 =	sadd.s32 $0x4000, s31;
	s9 =	sadd.s32 $0x10000, s31  }
0xe: {  	s13 =	smax.u32 s13, $0x1;
	s11 =	sadd.s32 s7, s5;
	s12 =	sadd.s32 s28, s5  }
0xf: {  	s5 =	sadd.s32 s8, s3;
	s7 =	sadd.s32 $0x8000, s31;
	s8 =	sadd.s32 $0xC000, s31  }
0x10: {  	v0 =	vimm.f32 $0.0e+00;
	s10 =	sadd.s32 $0xB400, s11;
	s11 =	sadd.s32 $0x10400, s11;
	s12 =	sadd.s32 $0x15400, s12  }
.LBB2_1:
0x11: {  	s24 =	simm.s32 $0x0;
	s25 =	simm.s32 $0x200  }
.LBB2_2:
0x12: {  	p0 =	sne.s32 s25, $0xFE00;
	[tilespmem:s24+$0x2870] =	vst v0  }
0x13: {  	[tilespmem:s24+$0x2800] =	vst v0  }
0x14: {  	[tilespmem:s24+$0x2810] =	vst v0  }
.Ltmp0:
0x15: {  	[tilespmem:s24+$0x2820] =	vst v0;
	(pc) =	sbr.rel @p0 .LBB2_2-.Ltmp0, $4  }
0x16: {  	[tilespmem:s24+$0x2830] =	vst v0  }
0x17: {  	[tilespmem:s24+$0x2840] =	vst v0  }
0x18: {  	[tilespmem:s24+$0x2850] =	vst v0  }
0x19: {  	[tilespmem:s24+$0x2860] =	vst v0;
	s24 =	sshra.s32 s25, $0x2;
	s25 =	sadd.s32 $0x200, s25  }
0x1a: {  	[tilespmem:s24+$0x2870] =	vst v0  }
0x1b: {  	[tilespmem:s24+$0x2800] =	vst v0  }
0x1c: {  	[tilespmem:s24+$0x2810] =	vst v0  }
0x1d: {  	[tilespmem:s24+$0x2820] =	vst v0  }
0x1e: {  	[tilespmem:s24+$0x2830] =	vst v0  }
0x1f: {  	[tilespmem:s24+$0x2840] =	vst v0  }
0x20: {  	[tilespmem:s24+$0x2850] =	vst v0  }
0x21: {  	[tilespmem:s24+$0x2860] =	vst v0  }
0x22: {  	[spmem:s5] =	stream.linear.scatter [tilespmem:s14], [sflag:$0x3], $0x4000, $0x38;
	[tilespmem:$0x1E100] =	vst v63  }
0x23: {  	_ =	swait.ge [sflag:s15], $0x4000  }
0x24: {  	[sflag:s15] =	ssyncset.done $0x0  }
0x25: {  	[sflag:s15] =	ssyncadd.s32 $0xFFFFC000  }
0x26: {  	[spmem:s6] =	stream.linear.scatter [tilespmem:s14], [sflag:$0x3], $0x4000, $0x38;
	[tilespmem:$0x1E100] =	vst v63  }
0x27: {  	_ =	swait.ge [sflag:s15], $0x4000  }
0x28: {  	[sflag:s15] =	ssyncset.done $0x0  }
0x29: {  	[sflag:s15] =	ssyncadd.s32 $0xFFFFC000  }
0x2a: {  	[spmem:s7] =	stream.linear.scatter [tilespmem:s14], [sflag:$0x3], $0x4000, $0x38;
	[tilespmem:$0x1E100] =	vst v63  }
0x2b: {  	_ =	swait.ge [sflag:s15], $0x4000  }
0x2c: {  	[sflag:s15] =	ssyncset.done $0x0  }
0x2d: {  	[sflag:s15] =	ssyncadd.s32 $0xFFFFC000  }
0x2e: {  	[spmem:s8] =	stream.linear.scatter [tilespmem:s14], [sflag:$0x3], $0x4000, $0x38;
	[tilespmem:$0x1E100] =	vst v63  }
0x2f: {  	_ =	swait.ge [sflag:s15], $0x4000  }
0x30: {  	[sflag:s15] =	ssyncset.done $0x0  }
0x31: {  	[sflag:s15] =	ssyncadd.s32 $0xFFFFC000  }
0x32: {  	[spmem:s9] =	stream.linear.scatter [tilespmem:s14], [sflag:$0x3], $0x3900, $0x38;
	[tilespmem:$0x1E100] =	vst v63  }
0x33: {  	_ =	swait.ge [sflag:s15], $0x3900  }
0x34: {  	[sflag:s15] =	ssyncset.done $0x0  }
0x35: {  	s26 =	simm.s32 $0x0;
	[sflag:s15] =	ssyncadd.s32 $0xFFFFC700  }
0x36: {  	[tilespmem:s26], [sflag:$0x3] =	stream.linear.gather [hbm4b:s10+s26], $0x1400, $0x38;
	[tilespmem:$0x1E100] =	vst v63  }
0x37: {  	_ =	swait.ge [sflag:s15], $0x1400  }
0x38: {  	[sflag:s15] =	ssyncset.done $0x0  }
0x39: {  	[sflag:s15] =	ssyncadd.s32 $0xFFFFEC00  }
0x3a: {  	[tilespmem:s16], [sflag:$0x3] =	stream.linear.gather [hbm4b:s11+s26], $0x1400, $0x38;
	[tilespmem:$0x1E100] =	vst v63  }
0x3b: {  	_ =	swait.ge [sflag:s15], $0x1400  }
0x3c: {  	[sflag:s15] =	ssyncset.done $0x0  }
0x3d: {  	[sflag:s15] =	ssyncadd.s32 $0xFFFFEC00  }
0x3e: {  	[bflag:$0x0] =	sbarrier.arrive $0xFFFF  }
0x3f: {  	[tilespmem:s14], [sflag:$0x1] =	stream.indirect.gather [hbm4b:s2+s17], $0x80, s26, s17, $0xb8;
	[tilespmem:$0x1E100] =	vst v63  }
0x40: {  	s28 =	simm.s32 $0x80  }
0x41: {  	[tilespmem:s18], [sflag:$0x2] =	stream.indirect.gather [hbm4b:s2+s17], $0x80, s28, s17, $0xb8;
	[tilespmem:$0x1E100] =	vst v63  }
0x42: {  	_ =	swait.ge [sflag:s19], $0x4000  }
0x43: {  	[sflag:s19] =	ssyncset.done $0x0  }
0x44: {  	s29 =	simm.s32 $0x1400;
	[sflag:s19] =	ssyncadd.s32 $0xFFFFC000  }
0x45: {  	[spmem:s3] =	stream.indirect.scatter.add.f32 [tilespmem:s14], [sflag:$0x3], $0x80, s29, s17, $0xb8;
	[tilespmem:$0x1E100] =	vst v63  }
0x46: {  	_ =	swait.ge [sflag:s15], $0x4000  }
0x47: {  	[sflag:s15] =	ssyncset.done $0x0  }
0x48: {  	s30 =	simm.s32 $0x100;
	[sflag:s15] =	ssyncadd.s32 $0xFFFFC000  }
0x49: {  	[tilespmem:s14], [sflag:$0x1] =	stream.indirect.gather [hbm4b:s2+s17], $0x80, s30, s17, $0xb8;
	[tilespmem:$0x1E100] =	vst v63  }
0x4a: {  	_ =	swait.ge [sflag:s20], $0x4000  }
0x4b: {  	[sflag:s20] =	ssyncset.done $0x0  }
0x4c: {  	s31 =	simm.s32 $0x1480;
	[sflag:s20] =	ssyncadd.s32 $0xFFFFC000  }
0x4d: {  	[spmem:s3] =	stream.indirect.scatter.add.f32 [tilespmem:s18], [sflag:$0x3], $0x80, s31, s17, $0xb8;
	[tilespmem:$0x1E100] =	vst v63  }
0x4e: {  	_ =	swait.ge [sflag:s15], $0x4000  }
0x4f: {  	s25 =	simm.s32 $0x800;
	s24 =	simm.s32 $0x100;
	[sflag:s15] =	ssyncset.done $0x0  }
.LBB2_4:
0x50: {  	s26 =	sadd.s32 $0x80, s24  }
0x51: {  	[sflag:s15] =	ssyncadd.s32 $0xFFFFC000;
	s28 =	smov.u32 s25;
	s29 =	sadd.s32 $0x400, s25  }
0x52: {  	[tilespmem:s18], [sflag:$0x2] =	stream.indirect.gather [hbm4b:s2+s17], $0x80, s26, s17, $0xb8;
	[tilespmem:$0x1E100] =	vst v63  }
0x53: {  	p0 =	sne.s32 s25, $0x4800;
	_ =	swait.ge [sflag:s19], $0x4000  }
0x54: {  	[sflag:s19] =	ssyncset.done $0x0  }
0x55: {  	s25 =	sadd.s32 $0x1400, s24;
	[sflag:s19] =	ssyncadd.s32 $0xFFFFC000  }
0x56: {  	[spmem:s3] =	stream.indirect.scatter.add.f32 [tilespmem:s14], [sflag:$0x3], $0x80, s25, s17, $0xb8;
	[tilespmem:$0x1E100] =	vst v63  }
0x57: {  	_ =	swait.ge [sflag:s15], $0x4000  }
0x58: {  	[sflag:s15] =	ssyncset.done $0x0  }
0x59: {  	s25 =	sadd.s32 $0x100, s24;
	[sflag:s15] =	ssyncadd.s32 $0xFFFFC000  }
0x5a: {  	[tilespmem:s14], [sflag:$0x1] =	stream.indirect.gather [hbm4b:s2+s17], $0x80, s25, s17, $0xb8;
	[tilespmem:$0x1E100] =	vst v63  }
0x5b: {  	_ =	swait.ge [sflag:s20], $0x4000  }
.Ltmp1:
0x5c: {  	[sflag:s20] =	ssyncset.done $0x0;
	(pc) =	sbr.rel @p0 .LBB2_4-.Ltmp1, $4  }
0x5d: {  	s24 =	sadd.s32 $0x1480, s24;
	[sflag:s20] =	ssyncadd.s32 $0xFFFFC000  }
0x5e: {  	[spmem:s3] =	stream.indirect.scatter.add.f32 [tilespmem:s18], [sflag:$0x3], $0x80, s24, s17, $0xb8;
	[tilespmem:$0x1E100] =	vst v63  }
0x5f: {  	_ =	swait.ge [sflag:s15], $0x4000  }
0x60: {  	s25 =	smov.u32 s29;
	s24 =	sshra.s32 s28, $0x2;
	[sflag:s15] =	ssyncset.done $0x0  }
0x61: {  	s25 =	sadd.s32 $0x80, s24;
	[sflag:s15] =	ssyncadd.s32 $0xFFFFC000  }
0x62: {  	[tilespmem:s18], [sflag:$0x2] =	stream.indirect.gather [hbm4b:s2+s17], $0x80, s25, s17, $0xb8;
	[tilespmem:$0x1E100] =	vst v63  }
0x63: {  	_ =	swait.ge [sflag:s19], $0x4000  }
0x64: {  	[sflag:s19] =	ssyncset.done $0x0  }
0x65: {  	s26 =	sadd.s32 $0x1400, s24;
	[sflag:s19] =	ssyncadd.s32 $0xFFFFC000  }
0x66: {  	[spmem:s3] =	stream.indirect.scatter.add.f32 [tilespmem:s14], [sflag:$0x3], $0x80, s26, s17, $0xb8;
	[tilespmem:$0x1E100] =	vst v63  }
0x67: {  	_ =	swait.ge [sflag:s15], $0x4000  }
0x68: {  	[sflag:s15] =	ssyncset.done $0x0  }
0x69: {  	s28 =	sadd.s32 $0x100, s24;
	[sflag:s15] =	ssyncadd.s32 $0xFFFFC000  }
0x6a: {  	[tilespmem:s14], [sflag:$0x1] =	stream.indirect.gather [hbm4b:s2+s17], $0x80, s28, s17, $0xb8;
	[tilespmem:$0x1E100] =	vst v63  }
0x6b: {  	_ =	swait.ge [sflag:s20], $0x4000  }
0x6c: {  	[sflag:s20] =	ssyncset.done $0x0  }
0x6d: {  	s29 =	sadd.s32 $0x1480, s24;
	[sflag:s20] =	ssyncadd.s32 $0xFFFFC000  }
0x6e: {  	[spmem:s3] =	stream.indirect.scatter.add.f32 [tilespmem:s18], [sflag:$0x3], $0x80, s29, s17, $0xb8;
	[tilespmem:$0x1E100] =	vst v63  }
0x6f: {  	_ =	swait.ge [sflag:s15], $0x4000  }
0x70: {  	[sflag:s15] =	ssyncset.done $0x0  }
0x71: {  	[sflag:s15] =	ssyncadd.s32 $0xFFFFC000  }
0x72: {  	[tilespmem:s18], [sflag:$0x2] =	stream.indirect.gather [hbm4b:s2+s17], $0x80, s21, s17, $0xb8;
	[tilespmem:$0x1E100] =	vst v63  }
0x73: {  	_ =	swait.ge [sflag:s19], $0x4000  }
0x74: {  	[sflag:s19] =	ssyncset.done $0x0  }
0x75: {  	[sflag:s19] =	ssyncadd.s32 $0xFFFFC000  }
0x76: {  	[spmem:s3] =	stream.indirect.scatter.add.f32 [tilespmem:s14], [sflag:$0x3], $0x80, s22, s17, $0xb8;
	[tilespmem:$0x1E100] =	vst v63  }
0x77: {  	_ =	swait.ge [sflag:s15], $0x4000  }
0x78: {  	[sflag:s15] =	ssyncset.done $0x0  }
0x79: {  	[sflag:s15] =	ssyncadd.s32 $0xFFFFC000  }
0x7a: {  	_ =	swait.ge [sflag:s20], $0x4000  }
0x7b: {  	[sflag:s20] =	ssyncset.done $0x0  }
0x7c: {  	[sflag:s20] =	ssyncadd.s32 $0xFFFFC000  }
0x7d: {  	[spmem:s3] =	stream.indirect.scatter.add.f32 [tilespmem:s18], [sflag:$0x3], $0x80, s23, s17, $0xb8;
	[tilespmem:$0x1E100] =	vst v63  }
0x7e: {  	_ =	swait.ge [sflag:s15], $0x4000  }
0x7f: {  	s30 =	sshll.u32 s1, $0x6;
	s4 =	sadd.s32 $0x1, s4;
	[sflag:s15] =	ssyncset.done $0x0  }
0x80: {  	s31 =	sshrl.u32 s5, $0x3;
	p0 =	sne.s32 s4, s13;
	[sflag:s15] =	ssyncadd.s32 $0xFFFFC000  }
.Ltmp2:
0x81: {  	s24 =	sor.u32 $0x1C03, s30;
	[bflag:$0x0] =	sbarrier.arrive $0xFFFF;
	(pc) =	sbr.rel @p0 .LBB2_1-.Ltmp2, $4  }
0x82: {  	[hbm:s12], [sflag:s24] =	dma.local [spmem:s31], $0x2720  }
0x83: {  	_ =	swait.ge [sflag:s15], $0x2720  }
0x84: {  	[sflag:s15] =	ssyncset.done $0x0  }
0x85: {  	[sflag:s15] =	ssyncadd.s32 $0xFFFFD8E0  }
0x86: {  	_ =	sfence.sel $0x180000  }
0x87: {  	[bflag:$0x0] =	sbarrier.arrive $0xFFFF  }
0x88: {  	p0 =	sne.s32 s1, $0x0;
	_ =	strace $0x9000004A  }
0x89: {  	s0 =	sadd.s32 @!p0 $0x100000, s0;
	[bflag:$0x2] =	sbarrier.arrive $0xFFFF  }
0x8a: {  	[sflag:s0] =	ssyncadd.tile.s32 @!p0 $0x1;
	_ =	shalt  }
.Lfunc_end2:
_tile_overlayer_lowered:
.L_overlay_start_2:
0x8b: {  	(tag) =	ssettag $0x2  }
0x8c: {  	s0 =	rddreg [dreg:$0x0];
	s2 =	stileid.u32  }
0x8d: {  	s1 =	rddreg [dreg:$0x1];
	p0 =	sne.s32 s2, $0x0  }
0x8e: {  	s3 =	rddreg [dreg:$0x2];
	[bflag:$0x3] =	sbarrier.arrive $0xFFFF;
	s2 =	simm.s32 @!p0 $0x1C03  }
0x8f: {  	[timem:s3], [sflag:s2] =	dma.local @!p0 [hbm:s0], s1  }
0x90: {  	s0 =	simm.s32 @!p0 $0x3  }
0x91: {  	_ =	swait.ge @!p0 [sflag:s0], s1  }
0x92: {  	s1 =	ssub.s32 @!p0 $0x0, s1;
	[sflag:s0] =	ssyncset.done @!p0 $0x0  }
0x93: {  	[sflag:s0] =	ssyncadd.s32 @!p0 s1  }
0x94: {  	[bflag:$0x3] =	sbarrier.arrive $0xFFFF  }
0x95: {  	_ =	shalt  }

// kernel: kernel.19.cloned.1.call-start
scs
__scs_entry_jumppad:
0x0: {  	(pc) =	sbr.rel $0x88, $3  }
0x1: {  	(tag) =	ssettag $0x0;
	lr =	simm.s32 $0x1  }
0x2: {  	[smem:$0x3F9B] =	sst lr;
	_ =	strace $0xD0000000  }
0x3: {  	_ = 	snop  }
0x4: {  	_ = 	snop  }
0x5: {  	_ = 	snop  }
0x6: {  	_ = 	snop  }
0x7: {  	_ = 	snop  }
__scs_overlays_trampoline_lowered:
0x8: {  	[smem:$0x3FAA] =	sst s0  }
0x9: {  	[smem:$0x3FAB] =	sst s1  }
0xa: {  	[smem:$0x3FAC] =	sst s2  }
0xb: {  	[smem:$0x3FAD] =	sst s3  }
0xc: {  	[smem:$0x3FAE] =	sst s4  }
0xd: {  	[smem:$0x3FAF] =	sst s5  }
0xe: {  	[smem:$0x3FB0] =	sst s6  }
0xf: {  	[smem:$0x3FB1] =	sst s7  }
0x10: {  	[smem:$0x3FB2] =	sst s8  }
0x11: {  	[smem:$0x3FB3] =	sst s9;
	s0 =	simm.s32 @!p0 $0x0  }
0x12: {  	s1 =	sld [smem:$0x3F99];
	s0 =	simm.s32 @p0 $0x1  }
0x13: {  	[smem:$0x3FB4] =	sst s0;
	s0 =	simm.s32 @!p1 $0x0  }
0x14: {  	s2 =	sld [smem:$0x3F98];
	s0 =	simm.s32 @p1 $0x1  }
0x15: {  	[smem:$0x3FB5] =	sst s0;
	s0 =	simm.s32 @!p2 $0x0  }
0x16: {  	s3 =	sld [smem:$0x3FDB];
	s0 =	simm.s32 @p2 $0x1  }
0x17: {  	s4 =	simm.s32 $0x1BF5;
	[smem:$0x3FB7] =	sst s0  }
0x18: {  	s0 =	sld [smem:$0x3F9A];
	_ =	swait.ge [sflag:s4], $0x0  }
0x19: {  	s7 =	sld [smem:$0x3F9B]  }
0x1a: {  	s8 =	sadd.s32 $0xFFFFE003, lr  }
0x1b: {  	s9 =	sadd.s32 $0xFFFFFEF7, lr;
	s5 =	simm.s32 $0xFFFFFFFF;
	p2 =	slt.u32 s8, $0xFFFFF086  }
0x1c: {  	p1 =	slt.u32 s9, $0xF7A;
	s5 =	simm.s32 @!p2 $0x0  }
0x1d: {  	s5 =	simm.s32 @p1 $0x1;
	p0 =	seq.s32 s7, s2  }
0x1e: {  	s7 =	smul.u32 @!p0 $0xF7A, s2;
	p2 =	seq.s32 @!p0 s5, $0x0  }
0x1f: {  	s9 =	smul.u32 $0xF7A, s1;
	s8 =	simm.s32 @!p0 $0x1BF5;
	p2 =	por !p2, p0  }
0x20: {  	[sflag:s8] =	ssyncset.s32 @!p0 $0xFFFFF086;
	s6 =	sadd.s32 @!p0 s3, s7;
	s7 =	simm.s32 @!p0 $0x108  }
0x21: {  	s3 =	sadd.s32 s3, s9;
	s6 =	sadd.s32 @!p0 $0x88, s6;
	s7 =	simm.s32 @p2 $0x1082  }
0x22: {  	[simem:s7], [sflag:s8] =	dma.local @!p0 [hbm:s6], $0xF7A  }
0x23: {  	s9 =	sor.u32 $0xD0000000, s2;
	s6 =	simm.s32 $0x108;
	_ =	swait.ge @!p0 [sflag:s8], $0x0  }
0x24: {  	s3 =	sadd.s32 $0x88, s3;
	s6 =	simm.s32 @!p1 $0x1082;
	[sflag:s4] =	ssyncset.s32 $0xFFFFF086  }
0x25: {  	[simem:s6], [sflag:s4] =	dma.local [hbm:s3], $0xF7A  }
0x26: {  	[smem:$0x3F9B] =	sst s1;
	(tag) =	ssettag s2;
	_ =	strace s9  }
0x27: {  	s1 =	sld [smem:$0x3FAB]  }
0x28: {  	s2 =	sld [smem:$0x3FAC]  }
0x29: {  	s4 =	sld [smem:$0x3FAE]  }
0x2a: {  	p0 =	seq.s32 s5, $0x0;
	s5 =	sld [smem:$0x3FAF]  }
0x2b: {  	s6 =	sld [smem:$0x3FB0]  }
0x2c: {  	s7 =	sld [smem:$0x3FB1]  }
0x2d: {  	s3 =	simm.s32 $0x108;
	s8 =	sld [smem:$0x3FB2]  }
0x2e: {  	s3 =	simm.s32 @!p0 $0x1082;
	s9 =	sld [smem:$0x3FB3]  }
0x2f: {  	lr =	sadd.s32 s0, s3;
	s0 =	sld [smem:$0x3FAA]  }
0x30: {  	s3 =	sld [smem:$0x3FAD]  }
0x31: {  	[smem:$0x3FB6] =	sst s10  }
0x32: {  	s10 =	sld [smem:$0x3FB4];
	_ =	sdelay $0x3  }
0x33: {  	p0 =	seq.s32 s10, $0x1;
	s10 =	sld [smem:$0x3FB6];
	_ =	sdelay $0x3  }
0x34: {  	[smem:$0x3FB6] =	sst s10  }
0x35: {  	s10 =	sld [smem:$0x3FB5];
	_ =	sdelay $0x3  }
0x36: {  	p1 =	seq.s32 s10, $0x1;
	s10 =	sld [smem:$0x3FB6];
	_ =	sdelay $0x3  }
0x37: {  	[smem:$0x3FB6] =	sst s10  }
0x38: {  	s10 =	sld [smem:$0x3FB7]  }
0x39: {  	_ = 	snop;
	(pc) =	sbr.ind lr, $3  }
0x3a: {  	_ = 	snop  }
0x3b: {  	_ = 	snop  }
0x3c: {  	p2 =	seq.s32 s10, $0x1;
	s10 =	sld [smem:$0x3FB6]  }
0x3d: {  	_ =	shalt  }
0x3e: {  	_ =	shalt  }
0x3f: {  	_ =	shalt  }
0x40: {  	_ =	shalt  }
0x41: {  	_ =	shalt  }
0x42: {  	_ =	shalt  }
0x43: {  	_ =	shalt  }
0x44: {  	_ =	shalt  }
0x45: {  	_ =	shalt  }
0x46: {  	_ =	shalt  }
0x47: {  	_ =	shalt  }
0x48: {  	_ =	shalt  }
0x49: {  	_ =	shalt  }
0x4a: {  	_ =	shalt  }
0x4b: {  	_ =	shalt  }
0x4c: {  	_ =	shalt  }
0x4d: {  	_ =	shalt  }
0x4e: {  	_ =	shalt  }
0x4f: {  	_ =	shalt  }
0x50: {  	_ =	shalt  }
0x51: {  	_ =	shalt  }
0x52: {  	_ =	shalt  }
0x53: {  	_ =	shalt  }
0x54: {  	_ =	shalt  }
0x55: {  	_ =	shalt  }
0x56: {  	_ =	shalt  }
0x57: {  	_ =	shalt  }
0x58: {  	_ =	shalt  }
0x59: {  	_ =	shalt  }
0x5a: {  	_ =	shalt  }
0x5b: {  	_ =	shalt  }
0x5c: {  	_ =	shalt  }
0x5d: {  	_ =	shalt  }
0x5e: {  	_ =	shalt  }
0x5f: {  	_ =	shalt  }
0x60: {  	_ =	shalt  }
0x61: {  	_ =	shalt  }
0x62: {  	_ =	shalt  }
0x63: {  	_ =	shalt  }
0x64: {  	_ =	shalt  }
0x65: {  	_ =	shalt  }
0x66: {  	_ =	shalt  }
0x67: {  	_ =	shalt  }
0x68: {  	_ =	shalt  }
0x69: {  	_ =	shalt  }
0x6a: {  	_ =	shalt  }
0x6b: {  	_ =	shalt  }
0x6c: {  	_ =	shalt  }
0x6d: {  	_ =	shalt  }
0x6e: {  	_ =	shalt  }
0x6f: {  	_ =	shalt  }
0x70: {  	_ =	shalt  }
0x71: {  	_ =	shalt  }
0x72: {  	_ =	shalt  }
0x73: {  	_ =	shalt  }
0x74: {  	_ =	shalt  }
0x75: {  	_ =	shalt  }
0x76: {  	_ =	shalt  }
0x77: {  	_ =	shalt  }
0x78: {  	_ =	shalt  }
0x79: {  	_ =	shalt  }
0x7a: {  	_ =	shalt  }
0x7b: {  	_ =	shalt  }
0x7c: {  	_ =	shalt  }
0x7d: {  	_ =	shalt  }
0x7e: {  	_ =	shalt  }
0x7f: {  	_ =	shalt  }
0x80: {  	_ =	shalt  }
0x81: {  	_ =	shalt  }
0x82: {  	_ =	shalt  }
0x83: {  	_ =	shalt  }
0x84: {  	_ =	shalt  }
0x85: {  	_ =	shalt  }
0x86: {  	_ =	shalt  }
0x87: {  	_ =	shalt  }
.Lfunc_end0:
.L_simem_size_0:
called_computation.3_lowered:
.L_overlay_start_0:
0x88: {  	s2 =	sld [smem:$0x3FD9]  }
0x89: {  	s3 =	sld [smem:$0x3FFE];
	_ =	sdelay $0x1  }
0x8a: {  	s1 =	srdreg.scid  }
0x8b: {  	s0 =	sand.u32 $0x1, s1  }
0x8c: {  	s17 =	sshll.u32 s0, $0xA;
	s2 =	sadd.s32 s3, s2  }
0x8d: {  	s2 =	sadd.s32 s2, s17  }
0x8e: {  	[smem:$0x3FC2] =	sst s2  }
0x8f: {  	_ = 	snop  }
0x90: {  	s18 =	sld [smem:$0x3FD0];
	(tm) =	ssettm $0x1  }
0x91: {  	s19 =	sld [smem:$0x3FFB];
	_ =	sdelay $0x3  }
0x92: {  	_ =	strace s19  }
0x93: {  	s2 =	sld [smem:$0x3FFC];
	_ =	sdelay $0x3  }
0x94: {  	_ =	strace s2  }
0x95: {  	s2 =	sld [smem:$0x3FFD];
	_ =	sdelay $0x3  }
0x96: {  	_ =	strace s2  }
0x97: {  	_ =	strace $0x8FFFFFFF  }
0x98: {  	s20 =	sld [smem:$0x3FDB];
	_ =	sdelay $0x1  }
0x99: {  	s4 =	simm.s32 $_scs_section_size  }
0x9a: {  	s5 =	simm.s32 $_size__tile_overlayer_lowered;
	s6 =	simm.s32 $_tile_overlayer_lowered  }
0x9b: {  	s7 =	simm.s32 $0x1BFF;
	s21 =	sshll.u32 s6, $0x1;
	s4 =	sadd.s32 s4, s20  }
0x9c: {  	s22 =	simm.s32 $0x0;
	s5 =	sshll.u32 s5, $0x1;
	s6 =	sadd.s32 s21, s4  }
0x9d: {  	[timem:s22], [sflag:s7] =	dma.local [hbm:s6], s5  }
0x9e: {  	_ =	swait.ge [sflag:s7], s5  }
0x9f: {  	s5 =	ssub.s32 $0x0, s5;
	[sflag:s7] =	ssyncset.done $0x0  }
0xa0: {  	[sflag:s7] =	ssyncadd.s32 s5;
	_ =	sdelay $0x1  }
0xa1: {  	s23 =	simm.s32 $0x1B8B  }
0xa2: {  	_ =	swait.ge [sflag:s23], $0x1  }
0xa3: {  	[sflag:s23] =	ssyncset.done $0x0  }
0xa4: {  	[sflag:s23] =	ssyncadd.s32 $0xFFFFFFFF  }
0xa5: {  	s5 =	sld [smem:$0x0]  }
0xa6: {  	s6 =	sand.u32 $0xFFFFFFFE, s1  }
0xa7: {  	p0 =	sne.s32 s1, s6  }
0xa8: {  	s6 =	sshll.u32 @p0 s6, $0xE  }
0xa9: {  	s6 =	sadd.s32 @p0 $0x11B8D, s6;
	s7 =	sshll.u32 @p0 s5, $0x11  }
0xaa: {  	s6 =	sor.u32 @p0 s7, s6  }
0xab: {  	[sflag:s6] =	ssyncadd.remote.s32 @p0 $0x1;
	_ =	sdelay $0x1  }
0xac: {  	s6 =	simm.s32 @p0 $0x1B8D  }
0xad: {  	_ =	swait.eq @p0 [sflag:s6], $0x1  }
0xae: {  	[sflag:s6] =	ssyncadd.s32 @p0 $0xFFFFFFFF  }
0xaf: {  	s7 =	sshll.u32 @!p0 s1, $0xE  }
0xb0: {  	s7 =	sor.u32 @!p0 $0x4000, s7;
	s6 =	simm.s32 @!p0 $0x1B8D  }
0xb1: {  	s5 =	sshll.u32 @!p0 s5, $0x11;
	s7 =	sadd.s32 @!p0 $0x11B8D, s7;
	_ =	swait.eq @!p0 [sflag:s6], $0x1  }
0xb2: {  	s5 =	sor.u32 @!p0 s5, s7;
	[sflag:s6] =	ssyncadd.s32 @!p0 $0xFFFFFFFF  }
0xb3: {  	s25 =	simm.s32 $0x1B8E;
	s24 =	sld [smem:$0x3FFE];
	[sflag:s5] =	ssyncadd.remote.s32 @!p0 $0x1  }
0xb4: {  	s26 =	simm.s32 $execute0_lowered;
	[smem:$0x3FD2] =	sst s25  }
0xb5: {  	s6 =	sshll.u32 s26, $0x1;
	_ =	strace $0x80000052;
	[dreg:$0x1] =	wrdreg $0xFFFFFFFF  }
0xb6: {  	s28 =	simm.s32 $_size_execute0_lowered;
	s4 =	sadd.s32 s4, s6;
	[dreg:$0x0] =	wrdreg $0x0  }
0xb7: {  	s6 =	sshll.u32 s28, $0x1;
	[dreg:$0x2] =	wrdreg s4  }
0xb8: {  	[dreg:$0x3] =	wrdreg s6  }
0xb9: {  	[dreg:$0x4] =	wrdreg $0xC0  }
0xba: {  	_ =	task [dreg:s22], $0x5FFFF  }
0xbb: {  	[dreg:$0x1] =	wrdreg $0xFFFFFFFF  }
0xbc: {  	[dreg:$0x0] =	wrdreg $0x60  }
0xbd: {  	[dreg:$0x2] =	wrdreg s24  }
0xbe: {  	[dreg:$0x3] =	wrdreg s18  }
0xbf: {  	[dreg:$0x4] =	wrdreg $0xA8000  }
0xc0: {  	[dreg:$0x5] =	wrdreg $0x9  }
0xc1: {  	_ =	task.clear_ibuf [dreg:s22], $0x6FFFF;
	_ =	strace $0x90000052  }
0xc2: {  	s29 =	simm.s32 $0x9;
	_ =	strace $0x80000054  }
0xc3: {  	_ =	swait.ge [sflag:s29], $0x1  }
0xc4: {  	[sflag:s29] =	ssyncadd.s32 $0xFFFFFFFF  }
0xc5: {  	_ =	strace $0x90000054  }
0xc6: {  	_ =	sfence  }
0xc7: {  	s30 =	sld [smem:$0x0];
	_ =	sdelay $0x2  }
0xc8: {  	s31 =	sshll.u32 s1, $0xD;
	s1 =	sshrl.u32 s1, $0x2  }
0xc9: {  	s4 =	sand.u32 $0x4000, s31;
	s1 =	sadd.s32 s1, s30  }
0xca: {  	s0 =	sor.u32 s4, s0;
	s1 =	sshll.u32 s1, $0x11  }
0xcb: {  	s0 =	sor.u32 s1, s0  }
0xcc: {  	s0 =	sadd.s32 $0x8F2B, s0  }
0xcd: {  	[sflag:s0] =	ssyncadd.remote.s32 $0x1  }
0xce: {  	_ =	sfence.sel $0xFFFF  }
0xcf: {  	[dreg:$0x0] =	wrdreg $0xFFFFFFFF;
	(pc) =	sbr.abs _section_cstart, $3  }
0xd0: {  	[dreg:$0x1] =	wrdreg $0xFFFFFFFF  }
0xd1: {  	_ =	task.clear_ibuf [dreg:s22], $0x2FFFF;
	_ =	strace $0x9FFFFFFF  }
0xd2: {  	(tm) =	ssettm $0x7FFFFFFF  }
0xd3: {  	_ =	shalt  }
tec
execute0_lowered:
.L_overlay_start_1:
0x0: {  	(tag) =	ssettag $0x1  }
0x1: {  	s5 =	rddreg [dreg:$0x0]  }
0x2: {  	s2 =	rddreg [dreg:$0x1];
	s0 =	srdreg.scid  }
0x3: {  	s3 =	rddreg [dreg:$0x2];
	s1 =	stileid.u32  }
0x4: {  	s4 =	simm.s32 $0x0;
	s14 =	simm.s32 $0x2800;
	s15 =	simm.s32 $0x3  }
0x5: {  	s16 =	simm.s32 $0x1400;
	s17 =	simm.s32 $0x80;
	s18 =	simm.s32 $0x6800  }
0x6: {  	s19 =	simm.s32 $0x1;
	s20 =	simm.s32 $0x2;
	s21 =	simm.s32 $0x1380  }
0x7: {  	s22 =	simm.s32 $0x2700;
	s23 =	simm.s32 $0x2780;
	s8 =	smul.u32 $0x13900, s1  }
0x8: {  	s6 =	sand.u32 $0x1, s0;
	s0 =	rddreg [dreg:$0x3];
	s10 =	smul.u32 $0x4E400, s1  }
0x9: {  	[smem:$0x7FF] =	sst s4;
	s7 =	sshll.u32 s6, $0x4;
	s9 =	smul.u32 $0x139000, s6  }
0xa: {  	_ =	strace $0x80000053;
	s6 =	ssub.s32 $0x2, s6;
	s7 =	sor.u32 s1, s7  }
0xb: {  	s29 =	sshrl.u32 s6, $0x1;
	s30 =	sshrl.u32 s10, $0x2;
	s7 =	smul.u32 $0x280, s7  }
0xc: {  	s9 =	sadd.s32 s8, s9;
	s13 =	ssub.s32 s6, s29;
	s31 =	sadd.s32 s30, s3  }
0xd: {  	s28 =	sshrl.u32 s9, $0x3;
	s6 =	sadd.s32 $0x4000, s31;
	s9 =	sadd.s32 $0x10000, s31  }
0xe: {  	s13 =	smax.u32 s13, $0x1;
	s11 =	sadd.s32 s7, s5;
	s12 =	sadd.s32 s28, s5  }
0xf: {  	s5 =	sadd.s32 s8, s3;
	s7 =	sadd.s32 $0x8000, s31;
	s8 =	sadd.s32 $0xC000, s31  }
0x10: {  	v0 =	vimm.f32 $0.0e+00;
	s10 =	sadd.s32 $0x54200, s11;
	s11 =	sadd.s32 $0x4F200, s11;
	s12 =	sadd.s32 $0x59200, s12  }
.LBB2_1:
0x11: {  	s24 =	simm.s32 $0x0;
	s25 =	simm.s32 $0x200  }
.LBB2_2:
0x12: {  	p0 =	sne.s32 s25, $0xFE00;
	[tilespmem:s24+$0x2870] =	vst v0  }
0x13: {  	[tilespmem:s24+$0x2800] =	vst v0  }
0x14: {  	[tilespmem:s24+$0x2810] =	vst v0  }
.Ltmp0:
0x15: {  	[tilespmem:s24+$0x2820] =	vst v0;
	(pc) =	sbr.rel @p0 .LBB2_2-.Ltmp0, $4  }
0x16: {  	[tilespmem:s24+$0x2830] =	vst v0  }
0x17: {  	[tilespmem:s24+$0x2840] =	vst v0  }
0x18: {  	[tilespmem:s24+$0x2850] =	vst v0  }
0x19: {  	[tilespmem:s24+$0x2860] =	vst v0;
	s24 =	sshra.s32 s25, $0x2;
	s25 =	sadd.s32 $0x200, s25  }
0x1a: {  	[tilespmem:s24+$0x2870] =	vst v0  }
0x1b: {  	[tilespmem:s24+$0x2800] =	vst v0  }
0x1c: {  	[tilespmem:s24+$0x2810] =	vst v0  }
0x1d: {  	[tilespmem:s24+$0x2820] =	vst v0  }
0x1e: {  	[tilespmem:s24+$0x2830] =	vst v0  }
0x1f: {  	[tilespmem:s24+$0x2840] =	vst v0  }
0x20: {  	[tilespmem:s24+$0x2850] =	vst v0  }
0x21: {  	[tilespmem:s24+$0x2860] =	vst v0  }
0x22: {  	[spmem:s5] =	stream.linear.scatter [tilespmem:s14], [sflag:$0x3], $0x4000, $0x38;
	[tilespmem:$0x1E100] =	vst v63  }
0x23: {  	_ =	swait.ge [sflag:s15], $0x4000  }
0x24: {  	[sflag:s15] =	ssyncset.done $0x0  }
0x25: {  	[sflag:s15] =	ssyncadd.s32 $0xFFFFC000  }
0x26: {  	[spmem:s6] =	stream.linear.scatter [tilespmem:s14], [sflag:$0x3], $0x4000, $0x38;
	[tilespmem:$0x1E100] =	vst v63  }
0x27: {  	_ =	swait.ge [sflag:s15], $0x4000  }
0x28: {  	[sflag:s15] =	ssyncset.done $0x0  }
0x29: {  	[sflag:s15] =	ssyncadd.s32 $0xFFFFC000  }
0x2a: {  	[spmem:s7] =	stream.linear.scatter [tilespmem:s14], [sflag:$0x3], $0x4000, $0x38;
	[tilespmem:$0x1E100] =	vst v63  }
0x2b: {  	_ =	swait.ge [sflag:s15], $0x4000  }
0x2c: {  	[sflag:s15] =	ssyncset.done $0x0  }
0x2d: {  	[sflag:s15] =	ssyncadd.s32 $0xFFFFC000  }
0x2e: {  	[spmem:s8] =	stream.linear.scatter [tilespmem:s14], [sflag:$0x3], $0x4000, $0x38;
	[tilespmem:$0x1E100] =	vst v63  }
0x2f: {  	_ =	swait.ge [sflag:s15], $0x4000  }
0x30: {  	[sflag:s15] =	ssyncset.done $0x0  }
0x31: {  	[sflag:s15] =	ssyncadd.s32 $0xFFFFC000  }
0x32: {  	[spmem:s9] =	stream.linear.scatter [tilespmem:s14], [sflag:$0x3], $0x3900, $0x38;
	[tilespmem:$0x1E100] =	vst v63  }
0x33: {  	_ =	swait.ge [sflag:s15], $0x3900  }
0x34: {  	[sflag:s15] =	ssyncset.done $0x0  }
0x35: {  	s26 =	simm.s32 $0x0;
	[sflag:s15] =	ssyncadd.s32 $0xFFFFC700  }
0x36: {  	[tilespmem:s26], [sflag:$0x3] =	stream.linear.gather [hbm4b:s10+s26], $0x1400, $0x38;
	[tilespmem:$0x1E100] =	vst v63  }
0x37: {  	_ =	swait.ge [sflag:s15], $0x1400  }
0x38: {  	[sflag:s15] =	ssyncset.done $0x0  }
0x39: {  	[sflag:s15] =	ssyncadd.s32 $0xFFFFEC00  }
0x3a: {  	[tilespmem:s16], [sflag:$0x3] =	stream.linear.gather [hbm4b:s11+s26], $0x1400, $0x38;
	[tilespmem:$0x1E100] =	vst v63  }
0x3b: {  	_ =	swait.ge [sflag:s15], $0x1400  }
0x3c: {  	[sflag:s15] =	ssyncset.done $0x0  }
0x3d: {  	[sflag:s15] =	ssyncadd.s32 $0xFFFFEC00  }
0x3e: {  	[bflag:$0x0] =	sbarrier.arrive $0xFFFF  }
0x3f: {  	[tilespmem:s14], [sflag:$0x1] =	stream.indirect.gather [hbm4b:s2+s17], $0x80, s26, s17, $0xb8;
	[tilespmem:$0x1E100] =	vst v63  }
0x40: {  	s28 =	simm.s32 $0x80  }
0x41: {  	[tilespmem:s18], [sflag:$0x2] =	stream.indirect.gather [hbm4b:s2+s17], $0x80, s28, s17, $0xb8;
	[tilespmem:$0x1E100] =	vst v63  }
0x42: {  	_ =	swait.ge [sflag:s19], $0x4000  }
0x43: {  	[sflag:s19] =	ssyncset.done $0x0  }
0x44: {  	s29 =	simm.s32 $0x1400;
	[sflag:s19] =	ssyncadd.s32 $0xFFFFC000  }
0x45: {  	[spmem:s3] =	stream.indirect.scatter.add.f32 [tilespmem:s14], [sflag:$0x3], $0x80, s29, s17, $0xb8;
	[tilespmem:$0x1E100] =	vst v63  }
0x46: {  	_ =	swait.ge [sflag:s15], $0x4000  }
0x47: {  	[sflag:s15] =	ssyncset.done $0x0  }
0x48: {  	s30 =	simm.s32 $0x100;
	[sflag:s15] =	ssyncadd.s32 $0xFFFFC000  }
0x49: {  	[tilespmem:s14], [sflag:$0x1] =	stream.indirect.gather [hbm4b:s2+s17], $0x80, s30, s17, $0xb8;
	[tilespmem:$0x1E100] =	vst v63  }
0x4a: {  	_ =	swait.ge [sflag:s20], $0x4000  }
0x4b: {  	[sflag:s20] =	ssyncset.done $0x0  }
0x4c: {  	s31 =	simm.s32 $0x1480;
	[sflag:s20] =	ssyncadd.s32 $0xFFFFC000  }
0x4d: {  	[spmem:s3] =	stream.indirect.scatter.add.f32 [tilespmem:s18], [sflag:$0x3], $0x80, s31, s17, $0xb8;
	[tilespmem:$0x1E100] =	vst v63  }
0x4e: {  	_ =	swait.ge [sflag:s15], $0x4000  }
0x4f: {  	s25 =	simm.s32 $0x800;
	s24 =	simm.s32 $0x100;
	[sflag:s15] =	ssyncset.done $0x0  }
.LBB2_4:
0x50: {  	s26 =	sadd.s32 $0x80, s24  }
0x51: {  	[sflag:s15] =	ssyncadd.s32 $0xFFFFC000;
	s28 =	smov.u32 s25;
	s29 =	sadd.s32 $0x400, s25  }
0x52: {  	[tilespmem:s18], [sflag:$0x2] =	stream.indirect.gather [hbm4b:s2+s17], $0x80, s26, s17, $0xb8;
	[tilespmem:$0x1E100] =	vst v63  }
0x53: {  	p0 =	sne.s32 s25, $0x4800;
	_ =	swait.ge [sflag:s19], $0x4000  }
0x54: {  	[sflag:s19] =	ssyncset.done $0x0  }
0x55: {  	s25 =	sadd.s32 $0x1400, s24;
	[sflag:s19] =	ssyncadd.s32 $0xFFFFC000  }
0x56: {  	[spmem:s3] =	stream.indirect.scatter.add.f32 [tilespmem:s14], [sflag:$0x3], $0x80, s25, s17, $0xb8;
	[tilespmem:$0x1E100] =	vst v63  }
0x57: {  	_ =	swait.ge [sflag:s15], $0x4000  }
0x58: {  	[sflag:s15] =	ssyncset.done $0x0  }
0x59: {  	s25 =	sadd.s32 $0x100, s24;
	[sflag:s15] =	ssyncadd.s32 $0xFFFFC000  }
0x5a: {  	[tilespmem:s14], [sflag:$0x1] =	stream.indirect.gather [hbm4b:s2+s17], $0x80, s25, s17, $0xb8;
	[tilespmem:$0x1E100] =	vst v63  }
0x5b: {  	_ =	swait.ge [sflag:s20], $0x4000  }
.Ltmp1:
0x5c: {  	[sflag:s20] =	ssyncset.done $0x0;
	(pc) =	sbr.rel @p0 .LBB2_4-.Ltmp1, $4  }
0x5d: {  	s24 =	sadd.s32 $0x1480, s24;
	[sflag:s20] =	ssyncadd.s32 $0xFFFFC000  }
0x5e: {  	[spmem:s3] =	stream.indirect.scatter.add.f32 [tilespmem:s18], [sflag:$0x3], $0x80, s24, s17, $0xb8;
	[tilespmem:$0x1E100] =	vst v63  }
0x5f: {  	_ =	swait.ge [sflag:s15], $0x4000  }
0x60: {  	s25 =	smov.u32 s29;
	s24 =	sshra.s32 s28, $0x2;
	[sflag:s15] =	ssyncset.done $0x0  }
0x61: {  	s25 =	sadd.s32 $0x80, s24;
	[sflag:s15] =	ssyncadd.s32 $0xFFFFC000  }
0x62: {  	[tilespmem:s18], [sflag:$0x2] =	stream.indirect.gather [hbm4b:s2+s17], $0x80, s25, s17, $0xb8;
	[tilespmem:$0x1E100] =	vst v63  }
0x63: {  	_ =	swait.ge [sflag:s19], $0x4000  }
0x64: {  	[sflag:s19] =	ssyncset.done $0x0  }
0x65: {  	s26 =	sadd.s32 $0x1400, s24;
	[sflag:s19] =	ssyncadd.s32 $0xFFFFC000  }
0x66: {  	[spmem:s3] =	stream.indirect.scatter.add.f32 [tilespmem:s14], [sflag:$0x3], $0x80, s26, s17, $0xb8;
	[tilespmem:$0x1E100] =	vst v63  }
0x67: {  	_ =	swait.ge [sflag:s15], $0x4000  }
0x68: {  	[sflag:s15] =	ssyncset.done $0x0  }
0x69: {  	s28 =	sadd.s32 $0x100, s24;
	[sflag:s15] =	ssyncadd.s32 $0xFFFFC000  }
0x6a: {  	[tilespmem:s14], [sflag:$0x1] =	stream.indirect.gather [hbm4b:s2+s17], $0x80, s28, s17, $0xb8;
	[tilespmem:$0x1E100] =	vst v63  }
0x6b: {  	_ =	swait.ge [sflag:s20], $0x4000  }
0x6c: {  	[sflag:s20] =	ssyncset.done $0x0  }
0x6d: {  	s29 =	sadd.s32 $0x1480, s24;
	[sflag:s20] =	ssyncadd.s32 $0xFFFFC000  }
0x6e: {  	[spmem:s3] =	stream.indirect.scatter.add.f32 [tilespmem:s18], [sflag:$0x3], $0x80, s29, s17, $0xb8;
	[tilespmem:$0x1E100] =	vst v63  }
0x6f: {  	_ =	swait.ge [sflag:s15], $0x4000  }
0x70: {  	[sflag:s15] =	ssyncset.done $0x0  }
0x71: {  	[sflag:s15] =	ssyncadd.s32 $0xFFFFC000  }
0x72: {  	[tilespmem:s18], [sflag:$0x2] =	stream.indirect.gather [hbm4b:s2+s17], $0x80, s21, s17, $0xb8;
	[tilespmem:$0x1E100] =	vst v63  }
0x73: {  	_ =	swait.ge [sflag:s19], $0x4000  }
0x74: {  	[sflag:s19] =	ssyncset.done $0x0  }
0x75: {  	[sflag:s19] =	ssyncadd.s32 $0xFFFFC000  }
0x76: {  	[spmem:s3] =	stream.indirect.scatter.add.f32 [tilespmem:s14], [sflag:$0x3], $0x80, s22, s17, $0xb8;
	[tilespmem:$0x1E100] =	vst v63  }
0x77: {  	_ =	swait.ge [sflag:s15], $0x4000  }
0x78: {  	[sflag:s15] =	ssyncset.done $0x0  }
0x79: {  	[sflag:s15] =	ssyncadd.s32 $0xFFFFC000  }
0x7a: {  	_ =	swait.ge [sflag:s20], $0x4000  }
0x7b: {  	[sflag:s20] =	ssyncset.done $0x0  }
0x7c: {  	[sflag:s20] =	ssyncadd.s32 $0xFFFFC000  }
0x7d: {  	[spmem:s3] =	stream.indirect.scatter.add.f32 [tilespmem:s18], [sflag:$0x3], $0x80, s23, s17, $0xb8;
	[tilespmem:$0x1E100] =	vst v63  }
0x7e: {  	_ =	swait.ge [sflag:s15], $0x4000  }
0x7f: {  	s30 =	sshll.u32 s1, $0x6;
	s4 =	sadd.s32 $0x1, s4;
	[sflag:s15] =	ssyncset.done $0x0  }
0x80: {  	s31 =	sshrl.u32 s5, $0x3;
	p0 =	sne.s32 s4, s13;
	[sflag:s15] =	ssyncadd.s32 $0xFFFFC000  }
.Ltmp2:
0x81: {  	s24 =	sor.u32 $0x1C03, s30;
	[bflag:$0x0] =	sbarrier.arrive $0xFFFF;
	(pc) =	sbr.rel @p0 .LBB2_1-.Ltmp2, $4  }
0x82: {  	[hbm:s12], [sflag:s24] =	dma.local [spmem:s31], $0x2720  }
0x83: {  	_ =	swait.ge [sflag:s15], $0x2720  }
0x84: {  	[sflag:s15] =	ssyncset.done $0x0  }
0x85: {  	[sflag:s15] =	ssyncadd.s32 $0xFFFFD8E0  }
0x86: {  	_ =	sfence.sel $0x180000  }
0x87: {  	[bflag:$0x0] =	sbarrier.arrive $0xFFFF  }
0x88: {  	p0 =	sne.s32 s1, $0x0;
	_ =	strace $0x90000053  }
0x89: {  	s0 =	sadd.s32 @!p0 $0x100000, s0;
	[bflag:$0x2] =	sbarrier.arrive $0xFFFF  }
0x8a: {  	[sflag:s0] =	ssyncadd.tile.s32 @!p0 $0x1;
	_ =	shalt  }
.Lfunc_end2:
_tile_overlayer_lowered:
.L_overlay_start_2:
0x8b: {  	(tag) =	ssettag $0x2  }
0x8c: {  	s0 =	rddreg [dreg:$0x0];
	s2 =	stileid.u32  }
0x8d: {  	s1 =	rddreg [dreg:$0x1];
	p0 =	sne.s32 s2, $0x0  }
0x8e: {  	s3 =	rddreg [dreg:$0x2];
	[bflag:$0x3] =	sbarrier.arrive $0xFFFF;
	s2 =	simm.s32 @!p0 $0x1C03  }
0x8f: {  	[timem:s3], [sflag:s2] =	dma.local @!p0 [hbm:s0], s1  }
0x90: {  	s0 =	simm.s32 @!p0 $0x3  }
0x91: {  	_ =	swait.ge @!p0 [sflag:s0], s1  }
0x92: {  	s1 =	ssub.s32 @!p0 $0x0, s1;
	[sflag:s0] =	ssyncset.done @!p0 $0x0  }
0x93: {  	[sflag:s0] =	ssyncadd.s32 @!p0 s1  }
0x94: {  	[bflag:$0x3] =	sbarrier.arrive $0xFFFF  }
0x95: {  	_ =	shalt  }

// kernel: kernel.22.cloned.1.call-start
scs
__scs_entry_jumppad:
0x0: {  	(pc) =	sbr.rel $0x88, $3  }
0x1: {  	(tag) =	ssettag $0x0;
	lr =	simm.s32 $0x1  }
0x2: {  	[smem:$0x3F9B] =	sst lr;
	_ =	strace $0xD0000000  }
0x3: {  	_ = 	snop  }
0x4: {  	_ = 	snop  }
0x5: {  	_ = 	snop  }
0x6: {  	_ = 	snop  }
0x7: {  	_ = 	snop  }
__scs_overlays_trampoline_lowered:
0x8: {  	[smem:$0x3FAA] =	sst s0  }
0x9: {  	[smem:$0x3FAB] =	sst s1  }
0xa: {  	[smem:$0x3FAC] =	sst s2  }
0xb: {  	[smem:$0x3FAD] =	sst s3  }
0xc: {  	[smem:$0x3FAE] =	sst s4  }
0xd: {  	[smem:$0x3FAF] =	sst s5  }
0xe: {  	[smem:$0x3FB0] =	sst s6  }
0xf: {  	[smem:$0x3FB1] =	sst s7  }
0x10: {  	[smem:$0x3FB2] =	sst s8  }
0x11: {  	[smem:$0x3FB3] =	sst s9;
	s0 =	simm.s32 @!p0 $0x0  }
0x12: {  	s1 =	sld [smem:$0x3F99];
	s0 =	simm.s32 @p0 $0x1  }
0x13: {  	[smem:$0x3FB4] =	sst s0;
	s0 =	simm.s32 @!p1 $0x0  }
0x14: {  	s2 =	sld [smem:$0x3F98];
	s0 =	simm.s32 @p1 $0x1  }
0x15: {  	[smem:$0x3FB5] =	sst s0;
	s0 =	simm.s32 @!p2 $0x0  }
0x16: {  	s3 =	sld [smem:$0x3FDB];
	s0 =	simm.s32 @p2 $0x1  }
0x17: {  	s4 =	simm.s32 $0x1BF5;
	[smem:$0x3FB7] =	sst s0  }
0x18: {  	s0 =	sld [smem:$0x3F9A];
	_ =	swait.ge [sflag:s4], $0x0  }
0x19: {  	s7 =	sld [smem:$0x3F9B]  }
0x1a: {  	s8 =	sadd.s32 $0xFFFFE003, lr  }
0x1b: {  	s9 =	sadd.s32 $0xFFFFFEF7, lr;
	s5 =	simm.s32 $0xFFFFFFFF;
	p2 =	slt.u32 s8, $0xFFFFF086  }
0x1c: {  	p1 =	slt.u32 s9, $0xF7A;
	s5 =	simm.s32 @!p2 $0x0  }
0x1d: {  	s5 =	simm.s32 @p1 $0x1;
	p0 =	seq.s32 s7, s2  }
0x1e: {  	s7 =	smul.u32 @!p0 $0xF7A, s2;
	p2 =	seq.s32 @!p0 s5, $0x0  }
0x1f: {  	s9 =	smul.u32 $0xF7A, s1;
	s8 =	simm.s32 @!p0 $0x1BF5;
	p2 =	por !p2, p0  }
0x20: {  	[sflag:s8] =	ssyncset.s32 @!p0 $0xFFFFF086;
	s6 =	sadd.s32 @!p0 s3, s7;
	s7 =	simm.s32 @!p0 $0x108  }
0x21: {  	s3 =	sadd.s32 s3, s9;
	s6 =	sadd.s32 @!p0 $0x88, s6;
	s7 =	simm.s32 @p2 $0x1082  }
0x22: {  	[simem:s7], [sflag:s8] =	dma.local @!p0 [hbm:s6], $0xF7A  }
0x23: {  	s9 =	sor.u32 $0xD0000000, s2;
	s6 =	simm.s32 $0x108;
	_ =	swait.ge @!p0 [sflag:s8], $0x0  }
0x24: {  	s3 =	sadd.s32 $0x88, s3;
	s6 =	simm.s32 @!p1 $0x1082;
	[sflag:s4] =	ssyncset.s32 $0xFFFFF086  }
0x25: {  	[simem:s6], [sflag:s4] =	dma.local [hbm:s3], $0xF7A  }
0x26: {  	[smem:$0x3F9B] =	sst s1;
	(tag) =	ssettag s2;
	_ =	strace s9  }
0x27: {  	s1 =	sld [smem:$0x3FAB]  }
0x28: {  	s2 =	sld [smem:$0x3FAC]  }
0x29: {  	s4 =	sld [smem:$0x3FAE]  }
0x2a: {  	p0 =	seq.s32 s5, $0x0;
	s5 =	sld [smem:$0x3FAF]  }
0x2b: {  	s6 =	sld [smem:$0x3FB0]  }
0x2c: {  	s7 =	sld [smem:$0x3FB1]  }
0x2d: {  	s3 =	simm.s32 $0x108;
	s8 =	sld [smem:$0x3FB2]  }
0x2e: {  	s3 =	simm.s32 @!p0 $0x1082;
	s9 =	sld [smem:$0x3FB3]  }
0x2f: {  	lr =	sadd.s32 s0, s3;
	s0 =	sld [smem:$0x3FAA]  }
0x30: {  	s3 =	sld [smem:$0x3FAD]  }
0x31: {  	[smem:$0x3FB6] =	sst s10  }
0x32: {  	s10 =	sld [smem:$0x3FB4];
	_ =	sdelay $0x3  }
0x33: {  	p0 =	seq.s32 s10, $0x1;
	s10 =	sld [smem:$0x3FB6];
	_ =	sdelay $0x3  }
0x34: {  	[smem:$0x3FB6] =	sst s10  }
0x35: {  	s10 =	sld [smem:$0x3FB5];
	_ =	sdelay $0x3  }
0x36: {  	p1 =	seq.s32 s10, $0x1;
	s10 =	sld [smem:$0x3FB6];
	_ =	sdelay $0x3  }
0x37: {  	[smem:$0x3FB6] =	sst s10  }
0x38: {  	s10 =	sld [smem:$0x3FB7]  }
0x39: {  	_ = 	snop;
	(pc) =	sbr.ind lr, $3  }
0x3a: {  	_ = 	snop  }
0x3b: {  	_ = 	snop  }
0x3c: {  	p2 =	seq.s32 s10, $0x1;
	s10 =	sld [smem:$0x3FB6]  }
0x3d: {  	_ =	shalt  }
0x3e: {  	_ =	shalt  }
0x3f: {  	_ =	shalt  }
0x40: {  	_ =	shalt  }
0x41: {  	_ =	shalt  }
0x42: {  	_ =	shalt  }
0x43: {  	_ =	shalt  }
0x44: {  	_ =	shalt  }
0x45: {  	_ =	shalt  }
0x46: {  	_ =	shalt  }
0x47: {  	_ =	shalt  }
0x48: {  	_ =	shalt  }
0x49: {  	_ =	shalt  }
0x4a: {  	_ =	shalt  }
0x4b: {  	_ =	shalt  }
0x4c: {  	_ =	shalt  }
0x4d: {  	_ =	shalt  }
0x4e: {  	_ =	shalt  }
0x4f: {  	_ =	shalt  }
0x50: {  	_ =	shalt  }
0x51: {  	_ =	shalt  }
0x52: {  	_ =	shalt  }
0x53: {  	_ =	shalt  }
0x54: {  	_ =	shalt  }
0x55: {  	_ =	shalt  }
0x56: {  	_ =	shalt  }
0x57: {  	_ =	shalt  }
0x58: {  	_ =	shalt  }
0x59: {  	_ =	shalt  }
0x5a: {  	_ =	shalt  }
0x5b: {  	_ =	shalt  }
0x5c: {  	_ =	shalt  }
0x5d: {  	_ =	shalt  }
0x5e: {  	_ =	shalt  }
0x5f: {  	_ =	shalt  }
0x60: {  	_ =	shalt  }
0x61: {  	_ =	shalt  }
0x62: {  	_ =	shalt  }
0x63: {  	_ =	shalt  }
0x64: {  	_ =	shalt  }
0x65: {  	_ =	shalt  }
0x66: {  	_ =	shalt  }
0x67: {  	_ =	shalt  }
0x68: {  	_ =	shalt  }
0x69: {  	_ =	shalt  }
0x6a: {  	_ =	shalt  }
0x6b: {  	_ =	shalt  }
0x6c: {  	_ =	shalt  }
0x6d: {  	_ =	shalt  }
0x6e: {  	_ =	shalt  }
0x6f: {  	_ =	shalt  }
0x70: {  	_ =	shalt  }
0x71: {  	_ =	shalt  }
0x72: {  	_ =	shalt  }
0x73: {  	_ =	shalt  }
0x74: {  	_ =	shalt  }
0x75: {  	_ =	shalt  }
0x76: {  	_ =	shalt  }
0x77: {  	_ =	shalt  }
0x78: {  	_ =	shalt  }
0x79: {  	_ =	shalt  }
0x7a: {  	_ =	shalt  }
0x7b: {  	_ =	shalt  }
0x7c: {  	_ =	shalt  }
0x7d: {  	_ =	shalt  }
0x7e: {  	_ =	shalt  }
0x7f: {  	_ =	shalt  }
0x80: {  	_ =	shalt  }
0x81: {  	_ =	shalt  }
0x82: {  	_ =	shalt  }
0x83: {  	_ =	shalt  }
0x84: {  	_ =	shalt  }
0x85: {  	_ =	shalt  }
0x86: {  	_ =	shalt  }
0x87: {  	_ =	shalt  }
.Lfunc_end0:
.L_simem_size_0:
called_computation.4_lowered:
.L_overlay_start_0:
0x88: {  	s2 =	sld [smem:$0x3FD9]  }
0x89: {  	s3 =	sld [smem:$0x3FFE];
	_ =	sdelay $0x1  }
0x8a: {  	s1 =	srdreg.scid  }
0x8b: {  	s0 =	sand.u32 $0x1, s1  }
0x8c: {  	s17 =	sshll.u32 s0, $0xA;
	s2 =	sadd.s32 s3, s2  }
0x8d: {  	s2 =	sadd.s32 s2, s17  }
0x8e: {  	[smem:$0x3FC2] =	sst s2  }
0x8f: {  	_ = 	snop  }
0x90: {  	s2 =	sld [smem:$0x3FD0];
	(tm) =	ssettm $0x1  }
0x91: {  	s18 =	sld [smem:$0x3FFB];
	_ =	sdelay $0x3  }
0x92: {  	_ =	strace s18  }
0x93: {  	s3 =	sld [smem:$0x3FFC];
	_ =	sdelay $0x3  }
0x94: {  	_ =	strace s3  }
0x95: {  	s3 =	sld [smem:$0x3FFD];
	_ =	sdelay $0x3  }
0x96: {  	_ =	strace s3  }
0x97: {  	_ =	strace $0x8FFFFFFF  }
0x98: {  	s19 =	sld [smem:$0x3FDB];
	_ =	sdelay $0x1  }
0x99: {  	s4 =	simm.s32 $_scs_section_size  }
0x9a: {  	s5 =	simm.s32 $_size__tile_overlayer_lowered;
	s6 =	simm.s32 $_tile_overlayer_lowered  }
0x9b: {  	s22 =	simm.s32 $0x1BFF;
	s21 =	sshll.u32 s6, $0x1;
	s3 =	sadd.s32 s4, s19  }
0x9c: {  	s7 =	simm.s32 $0x0;
	s20 =	sshll.u32 s5, $0x1;
	s5 =	sadd.s32 s21, s3  }
0x9d: {  	[timem:s7], [sflag:s22] =	dma.local [hbm:s5], s20  }
0x9e: {  	_ =	swait.ge [sflag:s22], s20  }
0x9f: {  	s4 =	ssub.s32 $0x0, s20;
	[sflag:s22] =	ssyncset.done $0x0  }
0xa0: {  	[sflag:s22] =	ssyncadd.s32 s4;
	_ =	sdelay $0x1  }
0xa1: {  	s23 =	simm.s32 $0x1B8B  }
0xa2: {  	_ =	swait.ge [sflag:s23], $0x1  }
0xa3: {  	[sflag:s23] =	ssyncset.done $0x0  }
0xa4: {  	s25 =	simm.s32 $0x1B8E;
	s24 =	sld [smem:$0x3FFE];
	[sflag:s23] =	ssyncadd.s32 $0xFFFFFFFF  }
0xa5: {  	s26 =	simm.s32 $execute0_lowered;
	[smem:$0x3FD2] =	sst s25  }
0xa6: {  	s5 =	sshll.u32 s26, $0x1;
	_ =	strace $0x8000004F;
	[dreg:$0x1] =	wrdreg $0xFFFFFFFF  }
0xa7: {  	s28 =	simm.s32 $_size_execute0_lowered;
	s3 =	sadd.s32 s3, s5;
	[dreg:$0x0] =	wrdreg $0x0  }
0xa8: {  	s5 =	sshll.u32 s28, $0x1;
	[dreg:$0x2] =	wrdreg s3  }
0xa9: {  	[dreg:$0x3] =	wrdreg s5  }
0xaa: {  	[dreg:$0x4] =	wrdreg $0xC0  }
0xab: {  	_ =	task [dreg:s7], $0x5FFFF  }
0xac: {  	[dreg:$0x1] =	wrdreg $0xFFFFFFFF  }
0xad: {  	[dreg:$0x0] =	wrdreg $0x60  }
0xae: {  	[dreg:$0x2] =	wrdreg s24  }
0xaf: {  	[dreg:$0x3] =	wrdreg s2  }
0xb0: {  	[dreg:$0x4] =	wrdreg $0xA8000  }
0xb1: {  	[dreg:$0x5] =	wrdreg $0xA  }
0xb2: {  	_ =	task.clear_ibuf [dreg:s7], $0x6FFFF;
	_ =	strace $0x9000004F  }
0xb3: {  	s29 =	simm.s32 $0xA;
	_ =	strace $0x80000051  }
0xb4: {  	_ =	swait.ge [sflag:s29], $0x1  }
0xb5: {  	[sflag:s29] =	ssyncadd.s32 $0xFFFFFFFF  }
0xb6: {  	_ =	strace $0x90000051  }
0xb7: {  	_ =	sfence  }
0xb8: {  	s30 =	sld [smem:$0x0];
	_ =	sdelay $0x2  }
0xb9: {  	s31 =	sshll.u32 s1, $0xD;
	s1 =	sshrl.u32 s1, $0x2  }
0xba: {  	s3 =	sand.u32 $0x4000, s31;
	s1 =	sadd.s32 s1, s30  }
0xbb: {  	s0 =	sor.u32 s3, s0;
	s1 =	sshll.u32 s1, $0x11  }
0xbc: {  	s0 =	sor.u32 s1, s0  }
0xbd: {  	s0 =	sadd.s32 $0x8F2B, s0  }
0xbe: {  	[sflag:s0] =	ssyncadd.remote.s32 $0x1  }
0xbf: {  	_ =	sfence.sel $0xFFFF  }
0xc0: {  	[dreg:$0x0] =	wrdreg $0xFFFFFFFF;
	(pc) =	sbr.abs _section_cstart, $3  }
0xc1: {  	[dreg:$0x1] =	wrdreg $0xFFFFFFFF  }
0xc2: {  	_ =	task.clear_ibuf [dreg:s7], $0x2FFFF;
	_ =	strace $0x9FFFFFFF  }
0xc3: {  	(tm) =	ssettm $0x7FFFFFFF  }
tec
execute0_lowered:
.L_overlay_start_1:
0x0: {  	(tag) =	ssettag $0x1  }
0x1: {  	s5 =	rddreg [dreg:$0x0]  }
0x2: {  	s2 =	rddreg [dreg:$0x1];
	s0 =	srdreg.scid  }
0x3: {  	s3 =	rddreg [dreg:$0x2];
	s1 =	stileid.u32  }
0x4: {  	s4 =	simm.s32 $0x0;
	s14 =	simm.s32 $0x2800;
	s15 =	simm.s32 $0x3  }
0x5: {  	s16 =	simm.s32 $0x1400;
	s17 =	simm.s32 $0x80;
	s18 =	simm.s32 $0x6800  }
0x6: {  	s19 =	simm.s32 $0x1;
	s20 =	simm.s32 $0x2;
	s21 =	simm.s32 $0x1380  }
0x7: {  	s22 =	simm.s32 $0x2700;
	s23 =	simm.s32 $0x2780;
	s8 =	smul.u32 $0x13900, s1  }
0x8: {  	s6 =	sand.u32 $0x1, s0;
	s0 =	rddreg [dreg:$0x3];
	s10 =	smul.u32 $0x4E400, s1  }
0x9: {  	[smem:$0x7FF] =	sst s4;
	s7 =	sshll.u32 s6, $0x4;
	s9 =	smul.u32 $0x139000, s6  }
0xa: {  	_ =	strace $0x80000050;
	s6 =	ssub.s32 $0x2, s6;
	s7 =	sor.u32 s1, s7  }
0xb: {  	s29 =	sshrl.u32 s6, $0x1;
	s30 =	sshrl.u32 s10, $0x2;
	s7 =	smul.u32 $0x280, s7  }
0xc: {  	s9 =	sadd.s32 s8, s9;
	s13 =	ssub.s32 s6, s29;
	s31 =	sadd.s32 s30, s3  }
0xd: {  	s28 =	sshrl.u32 s9, $0x3;
	s6 =	sadd.s32 $0x4000, s31;
	s9 =	sadd.s32 $0x10000, s31  }
0xe: {  	s13 =	smax.u32 s13, $0x1;
	s11 =	sadd.s32 s7, s5;
	s12 =	sadd.s32 s28, s5  }
0xf: {  	s5 =	sadd.s32 s8, s3;
	s7 =	sadd.s32 $0x8000, s31;
	s8 =	sadd.s32 $0xC000, s31  }
0x10: {  	v0 =	vimm.f32 $0.0e+00;
	s10 =	sadd.s32 $0xB6C00, s11;
	s11 =	sadd.s32 $0xB1C00, s11;
	s12 =	sadd.s32 $0xE00, s12  }
.LBB2_1:
0x11: {  	s24 =	simm.s32 $0x0;
	s25 =	simm.s32 $0x200  }
.LBB2_2:
0x12: {  	p0 =	sne.s32 s25, $0xFE00;
	[tilespmem:s24+$0x2870] =	vst v0  }
0x13: {  	[tilespmem:s24+$0x2800] =	vst v0  }
0x14: {  	[tilespmem:s24+$0x2810] =	vst v0  }
.Ltmp0:
0x15: {  	[tilespmem:s24+$0x2820] =	vst v0;
	(pc) =	sbr.rel @p0 .LBB2_2-.Ltmp0, $4  }
0x16: {  	[tilespmem:s24+$0x2830] =	vst v0  }
0x17: {  	[tilespmem:s24+$0x2840] =	vst v0  }
0x18: {  	[tilespmem:s24+$0x2850] =	vst v0  }
0x19: {  	[tilespmem:s24+$0x2860] =	vst v0;
	s24 =	sshra.s32 s25, $0x2;
	s25 =	sadd.s32 $0x200, s25  }
0x1a: {  	[tilespmem:s24+$0x2870] =	vst v0  }
0x1b: {  	[tilespmem:s24+$0x2800] =	vst v0  }
0x1c: {  	[tilespmem:s24+$0x2810] =	vst v0  }
0x1d: {  	[tilespmem:s24+$0x2820] =	vst v0  }
0x1e: {  	[tilespmem:s24+$0x2830] =	vst v0  }
0x1f: {  	[tilespmem:s24+$0x2840] =	vst v0  }
0x20: {  	[tilespmem:s24+$0x2850] =	vst v0  }
0x21: {  	[tilespmem:s24+$0x2860] =	vst v0  }
0x22: {  	[spmem:s5] =	stream.linear.scatter [tilespmem:s14], [sflag:$0x3], $0x4000, $0x38;
	[tilespmem:$0x1E100] =	vst v63  }
0x23: {  	_ =	swait.ge [sflag:s15], $0x4000  }
0x24: {  	[sflag:s15] =	ssyncset.done $0x0  }
0x25: {  	[sflag:s15] =	ssyncadd.s32 $0xFFFFC000  }
0x26: {  	[spmem:s6] =	stream.linear.scatter [tilespmem:s14], [sflag:$0x3], $0x4000, $0x38;
	[tilespmem:$0x1E100] =	vst v63  }
0x27: {  	_ =	swait.ge [sflag:s15], $0x4000  }
0x28: {  	[sflag:s15] =	ssyncset.done $0x0  }
0x29: {  	[sflag:s15] =	ssyncadd.s32 $0xFFFFC000  }
0x2a: {  	[spmem:s7] =	stream.linear.scatter [tilespmem:s14], [sflag:$0x3], $0x4000, $0x38;
	[tilespmem:$0x1E100] =	vst v63  }
0x2b: {  	_ =	swait.ge [sflag:s15], $0x4000  }
0x2c: {  	[sflag:s15] =	ssyncset.done $0x0  }
0x2d: {  	[sflag:s15] =	ssyncadd.s32 $0xFFFFC000  }
0x2e: {  	[spmem:s8] =	stream.linear.scatter [tilespmem:s14], [sflag:$0x3], $0x4000, $0x38;
	[tilespmem:$0x1E100] =	vst v63  }
0x2f: {  	_ =	swait.ge [sflag:s15], $0x4000  }
0x30: {  	[sflag:s15] =	ssyncset.done $0x0  }
0x31: {  	[sflag:s15] =	ssyncadd.s32 $0xFFFFC000  }
0x32: {  	[spmem:s9] =	stream.linear.scatter [tilespmem:s14], [sflag:$0x3], $0x3900, $0x38;
	[tilespmem:$0x1E100] =	vst v63  }
0x33: {  	_ =	swait.ge [sflag:s15], $0x3900  }
0x34: {  	[sflag:s15] =	ssyncset.done $0x0  }
0x35: {  	s26 =	simm.s32 $0x0;
	[sflag:s15] =	ssyncadd.s32 $0xFFFFC700  }
0x36: {  	[tilespmem:s26], [sflag:$0x3] =	stream.linear.gather [hbm4b:s10+s26], $0x1400, $0x38;
	[tilespmem:$0x1E100] =	vst v63  }
0x37: {  	_ =	swait.ge [sflag:s15], $0x1400  }
0x38: {  	[sflag:s15] =	ssyncset.done $0x0  }
0x39: {  	[sflag:s15] =	ssyncadd.s32 $0xFFFFEC00  }
0x3a: {  	[tilespmem:s16], [sflag:$0x3] =	stream.linear.gather [hbm4b:s11+s26], $0x1400, $0x38;
	[tilespmem:$0x1E100] =	vst v63  }
0x3b: {  	_ =	swait.ge [sflag:s15], $0x1400  }
0x3c: {  	[sflag:s15] =	ssyncset.done $0x0  }
0x3d: {  	[sflag:s15] =	ssyncadd.s32 $0xFFFFEC00  }
0x3e: {  	[bflag:$0x0] =	sbarrier.arrive $0xFFFF  }
0x3f: {  	[tilespmem:s14], [sflag:$0x1] =	stream.indirect.gather [hbm4b:s2+s17], $0x80, s26, s17, $0xb8;
	[tilespmem:$0x1E100] =	vst v63  }
0x40: {  	s28 =	simm.s32 $0x80  }
0x41: {  	[tilespmem:s18], [sflag:$0x2] =	stream.indirect.gather [hbm4b:s2+s17], $0x80, s28, s17, $0xb8;
	[tilespmem:$0x1E100] =	vst v63  }
0x42: {  	_ =	swait.ge [sflag:s19], $0x4000  }
0x43: {  	[sflag:s19] =	ssyncset.done $0x0  }
0x44: {  	s29 =	simm.s32 $0x1400;
	[sflag:s19] =	ssyncadd.s32 $0xFFFFC000  }
0x45: {  	[spmem:s3] =	stream.indirect.scatter.add.f32 [tilespmem:s14], [sflag:$0x3], $0x80, s29, s17, $0xb8;
	[tilespmem:$0x1E100] =	vst v63  }
0x46: {  	_ =	swait.ge [sflag:s15], $0x4000  }
0x47: {  	[sflag:s15] =	ssyncset.done $0x0  }
0x48: {  	s30 =	simm.s32 $0x100;
	[sflag:s15] =	ssyncadd.s32 $0xFFFFC000  }
0x49: {  	[tilespmem:s14], [sflag:$0x1] =	stream.indirect.gather [hbm4b:s2+s17], $0x80, s30, s17, $0xb8;
	[tilespmem:$0x1E100] =	vst v63  }
0x4a: {  	_ =	swait.ge [sflag:s20], $0x4000  }
0x4b: {  	[sflag:s20] =	ssyncset.done $0x0  }
0x4c: {  	s31 =	simm.s32 $0x1480;
	[sflag:s20] =	ssyncadd.s32 $0xFFFFC000  }
0x4d: {  	[spmem:s3] =	stream.indirect.scatter.add.f32 [tilespmem:s18], [sflag:$0x3], $0x80, s31, s17, $0xb8;
	[tilespmem:$0x1E100] =	vst v63  }
0x4e: {  	_ =	swait.ge [sflag:s15], $0x4000  }
0x4f: {  	s25 =	simm.s32 $0x800;
	s24 =	simm.s32 $0x100;
	[sflag:s15] =	ssyncset.done $0x0  }
.LBB2_4:
0x50: {  	s26 =	sadd.s32 $0x80, s24  }
0x51: {  	[sflag:s15] =	ssyncadd.s32 $0xFFFFC000;
	s28 =	smov.u32 s25;
	s29 =	sadd.s32 $0x400, s25  }
0x52: {  	[tilespmem:s18], [sflag:$0x2] =	stream.indirect.gather [hbm4b:s2+s17], $0x80, s26, s17, $0xb8;
	[tilespmem:$0x1E100] =	vst v63  }
0x53: {  	p0 =	sne.s32 s25, $0x4800;
	_ =	swait.ge [sflag:s19], $0x4000  }
0x54: {  	[sflag:s19] =	ssyncset.done $0x0  }
0x55: {  	s25 =	sadd.s32 $0x1400, s24;
	[sflag:s19] =	ssyncadd.s32 $0xFFFFC000  }
0x56: {  	[spmem:s3] =	stream.indirect.scatter.add.f32 [tilespmem:s14], [sflag:$0x3], $0x80, s25, s17, $0xb8;
	[tilespmem:$0x1E100] =	vst v63  }
0x57: {  	_ =	swait.ge [sflag:s15], $0x4000  }
0x58: {  	[sflag:s15] =	ssyncset.done $0x0  }
0x59: {  	s25 =	sadd.s32 $0x100, s24;
	[sflag:s15] =	ssyncadd.s32 $0xFFFFC000  }
0x5a: {  	[tilespmem:s14], [sflag:$0x1] =	stream.indirect.gather [hbm4b:s2+s17], $0x80, s25, s17, $0xb8;
	[tilespmem:$0x1E100] =	vst v63  }
0x5b: {  	_ =	swait.ge [sflag:s20], $0x4000  }
.Ltmp1:
0x5c: {  	[sflag:s20] =	ssyncset.done $0x0;
	(pc) =	sbr.rel @p0 .LBB2_4-.Ltmp1, $4  }
0x5d: {  	s24 =	sadd.s32 $0x1480, s24;
	[sflag:s20] =	ssyncadd.s32 $0xFFFFC000  }
0x5e: {  	[spmem:s3] =	stream.indirect.scatter.add.f32 [tilespmem:s18], [sflag:$0x3], $0x80, s24, s17, $0xb8;
	[tilespmem:$0x1E100] =	vst v63  }
0x5f: {  	_ =	swait.ge [sflag:s15], $0x4000  }
0x60: {  	s25 =	smov.u32 s29;
	s24 =	sshra.s32 s28, $0x2;
	[sflag:s15] =	ssyncset.done $0x0  }
0x61: {  	s25 =	sadd.s32 $0x80, s24;
	[sflag:s15] =	ssyncadd.s32 $0xFFFFC000  }
0x62: {  	[tilespmem:s18], [sflag:$0x2] =	stream.indirect.gather [hbm4b:s2+s17], $0x80, s25, s17, $0xb8;
	[tilespmem:$0x1E100] =	vst v63  }
0x63: {  	_ =	swait.ge [sflag:s19], $0x4000  }
0x64: {  	[sflag:s19] =	ssyncset.done $0x0  }
0x65: {  	s26 =	sadd.s32 $0x1400, s24;
	[sflag:s19] =	ssyncadd.s32 $0xFFFFC000  }
0x66: {  	[spmem:s3] =	stream.indirect.scatter.add.f32 [tilespmem:s14], [sflag:$0x3], $0x80, s26, s17, $0xb8;
	[tilespmem:$0x1E100] =	vst v63  }
0x67: {  	_ =	swait.ge [sflag:s15], $0x4000  }
0x68: {  	[sflag:s15] =	ssyncset.done $0x0  }
0x69: {  	s28 =	sadd.s32 $0x100, s24;
	[sflag:s15] =	ssyncadd.s32 $0xFFFFC000  }
0x6a: {  	[tilespmem:s14], [sflag:$0x1] =	stream.indirect.gather [hbm4b:s2+s17], $0x80, s28, s17, $0xb8;
	[tilespmem:$0x1E100] =	vst v63  }
0x6b: {  	_ =	swait.ge [sflag:s20], $0x4000  }
0x6c: {  	[sflag:s20] =	ssyncset.done $0x0  }
0x6d: {  	s29 =	sadd.s32 $0x1480, s24;
	[sflag:s20] =	ssyncadd.s32 $0xFFFFC000  }
0x6e: {  	[spmem:s3] =	stream.indirect.scatter.add.f32 [tilespmem:s18], [sflag:$0x3], $0x80, s29, s17, $0xb8;
	[tilespmem:$0x1E100] =	vst v63  }
0x6f: {  	_ =	swait.ge [sflag:s15], $0x4000  }
0x70: {  	[sflag:s15] =	ssyncset.done $0x0  }
0x71: {  	[sflag:s15] =	ssyncadd.s32 $0xFFFFC000  }
0x72: {  	[tilespmem:s18], [sflag:$0x2] =	stream.indirect.gather [hbm4b:s2+s17], $0x80, s21, s17, $0xb8;
	[tilespmem:$0x1E100] =	vst v63  }
0x73: {  	_ =	swait.ge [sflag:s19], $0x4000  }
0x74: {  	[sflag:s19] =	ssyncset.done $0x0  }
0x75: {  	[sflag:s19] =	ssyncadd.s32 $0xFFFFC000  }
0x76: {  	[spmem:s3] =	stream.indirect.scatter.add.f32 [tilespmem:s14], [sflag:$0x3], $0x80, s22, s17, $0xb8;
	[tilespmem:$0x1E100] =	vst v63  }
0x77: {  	_ =	swait.ge [sflag:s15], $0x4000  }
0x78: {  	[sflag:s15] =	ssyncset.done $0x0  }
0x79: {  	[sflag:s15] =	ssyncadd.s32 $0xFFFFC000  }
0x7a: {  	_ =	swait.ge [sflag:s20], $0x4000  }
0x7b: {  	[sflag:s20] =	ssyncset.done $0x0  }
0x7c: {  	[sflag:s20] =	ssyncadd.s32 $0xFFFFC000  }
0x7d: {  	[spmem:s3] =	stream.indirect.scatter.add.f32 [tilespmem:s18], [sflag:$0x3], $0x80, s23, s17, $0xb8;
	[tilespmem:$0x1E100] =	vst v63  }
0x7e: {  	_ =	swait.ge [sflag:s15], $0x4000  }
0x7f: {  	s30 =	sshll.u32 s1, $0x6;
	s4 =	sadd.s32 $0x1, s4;
	[sflag:s15] =	ssyncset.done $0x0  }
0x80: {  	s31 =	sshrl.u32 s5, $0x3;
	p0 =	sne.s32 s4, s13;
	[sflag:s15] =	ssyncadd.s32 $0xFFFFC000  }
.Ltmp2:
0x81: {  	s24 =	sor.u32 $0x1C03, s30;
	[bflag:$0x0] =	sbarrier.arrive $0xFFFF;
	(pc) =	sbr.rel @p0 .LBB2_1-.Ltmp2, $4  }
0x82: {  	[hbm:s12], [sflag:s24] =	dma.local [spmem:s31], $0x2720  }
0x83: {  	_ =	swait.ge [sflag:s15], $0x2720  }
0x84: {  	[sflag:s15] =	ssyncset.done $0x0  }
0x85: {  	[sflag:s15] =	ssyncadd.s32 $0xFFFFD8E0  }
0x86: {  	_ =	sfence.sel $0x180000  }
0x87: {  	[bflag:$0x0] =	sbarrier.arrive $0xFFFF  }
0x88: {  	p0 =	sne.s32 s1, $0x0;
	_ =	strace $0x90000050  }
0x89: {  	s0 =	sadd.s32 @!p0 $0x100000, s0;
	[bflag:$0x2] =	sbarrier.arrive $0xFFFF  }
0x8a: {  	[sflag:s0] =	ssyncadd.tile.s32 @!p0 $0x1;
	_ =	shalt  }
.Lfunc_end2:
_tile_overlayer_lowered:
.L_overlay_start_2:
0x8b: {  	(tag) =	ssettag $0x2  }
0x8c: {  	s0 =	rddreg [dreg:$0x0];
	s2 =	stileid.u32  }
0x8d: {  	s1 =	rddreg [dreg:$0x1];
	p0 =	sne.s32 s2, $0x0  }
0x8e: {  	s3 =	rddreg [dreg:$0x2];
	[bflag:$0x3] =	sbarrier.arrive $0xFFFF;
	s2 =	simm.s32 @!p0 $0x1C03  }
0x8f: {  	[timem:s3], [sflag:s2] =	dma.local @!p0 [hbm:s0], s1  }
0x90: {  	s0 =	simm.s32 @!p0 $0x3  }
0x91: {  	_ =	swait.ge @!p0 [sflag:s0], s1  }
0x92: {  	s1 =	ssub.s32 @!p0 $0x0, s1;
	[sflag:s0] =	ssyncset.done @!p0 $0x0  }
0x93: {  	[sflag:s0] =	ssyncadd.s32 @!p0 s1  }
0x94: {  	[bflag:$0x3] =	sbarrier.arrive $0xFFFF  }
0x95: {  	_ =	shalt  }

</sc_bundles>
